<compile_context>
chip_gen: v7x
topology: tpu7x:2x2x1
jax: 0.10.2.dev20260603
libtpu: 0.0.44.dev20260713+nightly
codegen_flags: <defaults>
</compile_context>

<pallas_src>
import functools

import jax
import jax.numpy as jnp
from jax import lax
from jax.experimental import pallas as pl
from jax.experimental.pallas import tpu as pltpu
from jax.experimental.pallas import tpu_sc as plsc

_N = 10000
_D = 128
_S = 2500
_R2 = 0.3 * 0.3
_K = 64
_NP = 10240
_SP = 2560
_PER = 80
_NG = _NP // 16


def _fps_body(px_ref, py_ref, pz_ref, sel_ref, pdx_ref, pdy_ref, pdz_ref):
    px = px_ref[:]
    py = py_ref[:]
    pz = pz_ref[:]
    r = lax.broadcasted_iota(jnp.int32, (80, 128), 0)
    c = lax.broadcasted_iota(jnp.int32, (80, 128), 1)
    lin = r * 128 + c
    validm = lin < _N
    zero = jnp.float32(0.0)

    eq0 = lin == 0
    px0 = jnp.sum(jnp.where(eq0, px, zero), axis=(0, 1), keepdims=True)
    py0 = jnp.sum(jnp.where(eq0, py, zero), axis=(0, 1), keepdims=True)
    pz0 = jnp.sum(jnp.where(eq0, pz, zero), axis=(0, 1), keepdims=True)
    dx = px - px0
    dy = py - py0
    dz = pz - pz0
    mind = dx * dx + dy * dy + dz * dz
    mind = jnp.where(validm, mind, -jnp.inf)
    sel_ref[0:1, :] = jnp.zeros((1, 1), jnp.int32)
    pdx_ref[0:1, :] = px0
    pdy_ref[0:1, :] = py0
    pdz_ref[0:1, :] = pz0

    big = jnp.int32(2**30)

    def body(i, mind):
        colmax = jnp.max(mind, axis=0, keepdims=True)
        m = jnp.max(colmax, axis=1, keepdims=True)
        eqm = mind == m
        a0 = jnp.min(jnp.where(eqm, lin, big), axis=0, keepdims=True)
        fm = lin == a0
        ax = jnp.sum(jnp.where(fm, px, zero), axis=0, keepdims=True)
        ay = jnp.sum(jnp.where(fm, py, zero), axis=0, keepdims=True)
        az = jnp.sum(jnp.where(fm, pz, zero), axis=0, keepdims=True)
        nxtv = jnp.min(a0, axis=1, keepdims=True)
        lm = a0 == nxtv
        packed = jnp.where(lm, jnp.concatenate([ax, ay, az], axis=0), zero)
        red3 = jnp.sum(packed, axis=1, keepdims=True)
        pxv = red3[0:1, :]
        pyv = red3[1:2, :]
        pzv = red3[2:3, :]
        ddx = px - pxv
        ddy = py - pyv
        ddz = pz - pzv
        d = ddx * ddx + ddy * ddy + ddz * ddz
        sel_ref[pl.ds(i, 1), :] = nxtv
        pdx_ref[pl.ds(i, 1), :] = pxv
        pdy_ref[pl.ds(i, 1), :] = pyv
        pdz_ref[pl.ds(i, 1), :] = pzv
        return jnp.minimum(mind, d)

    lax.fori_loop(1, _S, body, mind)


def _fps(px2d, py2d, pz2d):
    return pl.pallas_call(
        _fps_body,
        out_shape=[
            jax.ShapeDtypeStruct((_S, 1), jnp.int32),
            jax.ShapeDtypeStruct((_S, 1), jnp.float32),
            jax.ShapeDtypeStruct((_S, 1), jnp.float32),
            jax.ShapeDtypeStruct((_S, 1), jnp.float32),
        ],
    )(px2d, py2d, pz2d)


def _u_body(x_ref, p_ref, wa_ref, wb_ref, o_ref):
    o_ref[:] = jnp.dot(
        x_ref[:], wa_ref[:], preferred_element_type=jnp.float32
    ) + jnp.dot(p_ref[:], wb_ref[:], preferred_element_type=jnp.float32)


def _u_matmul(xp, posp8, wa, wbp):
    return pl.pallas_call(
        _u_body,
        grid=(20,),
        in_specs=[
            pl.BlockSpec((512, _D), lambda i: (i, 0)),
            pl.BlockSpec((512, 8), lambda i: (i, 0)),
            pl.BlockSpec((_D, _D), lambda i: (0, 0)),
            pl.BlockSpec((8, _D), lambda i: (0, 0)),
        ],
        out_specs=pl.BlockSpec((512, _D), lambda i: (i, 0)),
        out_shape=jax.ShapeDtypeStruct((_NP, _D), jnp.float32),
    )(xp, posp8, wa, wbp)


def _hm_body(cx_ref, cy_ref, cz_ref, px_ref, py_ref, pz_ref, par_ref,
             pk_ref, o_ref):
    r2 = par_ref[0]
    cxv = cx_ref[:]
    cyv = cy_ref[:]
    czv = cz_ref[:]
    for j in range(10):
        sl = slice(j * 1024, (j + 1) * 1024)
        dx = cxv - px_ref[:, sl]
        dy = cyv - py_ref[:, sl]
        dz = czv - pz_ref[:, sl]
        d2 = dx * dx + dy * dy + dz * dz
        hit = (d2 <= r2).astype(jnp.float32)
        w = jnp.dot(hit, pk_ref[:], preferred_element_type=jnp.float32)
        o_ref[:, j * 64:(j + 1) * 64] = w.astype(jnp.int32)


def _hitwords(cx, cy, cz, px1, py1, pz1, par, pack):
    return pl.pallas_call(
        _hm_body,
        grid=(20,),
        in_specs=[
            pl.BlockSpec((128, 1), lambda i: (i, 0)),
            pl.BlockSpec((128, 1), lambda i: (i, 0)),
            pl.BlockSpec((128, 1), lambda i: (i, 0)),
            pl.BlockSpec((1, _NP), lambda i: (0, 0)),
            pl.BlockSpec((1, _NP), lambda i: (0, 0)),
            pl.BlockSpec((1, _NP), lambda i: (0, 0)),
            pl.BlockSpec(memory_space=pltpu.SMEM),
            pl.BlockSpec((1024, 64), lambda i: (0, 0)),
        ],
        out_specs=pl.BlockSpec((128, _NG), lambda i: (i, 0)),
        out_shape=jax.ShapeDtypeStruct((_SP, _NG), jnp.int32),
    )(cx, cy, cz, px1, py1, pz1, par, pack)


def _sc_gather_max(mkflat, u):
    mesh = plsc.VectorSubcoreMesh(core_axis_name="c", subcore_axis_name="s")

    @functools.partial(
        pl.kernel,
        out_type=jax.ShapeDtypeStruct((_SP * _D,), jnp.float32),
        mesh=mesh,
        compiler_params=pltpu.CompilerParams(needs_layout_passes=False),
        scratch_types=[
            pltpu.VMEM((_PER * _NG,), jnp.int32),
            pltpu.VMEM((_PER,), jnp.int32),
            pltpu.VMEM((_PER,), jnp.int32),
            pltpu.VMEM((_PER, _D), jnp.float32),
            pltpu.VMEM((_PER * _D,), jnp.float32),
            pltpu.SemaphoreType.DMA,
        ],
    )
    def sc_kernel(mk_hbm, u_hbm, m_hbm,
                  mk_v, wlist_v, cand_v, rows_v, m_v, sem):
        wid = lax.axis_index("s") * 2 + lax.axis_index("c")
        base = wid * _PER

        pltpu.sync_copy(mk_hbm.at[pl.ds(base * _NG, _PER * _NG)], mk_v)
        lanes = lax.broadcasted_iota(jnp.int32, (16,), 0)

        def center(cl, carry):
            rowv = jnp.full((16,), cl, jnp.int32) + jnp.full(
                (16,), base, jnp.int32)
            for g in range(5):
                cand_v[pl.ds(g * 16, 16)] = rowv

            def scan_step(s, wcnt):
                wv = mk_v[pl.ds(cl * _NG + s * 16, 16)]
                nz = wv != 0

                def proc(wc):
                    cum = plsc.cumsum(jnp.where(nz, 1, 0).astype(jnp.int32))
                    off = wc + cum - 1
                    ok = nz & (off < _PER)
                    gv = jnp.full((16,), s * 16, jnp.int32) + lanes
                    plsc.store_scatter(wlist_v, [off], gv, mask=ok)
                    return wc + plsc.all_reduce_population_count(nz)

                return lax.cond(jnp.any(nz), proc, lambda wc: wc, wcnt)

            wcnt = lax.fori_loop(0, _NG // 16, scan_step,
                                 jnp.zeros((16,), jnp.int32))
            nw = jnp.minimum(lax.reduce_max(wcnt, axes=(0,)),
                             jnp.int32(_PER))

            def word_step(t, cnt):
                tv = jnp.full((16,), t, jnp.int32)
                gv = plsc.load_gather(wlist_v, [tv])
                wv = plsc.load_gather(
                    mk_v, [gv + jnp.full((16,), cl * _NG, jnp.int32)])
                hit = ((wv >> lanes) & 1) == 1
                cum = plsc.cumsum(jnp.where(hit, 1, 0).astype(jnp.int32))
                off = cnt + cum
                ok = hit & (off <= _K)
                jv = gv * 16 + lanes
                plsc.store_scatter(cand_v, [off], jv, mask=ok)
                return cnt + plsc.all_reduce_population_count(hit)

            cnt = lax.fori_loop(0, nw, word_step,
                                jnp.zeros((16,), jnp.int32))
            cnt_s = lax.reduce_max(cnt, axes=(0,))
            ne = 1 + jnp.minimum(cnt_s, jnp.int32(_K))
            nch = (ne + 15) // 16

            def fire_chunk(k, carry):
                pltpu.async_copy(
                    u_hbm.at[cand_v.at[pl.ds(k * 16, 16)]],
                    rows_v.at[pl.ds(k * 16, 16), :], sem)
                return carry

            lax.fori_loop(0, nch, fire_chunk, jnp.int32(0))

            def drain_chunk(k, carry):
                pltpu.make_async_copy(
                    u_hbm.at[cand_v.at[pl.ds(k * 16, 16)]],
                    rows_v.at[pl.ds(k * 16, 16), :], sem).wait()
                return carry

            lax.fori_loop(0, nch, drain_chunk, jnp.int32(0))

            def max_chunk(k, acc):
                new = []
                for dreg in range(8):
                    a = acc[dreg]
                    for rr in range(16):
                        a = jnp.maximum(
                            a, rows_v[k * 16 + rr, pl.ds(dreg * 16, 16)])
                    new.append(a)
                return tuple(new)

            acc0 = tuple(
                jnp.full((16,), -jnp.inf, jnp.float32) for _ in range(8)
            )
            acc = lax.fori_loop(0, nch, max_chunk, acc0)

            clv = jnp.full((16,), cl, jnp.int32)
            mbase = clv * _D + lanes
            for dreg in range(8):
                plsc.store_scatter(
                    m_v, [mbase + jnp.full((16,), dreg * 16, jnp.int32)],
                    acc[dreg])
            return carry

        lax.fori_loop(0, _PER, center, jnp.int32(0))
        pltpu.sync_copy(m_v, m_hbm.at[pl.ds(base * _D, _PER * _D)])

    return sc_kernel(mkflat, u)


def _tail_body(m_ref, pd_ref, wb_ref, b1_ref, w2_ref, b2_ref, o_ref):
    v = jnp.dot(pd_ref[:], wb_ref[:], preferred_element_type=jnp.float32)
    t = jnp.maximum(m_ref[:] - v + b1_ref[0:1, :], 0.0)
    y = jnp.dot(t, w2_ref[:], preferred_element_type=jnp.float32) + b2_ref[0:1, :]
    o_ref[:] = jnp.maximum(y, 0.0)


def _tail(m, pd8, wbp, b1, w2, b2):
    return pl.pallas_call(
        _tail_body,
        grid=(5,),
        in_specs=[
            pl.BlockSpec((512, _D), lambda i: (i, 0)),
            pl.BlockSpec((512, 8), lambda i: (i, 0)),
            pl.BlockSpec((8, _D), lambda i: (0, 0)),
            pl.BlockSpec((1, _D), lambda i: (0, 0)),
            pl.BlockSpec((_D, _D), lambda i: (0, 0)),
            pl.BlockSpec((1, _D), lambda i: (0, 0)),
        ],
        out_specs=pl.BlockSpec((512, _D), lambda i: (i, 0)),
        out_shape=jax.ShapeDtypeStruct((_SP, _D), jnp.float32),
    )(m, pd8, wbp, b1, w2, b2)


def kernel(x, pos, training, W1, b1, W2, b2):
    x = x.astype(jnp.float32)
    pos = pos.astype(jnp.float32)

    padn = _NP - _N
    px = jnp.concatenate([pos[:, 0], jnp.full((padn,), 1e9, jnp.float32)])
    py = jnp.concatenate([pos[:, 1], jnp.full((padn,), 1e9, jnp.float32)])
    pz = jnp.concatenate([pos[:, 2], jnp.full((padn,), 1e9, jnp.float32)])

    sel, pdx, pdy, pdz = _fps(
        px.reshape(80, 128), py.reshape(80, 128), pz.reshape(80, 128))
    sel = sel.reshape(_S)
    pdx = pdx.reshape(_S)
    pdy = pdy.reshape(_S)
    pdz = pdz.reshape(_S)

    pads = _SP - _S
    cpad = jnp.full((pads,), 2e9, jnp.float32)
    cx = jnp.concatenate([pdx, cpad]).reshape(_SP, 1)
    cy = jnp.concatenate([pdy, cpad]).reshape(_SP, 1)
    cz = jnp.concatenate([pdz, cpad]).reshape(_SP, 1)

    xp = jnp.pad(x, ((0, padn), (0, 0)))
    posp8 = jnp.pad(pos, ((0, padn), (0, 5)))
    wa = W1[:_D]
    wbp = jnp.pad(W1[_D:], ((0, 5), (0, 0)))
    u = _u_matmul(xp, posp8, wa, wbp)

    r2eff = jnp.where(training, jnp.float32(_R2), jnp.float32(-1.0))
    par = r2eff.reshape(1)

    p_ids = jnp.arange(1024, dtype=jnp.int32)
    w_ids = jnp.arange(64, dtype=jnp.int32)
    pack = jnp.where(
        (p_ids[:, None] // 16) == w_ids[None, :],
        jnp.exp2((p_ids % 16).astype(jnp.float32))[:, None],
        0.0,
    )

    mk = _hitwords(cx, cy, cz, px.reshape(1, _NP), py.reshape(1, _NP),
                   pz.reshape(1, _NP), par, pack)

    mflat = _sc_gather_max(mk.reshape(-1), u)
    m = mflat.reshape(_SP, _D)

    pd = jnp.stack([pdx, pdy, pdz], axis=1)
    pd8 = jnp.pad(pd, ((0, pads), (0, 5)))
    y = _tail(m, pd8, wbp, b1.reshape(1, _D), W2, b2.reshape(1, _D))
    return y[:_S], pd[:_S]

# --- scband reference (transcript-rebuilt; emitter-appended) ---
"""Pipeline reference for scband-samodule-19207093748187 (READ-ONLY COPY).

The authoritative reference and input builder live on the scoring server;
editing this copy changes nothing except your own understanding.
"""

import jax, jax.numpy as jnp
import numpy as np

N = 10000
D = 128
RATIO = 0.25
R = 0.3
MAX_NEIGHBORS = 64
EVAL_NEIGHBORS = 512


def fps(pos, n_sample):
    # farthest point sampling, deterministic start at index 0
    n = pos.shape[0]
    sel0 = jnp.zeros((n_sample,), dtype=jnp.int32)
    mind0 = jnp.sum((pos - pos[0]) ** 2, axis=1).astype(jnp.float32)

    def body(i, state):
        sel, mind = state
        nxt = jnp.argmax(mind).astype(jnp.int32)
        sel = sel.at[i].set(nxt)
        d = jnp.sum((pos - pos[nxt]) ** 2, axis=1)
        mind = jnp.minimum(mind, d)
        return (sel, mind)

    sel, _ = jax.lax.fori_loop(1, n_sample, body, (sel0, mind0))
    return sel


def setup_inputs(seed: int = 0):
    key = jax.random.key(seed)
    ks = jax.random.split(key, 4)
    x = jax.random.normal(ks[0], (N, D), dtype=jnp.float32)
    pos = jax.random.normal(ks[1], (N, 3), dtype=jnp.float32)
    W1 = jax.random.normal(ks[2], (D + 3, D), dtype=jnp.float32) * (1.0 / np.sqrt(D + 3))
    b1 = jnp.zeros((D,), dtype=jnp.float32)
    W2 = jax.random.normal(ks[3], (D, D), dtype=jnp.float32) * (1.0 / np.sqrt(D))
    b2 = jnp.zeros((D,), dtype=jnp.float32)
    return {"x": x, "pos": pos, "training": True, "W1": W1, "b1": b1, "W2": W2, "b2": b2}


def reference(x, pos, training, W1, b1, W2, b2):
    n = pos.shape[0]
    n_sample = int(np.ceil(RATIO * n))
    idx = fps(pos, n_sample)
    pos_dst = jnp.take(pos, idx, axis=0)
    k = MAX_NEIGHBORS

    # radius search: for each sampled center, first k points within R (by index order, like PyG radius)
    d2 = jnp.sum((pos_dst[:, None, :] - pos[None, :, :]) ** 2, axis=-1)  # [S, N]
    within = (d2 <= R * R) & training
    neg_idx = -jnp.arange(n, dtype=jnp.float32)
    score = jnp.where(within, neg_idx[None, :], -jnp.inf)
    top_scores, src = jax.lax.top_k(score, k)  # picks smallest valid indices first
    valid = top_scores > -jnp.inf

    dst = jnp.broadcast_to(jnp.arange(n_sample, dtype=jnp.int32)[:, None], (n_sample, k))
    src_f = src.reshape(-1).astype(jnp.int32)
    dst_f = dst.reshape(-1)
    valid_f = valid.reshape(-1) & (src_f != dst_f)  # remove_self_loops (numeric, as in PyG)

    # add_self_loops (i, i) for each target node (PointNetConv add_self_loops=True)
    self_nodes = jnp.arange(n_sample, dtype=jnp.int32)
    src_all = jnp.concatenate([src_f, self_nodes])
    dst_all = jnp.concatenate([dst_f, self_nodes])
    valid_all = jnp.concatenate([valid_f, jnp.ones((n_sample,), dtype=bool)])

    # PointConv message: local_nn(concat(x_j, pos_j - pos_i)); aggr='max'; then global_nn
    x_j = jnp.take(x, src_all, axis=0)
    pos_j = jnp.take(pos, src_all, axis=0)
    pos_i = jnp.take(pos_dst, dst_all, axis=0)
    z = jnp.concatenate([x_j, pos_j - pos_i], axis=1)
    h = jax.nn.relu(z @ W1 + b1)
    seg = jnp.where(valid_all, dst_all, n_sample)  # invalid edges -> dropped segment
    agg = jax.ops.segment_max(h, seg, num_segments=n_sample + 1)[:n_sample]
    y = jax.nn.relu(agg @ W2 + b2)
    return (y, pos_dst)

if __name__ == "__main__":
    import jax
    _d = setup_inputs()
    print(jax.jit(kernel)(*tuple(_d.values())))

</pallas_src>

<mosaic_0001>
#map = affine_map<(d0, d1) -> (0)>
#map1 = affine_map<(d0, d1) -> (0, 0)>
module attributes {stable_mosaic.version = 14 : i64} {
  func.func @sc_kernel(%arg0: i32, %arg1: i32, %arg2: memref<1638400xi32, #tpu.memory_space<hbm>>, %arg3: memref<10240x128xf32, #tpu.memory_space<hbm>>, %arg4: memref<327680xf32, #tpu.memory_space<hbm>>, %arg5: memref<51200xi32, #tpu.memory_space<vmem>>, %arg6: memref<80xi32, #tpu.memory_space<vmem>>, %arg7: memref<80xi32, #tpu.memory_space<vmem>>, %arg8: memref<80x128xf32, #tpu.memory_space<vmem>>, %arg9: memref<10240xf32, #tpu.memory_space<vmem>>, %arg10: memref<!tpu.dma_semaphore, #tpu.memory_space<semaphore_mem>>) attributes {dimension_semantics = [#tpu.dimension_semantics<core_parallel>, #tpu.dimension_semantics<subcore_parallel>], iteration_bounds = array<i64: 2, 16>, scalar_prefetch = 0 : i64, scratch_operands = 6 : i64, tpu.core_type = #tpu.core_type<sc_vector_subcore>, window_params = [{transform_indices = #map}, {transform_indices = #map1}, {transform_indices = #map}]} {
    %mul3A = arith.constant 2 : i32
    %mul3A_0 = arith.muli %arg1, %mul3A : i32
    %add3A = arith.addi %mul3A_0, %arg0 : i32
    %mul3A_1 = arith.constant 80 : i32
    %mul3A_2 = arith.muli %add3A, %mul3A_1 : i32
    %mul3A_3 = arith.constant 640 : i32
    %mul3A_4 = arith.muli %mul3A_2, %mul3A_3 : i32
    "tpu.region"() ({
      %run_scoped3A = tpu.sem_alloc : memref<!tpu.dma_semaphore, #tpu.memory_space<semaphore_mem>>
      %dma_start3A = tpu.memref_slice %arg2[%mul3A_4] : memref<1638400xi32, #tpu.memory_space<hbm>> -> memref<51200xi32, #tpu.memory_space<hbm>>
      %dma_start3A_12 = tpu.memref_slice %arg2[%mul3A_4] : memref<1638400xi32, #tpu.memory_space<hbm>> -> memref<51200xi32, #tpu.memory_space<hbm>>
      tpu.enqueue_dma source(%dma_start3A_12 : memref<51200xi32, #tpu.memory_space<hbm>>) target(%arg5 : memref<51200xi32, #tpu.memory_space<vmem>>) target_semaphore(%run_scoped3A : memref<!tpu.dma_semaphore, #tpu.memory_space<semaphore_mem>>)
      %dma_wait3A = tpu.memref_slice %arg2[%mul3A_4] : memref<1638400xi32, #tpu.memory_space<hbm>> -> memref<51200xi32, #tpu.memory_space<hbm>>
      %dma_wait3A_13 = tpu.memref_slice %arg2[%mul3A_4] : memref<1638400xi32, #tpu.memory_space<hbm>> -> memref<51200xi32, #tpu.memory_space<hbm>>
      tpu.wait_dma2 semaphore(%run_scoped3A : memref<!tpu.dma_semaphore, #tpu.memory_space<semaphore_mem>>) src(%dma_wait3A_13 : memref<51200xi32, #tpu.memory_space<hbm>>) dst(%arg5 : memref<51200xi32, #tpu.memory_space<vmem>>)
      tpu.yield
    }) : () -> ()
    %iota3A = tpu.iota {dimensions = array<i32: 0>} : vector<16xi32>
    %scan3A = arith.constant 0 : i32
    %scan3A_5 = arith.constant 0 : i32
    %scan3A_6 = arith.constant 80 : i32
    %scan3A_7 = arith.addi %scan3A_5, %scan3A_6 : i32
    %scan3A_8 = arith.constant 1 : i32
    scf.for %scan3A_12 = %scan3A_5 to %scan3A_7 step %scan3A_8  : i32 {
      %broadcast_in_dim3A = vector.broadcast %scan3A_12 : i32 to vector<16xi32>
      %broadcast_in_dim3A_13 = vector.broadcast %mul3A_2 : i32 to vector<16xi32>
      %add3A_14 = arith.addi %broadcast_in_dim3A, %broadcast_in_dim3A_13 : vector<16xi32>
      %swap3A = arith.constant 0 : index
      %swap3A_15 = tpu.vector_load %arg7[%swap3A] {strides = array<i32>} : memref<80xi32, #tpu.memory_space<vmem>>, vector<16xi32>,
      tpu.vector_store %arg7[%swap3A], %add3A_14 {strides = array<i32>} : memref<80xi32, #tpu.memory_space<vmem>>, vector<16xi32>,
      %swap3A_16 = arith.constant 16 : index
      %swap3A_17 = tpu.vector_load %arg7[%swap3A_16] {strides = array<i32>} : memref<80xi32, #tpu.memory_space<vmem>>, vector<16xi32>,
      tpu.vector_store %arg7[%swap3A_16], %add3A_14 {strides = array<i32>} : memref<80xi32, #tpu.memory_space<vmem>>, vector<16xi32>,
      %swap3A_18 = arith.constant 32 : index
      %swap3A_19 = tpu.vector_load %arg7[%swap3A_18] {strides = array<i32>} : memref<80xi32, #tpu.memory_space<vmem>>, vector<16xi32>,
      tpu.vector_store %arg7[%swap3A_18], %add3A_14 {strides = array<i32>} : memref<80xi32, #tpu.memory_space<vmem>>, vector<16xi32>,
      %swap3A_20 = arith.constant 48 : index
      %swap3A_21 = tpu.vector_load %arg7[%swap3A_20] {strides = array<i32>} : memref<80xi32, #tpu.memory_space<vmem>>, vector<16xi32>,
      tpu.vector_store %arg7[%swap3A_20], %add3A_14 {strides = array<i32>} : memref<80xi32, #tpu.memory_space<vmem>>, vector<16xi32>,
      %swap3A_22 = arith.constant 64 : index
      %swap3A_23 = tpu.vector_load %arg7[%swap3A_22] {strides = array<i32>} : memref<80xi32, #tpu.memory_space<vmem>>, vector<16xi32>,
      tpu.vector_store %arg7[%swap3A_22], %add3A_14 {strides = array<i32>} : memref<80xi32, #tpu.memory_space<vmem>>, vector<16xi32>,
      %broadcast_in_dim3A_24 = arith.constant 0 : i32
      %broadcast_in_dim3A_25 = vector.broadcast %broadcast_in_dim3A_24 : i32 to vector<16xi32>
      %scan3A_26 = arith.constant 0 : i32
      %scan3A_27 = arith.constant 40 : i32
      %scan3A_28 = arith.addi %scan3A_26, %scan3A_27 : i32
      %scan3A_29 = arith.constant 1 : i32
      %scan3A_30 = scf.for %scan3A_158 = %scan3A_26 to %scan3A_28 step %scan3A_29 iter_args(%scan3A_159 = %broadcast_in_dim3A_25) -> (vector<16xi32>)  : i32 {
        %mul3A_160 = arith.constant 640 : i32
        %mul3A_161 = arith.muli %scan3A_12, %mul3A_160 : i32
        %mul3A_162 = arith.constant 16 : i32
        %mul3A_163 = arith.muli %scan3A_158, %mul3A_162 : i32
        %add3A_164 = arith.addi %mul3A_161, %mul3A_163 : i32
        %get3A = arith.index_cast %add3A_164 : i32 to index
        %get3A_165 = tpu.vector_load %arg5[%get3A] {strides = array<i32>} : memref<51200xi32, #tpu.memory_space<vmem>>, vector<16xi32>,
        %ne3A_166 = arith.constant 0 : i32
        %ne3A_167 = vector.broadcast %ne3A_166 : i32 to vector<16xi32>
        %ne3A_168 = arith.cmpi ne, %get3A_165, %ne3A_167 : vector<16xi32>
        %reduce_or3A = arith.constant 1.000000e+00 : f32
        %reduce_or3A_169 = arith.constant 0.000000e+00 : f32
        %reduce_or3A_170 = vector.broadcast %reduce_or3A : f32 to vector<16xf32>
        %reduce_or3A_171 = vector.broadcast %reduce_or3A_169 : f32 to vector<16xf32>
        %reduce_or3A_172 = arith.select %ne3A_168, %reduce_or3A_170, %reduce_or3A_171 : vector<16xi1>, vector<16xf32>
        %reduce_or3A_173 = arith.constant true
        %reduce_or3A_174 = vector.broadcast %reduce_or3A_173 : i1 to vector<16xi1>
        %reduce_or3A_175 = tpu.scan <max>, %reduce_or3A_172 masked %reduce_or3A_174 : vector<16xf32>, vector<16xi1> -> vector<16xf32>
        %reduce_or3A_176 = vector.extract %reduce_or3A_175[15] : f32 from vector<16xf32>
        %reduce_or3A_177 = arith.constant 0.000000e+00 : f32
        %reduce_or3A_178 = arith.cmpf ogt, %reduce_or3A_176, %reduce_or3A_177 : f32
        %convert_element_type3A = arith.extui %reduce_or3A_178 : i1 to i32
        %cond3A = arith.constant 0 : i32
        %cond3A_179 = arith.cmpi ne, %convert_element_type3A, %cond3A : i32
        %cond3A_180 = scf.if %cond3A_179 -> (vector<16xi32>) {
          %jit3A_181 = arith.constant 1 : i32
          %jit3A_182 = arith.constant 0 : i32
          %broadcast_in_dim3A_183 = vector.broadcast %jit3A_181 : i32 to vector<16xi32>
          %broadcast_in_dim3A_184 = vector.broadcast %jit3A_182 : i32 to vector<16xi32>
          %select_n3A_185 = arith.select %ne3A_168, %broadcast_in_dim3A_183, %broadcast_in_dim3A_184 : vector<16xi1>, vector<16xi32>
          %broadcast_in_dim3A_186 = arith.constant true
          %broadcast_in_dim3A_187 = vector.broadcast %broadcast_in_dim3A_186 : i1 to vector<16xi1>
          %masked_cumsum3A = tpu.scan <sum>, %select_n3A_185 masked %broadcast_in_dim3A_187 : vector<16xi32>, vector<16xi1> -> vector<16xi32>
          %add3A_188 = arith.addi %scan3A_159, %masked_cumsum3A : vector<16xi32>
          %sub3A_189 = arith.constant 1 : i32
          %sub3A_190 = vector.broadcast %sub3A_189 : i32 to vector<16xi32>
          %sub3A_191 = arith.subi %add3A_188, %sub3A_190 : vector<16xi32>
          %lt3A = arith.constant 80 : i32
          %lt3A_192 = vector.broadcast %lt3A : i32 to vector<16xi32>
          %lt3A_193 = arith.cmpi slt, %sub3A_191, %lt3A_192 : vector<16xi32>
          %and3A_194 = arith.andi %ne3A_168, %lt3A_193 : vector<16xi1>
          %mul3A_195 = arith.constant 16 : i32
          %mul3A_196 = arith.muli %scan3A_158, %mul3A_195 : i32
          %broadcast_in_dim3A_197 = vector.broadcast %mul3A_196 : i32 to vector<16xi32>
          %add3A_198 = arith.addi %broadcast_in_dim3A_197, %iota3A : vector<16xi32>
          tpu.vector_store_idx %arg6[%sub3A_191], %add3A_198 masked %and3A_194 : memref<80xi32, #tpu.memory_space<vmem>>[vector<16xi32>], vector<16xi32>, vector<16xi1>
          %all_reduce_population_count3A = tpu.all_reduce %ne3A_168 {dim = 0 : i64, kind = #tpu.reduction_kind<sum>} : vector<16xi1> -> vector<16xi32>
          %add3A_199 = arith.addi %scan3A_159, %all_reduce_population_count3A : vector<16xi32>
          scf.yield %add3A_199 : vector<16xi32>
        } else {
          scf.yield %scan3A_159 : vector<16xi32>
        }
        scf.yield %cond3A_180 : vector<16xi32>
      }
      %scan3A_31 = arith.constant 40 : i32
      %reduce_max3A = arith.constant true
      %reduce_max3A_32 = vector.broadcast %reduce_max3A : i1 to vector<16xi1>
      %reduce_max3A_33 = arith.constant -2147483648 : i32
      %reduce_max3A_34 = vector.broadcast %reduce_max3A_33 : i32 to vector<16xi32>
      %reduce_max3A_35 = arith.xori %scan3A_30, %reduce_max3A_34 : vector<16xi32>
      %reduce_max3A_36 = tpu.scan <max>, %reduce_max3A_35 masked %reduce_max3A_32 : vector<16xi32>, vector<16xi1> -> vector<16xi32>
      %reduce_max3A_37 = arith.xori %reduce_max3A_36, %reduce_max3A_34 : vector<16xi32>
      %reduce_max3A_38 = vector.extract %reduce_max3A_37[15] : i32 from vector<16xi32>
      %min3A = arith.constant 80 : i32
      %min3A_39 = arith.minsi %reduce_max3A_38, %min3A : i32
      %broadcast_in_dim3A_40 = arith.constant 0 : i32
      %broadcast_in_dim3A_41 = vector.broadcast %broadcast_in_dim3A_40 : i32 to vector<16xi32>
      %while3A = arith.constant 0 : i32
      %while3A_42 = arith.subi %min3A_39, %while3A : i32
      %while3A_43 = arith.addi %while3A, %while3A_42 : i32
      %while3A_44 = arith.constant 1 : i32
      %while3A_45 = arith.divsi %while3A_42, %while3A_44 : i32
      %while3A_46 = arith.muli %while3A_45, %while3A_44 : i32
      %while3A_47 = arith.addi %while3A, %while3A_46 : i32
      %while3A_48 = arith.constant 1 : i32
      %while3A_49 = scf.for %while3A_158 = %while3A to %while3A_47 step %while3A_48 iter_args(%while3A_159 = %broadcast_in_dim3A_41) -> (vector<16xi32>)  : i32 {
        %broadcast_in_dim3A_160 = vector.broadcast %while3A_158 : i32 to vector<16xi32>
        %gather3A = tpu.vector_load_idx %arg6[%broadcast_in_dim3A_160] : memref<80xi32, #tpu.memory_space<vmem>>[vector<16xi32>], vector<16xi32>,
        %mul3A_161 = arith.constant 640 : i32
        %mul3A_162 = arith.muli %scan3A_12, %mul3A_161 : i32
        %broadcast_in_dim3A_163 = vector.broadcast %mul3A_162 : i32 to vector<16xi32>
        %add3A_164 = arith.addi %gather3A, %broadcast_in_dim3A_163 : vector<16xi32>
        %gather3A_165 = tpu.vector_load_idx %arg5[%add3A_164] : memref<51200xi32, #tpu.memory_space<vmem>>[vector<16xi32>], vector<16xi32>,
        %shift_right_arithmetic3A = arith.shrsi %gather3A_165, %iota3A : vector<16xi32>
        %and3A_166 = arith.constant 1 : i32
        %and3A_167 = vector.broadcast %and3A_166 : i32 to vector<16xi32>
        %and3A_168 = arith.andi %shift_right_arithmetic3A, %and3A_167 : vector<16xi32>
        %eq3A = arith.constant 1 : i32
        %eq3A_169 = vector.broadcast %eq3A : i32 to vector<16xi32>
        %eq3A_170 = arith.cmpi eq, %and3A_168, %eq3A_169 : vector<16xi32>
        %jit3A_171 = arith.constant 1 : i32
        %jit3A_172 = arith.constant 0 : i32
        %broadcast_in_dim3A_173 = vector.broadcast %jit3A_171 : i32 to vector<16xi32>
        %broadcast_in_dim3A_174 = vector.broadcast %jit3A_172 : i32 to vector<16xi32>
        %select_n3A_175 = arith.select %eq3A_170, %broadcast_in_dim3A_173, %broadcast_in_dim3A_174 : vector<16xi1>, vector<16xi32>
        %broadcast_in_dim3A_176 = arith.constant true
        %broadcast_in_dim3A_177 = vector.broadcast %broadcast_in_dim3A_176 : i1 to vector<16xi1>
        %masked_cumsum3A = tpu.scan <sum>, %select_n3A_175 masked %broadcast_in_dim3A_177 : vector<16xi32>, vector<16xi1> -> vector<16xi32>
        %add3A_178 = arith.addi %while3A_159, %masked_cumsum3A : vector<16xi32>
        %le3A = arith.constant 64 : i32
        %le3A_179 = vector.broadcast %le3A : i32 to vector<16xi32>
        %le3A_180 = arith.cmpi sle, %add3A_178, %le3A_179 : vector<16xi32>
        %and3A_181 = arith.andi %eq3A_170, %le3A_180 : vector<16xi1>
        %mul3A_182 = arith.constant 16 : i32
        %mul3A_183 = vector.broadcast %mul3A_182 : i32 to vector<16xi32>
        %mul3A_184 = arith.muli %gather3A, %mul3A_183 : vector<16xi32>
        %add3A_185 = arith.addi %mul3A_184, %iota3A : vector<16xi32>
        tpu.vector_store_idx %arg7[%add3A_178], %add3A_185 masked %and3A_181 : memref<80xi32, #tpu.memory_space<vmem>>[vector<16xi32>], vector<16xi32>, vector<16xi1>
        %all_reduce_population_count3A = tpu.all_reduce %eq3A_170 {dim = 0 : i64, kind = #tpu.reduction_kind<sum>} : vector<16xi1> -> vector<16xi32>
        %add3A_186 = arith.addi %while3A_159, %all_reduce_population_count3A : vector<16xi32>
        scf.yield %add3A_186 : vector<16xi32>
      }
      %while3A_50 = arith.constant 1 : i32
      %while3A_51 = scf.for %while3A_158 = %while3A_47 to %while3A_43 step %while3A_50 iter_args(%while3A_159 = %while3A_49) -> (vector<16xi32>)  : i32 {
        %broadcast_in_dim3A_160 = vector.broadcast %while3A_158 : i32 to vector<16xi32>
        %gather3A = tpu.vector_load_idx %arg6[%broadcast_in_dim3A_160] : memref<80xi32, #tpu.memory_space<vmem>>[vector<16xi32>], vector<16xi32>,
        %mul3A_161 = arith.constant 640 : i32
        %mul3A_162 = arith.muli %scan3A_12, %mul3A_161 : i32
        %broadcast_in_dim3A_163 = vector.broadcast %mul3A_162 : i32 to vector<16xi32>
        %add3A_164 = arith.addi %gather3A, %broadcast_in_dim3A_163 : vector<16xi32>
        %gather3A_165 = tpu.vector_load_idx %arg5[%add3A_164] : memref<51200xi32, #tpu.memory_space<vmem>>[vector<16xi32>], vector<16xi32>,
        %shift_right_arithmetic3A = arith.shrsi %gather3A_165, %iota3A : vector<16xi32>
        %and3A_166 = arith.constant 1 : i32
        %and3A_167 = vector.broadcast %and3A_166 : i32 to vector<16xi32>
        %and3A_168 = arith.andi %shift_right_arithmetic3A, %and3A_167 : vector<16xi32>
        %eq3A = arith.constant 1 : i32
        %eq3A_169 = vector.broadcast %eq3A : i32 to vector<16xi32>
        %eq3A_170 = arith.cmpi eq, %and3A_168, %eq3A_169 : vector<16xi32>
        %jit3A_171 = arith.constant 1 : i32
        %jit3A_172 = arith.constant 0 : i32
        %broadcast_in_dim3A_173 = vector.broadcast %jit3A_171 : i32 to vector<16xi32>
        %broadcast_in_dim3A_174 = vector.broadcast %jit3A_172 : i32 to vector<16xi32>
        %select_n3A_175 = arith.select %eq3A_170, %broadcast_in_dim3A_173, %broadcast_in_dim3A_174 : vector<16xi1>, vector<16xi32>
        %broadcast_in_dim3A_176 = arith.constant true
        %broadcast_in_dim3A_177 = vector.broadcast %broadcast_in_dim3A_176 : i1 to vector<16xi1>
        %masked_cumsum3A = tpu.scan <sum>, %select_n3A_175 masked %broadcast_in_dim3A_177 : vector<16xi32>, vector<16xi1> -> vector<16xi32>
        %add3A_178 = arith.addi %while3A_159, %masked_cumsum3A : vector<16xi32>
        %le3A = arith.constant 64 : i32
        %le3A_179 = vector.broadcast %le3A : i32 to vector<16xi32>
        %le3A_180 = arith.cmpi sle, %add3A_178, %le3A_179 : vector<16xi32>
        %and3A_181 = arith.andi %eq3A_170, %le3A_180 : vector<16xi1>
        %mul3A_182 = arith.constant 16 : i32
        %mul3A_183 = vector.broadcast %mul3A_182 : i32 to vector<16xi32>
        %mul3A_184 = arith.muli %gather3A, %mul3A_183 : vector<16xi32>
        %add3A_185 = arith.addi %mul3A_184, %iota3A : vector<16xi32>
        tpu.vector_store_idx %arg7[%add3A_178], %add3A_185 masked %and3A_181 : memref<80xi32, #tpu.memory_space<vmem>>[vector<16xi32>], vector<16xi32>, vector<16xi1>
        %all_reduce_population_count3A = tpu.all_reduce %eq3A_170 {dim = 0 : i64, kind = #tpu.reduction_kind<sum>} : vector<16xi1> -> vector<16xi32>
        %add3A_186 = arith.addi %while3A_159, %all_reduce_population_count3A : vector<16xi32>
        scf.yield %add3A_186 : vector<16xi32>
      }
      %reduce_max3A_52 = arith.constant true
      %reduce_max3A_53 = vector.broadcast %reduce_max3A_52 : i1 to vector<16xi1>
      %reduce_max3A_54 = arith.constant -2147483648 : i32
      %reduce_max3A_55 = vector.broadcast %reduce_max3A_54 : i32 to vector<16xi32>
      %reduce_max3A_56 = arith.xori %while3A_51, %reduce_max3A_55 : vector<16xi32>
      %reduce_max3A_57 = tpu.scan <max>, %reduce_max3A_56 masked %reduce_max3A_53 : vector<16xi32>, vector<16xi1> -> vector<16xi32>
      %reduce_max3A_58 = arith.xori %reduce_max3A_57, %reduce_max3A_55 : vector<16xi32>
      %reduce_max3A_59 = vector.extract %reduce_max3A_58[15] : i32 from vector<16xi32>
      %min3A_60 = arith.constant 64 : i32
      %min3A_61 = arith.minsi %reduce_max3A_59, %min3A_60 : i32
      %add3A_62 = arith.constant 1 : i32
      %add3A_63 = arith.addi %add3A_62, %min3A_61 : i32
      %add3A_64 = arith.constant 15 : i32
      %add3A_65 = arith.addi %add3A_63, %add3A_64 : i32
      %jit3A = arith.constant 16 : i32
      %div3A = arith.divsi %add3A_65, %jit3A : i32
      %sign3A = arith.constant 0 : i32
      %sign3A_66 = arith.cmpi sgt, %add3A_65, %sign3A : i32
      %sign3A_67 = arith.extui %sign3A_66 : i1 to i32
      %sign3A_68 = arith.constant 0 : i32
      %sign3A_69 = arith.cmpi slt, %add3A_65, %sign3A_68 : i32
      %sign3A_70 = arith.extui %sign3A_69 : i1 to i32
      %sign3A_71 = arith.subi %sign3A_67, %sign3A_70 : i32
      %sign3A_72 = arith.constant 0 : i32
      %sign3A_73 = arith.cmpi sgt, %jit3A, %sign3A_72 : i32
      %sign3A_74 = arith.extui %sign3A_73 : i1 to i32
      %sign3A_75 = arith.constant 0 : i32
      %sign3A_76 = arith.cmpi slt, %jit3A, %sign3A_75 : i32
      %sign3A_77 = arith.extui %sign3A_76 : i1 to i32
      %sign3A_78 = arith.subi %sign3A_74, %sign3A_77 : i32
      %ne3A = arith.cmpi ne, %sign3A_71, %sign3A_78 : i32
      %rem3A = arith.remsi %add3A_65, %jit3A : i32
      %ne3A_79 = arith.constant 0 : i32
      %ne3A_80 = arith.cmpi ne, %rem3A, %ne3A_79 : i32
      %and3A = arith.andi %ne3A, %ne3A_80 : i1
      %sub3A = arith.constant 1 : i32
      %sub3A_81 = arith.subi %div3A, %sub3A : i32
      %select_n3A = arith.select %and3A, %sub3A_81, %div3A : i32
      %while3A_82 = arith.constant 0 : i32
      %while3A_83 = arith.constant 0 : i32
      %while3A_84 = arith.subi %select_n3A, %while3A_83 : i32
      %while3A_85 = arith.addi %while3A_83, %while3A_84 : i32
      %while3A_86 = arith.constant 1 : i32
      %while3A_87 = arith.divsi %while3A_84, %while3A_86 : i32
      %while3A_88 = arith.muli %while3A_87, %while3A_86 : i32
      %while3A_89 = arith.addi %while3A_83, %while3A_88 : i32
      %while3A_90 = arith.constant 1 : i32
      scf.for %while3A_158 = %while3A_83 to %while3A_89 step %while3A_90  : i32 {
        %mul3A_159 = arith.constant 16 : i32
        %mul3A_160 = arith.muli %while3A_158, %mul3A_159 : i32
        %mul3A_161 = arith.constant 16 : i32
        %mul3A_162 = arith.muli %while3A_158, %mul3A_161 : i32
        %dma_start3A = arith.constant 0 : i32
        %dma_start3A_163 = tpu.memref_slice %arg8[%mul3A_162, %dma_start3A] : memref<80x128xf32, #tpu.memory_space<vmem>> -> memref<16x128xf32, #tpu.memory_space<vmem>>
        %dma_start3A_164 = tpu.memref_slice %arg7[%mul3A_160] : memref<80xi32, #tpu.memory_space<vmem>> -> memref<16xi32, #tpu.memory_space<vmem>>
        %dma_start3A_165 = arith.constant 0 : i32
        %dma_start3A_166 = arith.constant 0 : i32
        %dma_start3A_167 = tpu.memref_slice %arg3[%dma_start3A_165, %dma_start3A_166] : memref<10240x128xf32, #tpu.memory_space<hbm>> -> memref<10240x128xf32, #tpu.memory_space<hbm>>
        tpu.enqueue_indirect_dma source(%dma_start3A_167 : memref<10240x128xf32, #tpu.memory_space<hbm>>) target(%dma_start3A_163 : memref<16x128xf32, #tpu.memory_space<vmem>>) offsets(%dma_start3A_164 : memref<16xi32, #tpu.memory_space<vmem>>) semaphore(%arg10 : memref<!tpu.dma_semaphore, #tpu.memory_space<semaphore_mem>>)
      }
      %while3A_91 = arith.constant 1 : i32
      scf.for %while3A_158 = %while3A_89 to %while3A_85 step %while3A_91  : i32 {
        %mul3A_159 = arith.constant 16 : i32
        %mul3A_160 = arith.muli %while3A_158, %mul3A_159 : i32
        %mul3A_161 = arith.constant 16 : i32
        %mul3A_162 = arith.muli %while3A_158, %mul3A_161 : i32
        %dma_start3A = arith.constant 0 : i32
        %dma_start3A_163 = tpu.memref_slice %arg8[%mul3A_162, %dma_start3A] : memref<80x128xf32, #tpu.memory_space<vmem>> -> memref<16x128xf32, #tpu.memory_space<vmem>>
        %dma_start3A_164 = tpu.memref_slice %arg7[%mul3A_160] : memref<80xi32, #tpu.memory_space<vmem>> -> memref<16xi32, #tpu.memory_space<vmem>>
        %dma_start3A_165 = arith.constant 0 : i32
        %dma_start3A_166 = arith.constant 0 : i32
        %dma_start3A_167 = tpu.memref_slice %arg3[%dma_start3A_165, %dma_start3A_166] : memref<10240x128xf32, #tpu.memory_space<hbm>> -> memref<10240x128xf32, #tpu.memory_space<hbm>>
        tpu.enqueue_indirect_dma source(%dma_start3A_167 : memref<10240x128xf32, #tpu.memory_space<hbm>>) target(%dma_start3A_163 : memref<16x128xf32, #tpu.memory_space<vmem>>) offsets(%dma_start3A_164 : memref<16xi32, #tpu.memory_space<vmem>>) semaphore(%arg10 : memref<!tpu.dma_semaphore, #tpu.memory_space<semaphore_mem>>)
      }
      %while3A_92 = arith.constant 0 : i32
      %while3A_93 = arith.constant 0 : i32
      %while3A_94 = arith.subi %select_n3A, %while3A_93 : i32
      %while3A_95 = arith.addi %while3A_93, %while3A_94 : i32
      %while3A_96 = arith.constant 1 : i32
      %while3A_97 = arith.divsi %while3A_94, %while3A_96 : i32
      %while3A_98 = arith.muli %while3A_97, %while3A_96 : i32
      %while3A_99 = arith.addi %while3A_93, %while3A_98 : i32
      %while3A_100 = arith.constant 1 : i32
      scf.for %while3A_158 = %while3A_93 to %while3A_99 step %while3A_100  : i32 {
        %mul3A_159 = arith.constant 16 : i32
        %mul3A_160 = arith.muli %while3A_158, %mul3A_159 : i32
        %mul3A_161 = arith.constant 16 : i32
        %mul3A_162 = arith.muli %while3A_158, %mul3A_161 : i32
        %dma_wait3A = arith.constant 0 : i32
        %dma_wait3A_163 = tpu.memref_slice %arg8[%mul3A_162, %dma_wait3A] : memref<80x128xf32, #tpu.memory_space<vmem>> -> memref<16x128xf32, #tpu.memory_space<vmem>>
        %dma_wait3A_164 = tpu.memref_slice %arg7[%mul3A_160] : memref<80xi32, #tpu.memory_space<vmem>> -> memref<16xi32, #tpu.memory_space<vmem>>
        %dma_wait3A_165 = arith.constant 0 : i32
        %dma_wait3A_166 = arith.constant 0 : i32
        %dma_wait3A_167 = tpu.memref_slice %arg3[%dma_wait3A_165, %dma_wait3A_166] : memref<10240x128xf32, #tpu.memory_space<hbm>> -> memref<10240x128xf32, #tpu.memory_space<hbm>>
        tpu.wait_indirect_dma semaphore(%arg10 : memref<!tpu.dma_semaphore, #tpu.memory_space<semaphore_mem>>) src(%dma_wait3A_167 : memref<10240x128xf32, #tpu.memory_space<hbm>>) dst(%dma_wait3A_163 : memref<16x128xf32, #tpu.memory_space<vmem>>)
      }
      %while3A_101 = arith.constant 1 : i32
      scf.for %while3A_158 = %while3A_99 to %while3A_95 step %while3A_101  : i32 {
        %mul3A_159 = arith.constant 16 : i32
        %mul3A_160 = arith.muli %while3A_158, %mul3A_159 : i32
        %mul3A_161 = arith.constant 16 : i32
        %mul3A_162 = arith.muli %while3A_158, %mul3A_161 : i32
        %dma_wait3A = arith.constant 0 : i32
        %dma_wait3A_163 = tpu.memref_slice %arg8[%mul3A_162, %dma_wait3A] : memref<80x128xf32, #tpu.memory_space<vmem>> -> memref<16x128xf32, #tpu.memory_space<vmem>>
        %dma_wait3A_164 = tpu.memref_slice %arg7[%mul3A_160] : memref<80xi32, #tpu.memory_space<vmem>> -> memref<16xi32, #tpu.memory_space<vmem>>
        %dma_wait3A_165 = arith.constant 0 : i32
        %dma_wait3A_166 = arith.constant 0 : i32
        %dma_wait3A_167 = tpu.memref_slice %arg3[%dma_wait3A_165, %dma_wait3A_166] : memref<10240x128xf32, #tpu.memory_space<hbm>> -> memref<10240x128xf32, #tpu.memory_space<hbm>>
        tpu.wait_indirect_dma semaphore(%arg10 : memref<!tpu.dma_semaphore, #tpu.memory_space<semaphore_mem>>) src(%dma_wait3A_167 : memref<10240x128xf32, #tpu.memory_space<hbm>>) dst(%dma_wait3A_163 : memref<16x128xf32, #tpu.memory_space<vmem>>)
      }
      %broadcast_in_dim3A_102 = arith.constant 0xFF800000 : f32
      %broadcast_in_dim3A_103 = vector.broadcast %broadcast_in_dim3A_102 : f32 to vector<16xf32>
      %broadcast_in_dim3A_104 = arith.constant 0xFF800000 : f32
      %broadcast_in_dim3A_105 = vector.broadcast %broadcast_in_dim3A_104 : f32 to vector<16xf32>
      %broadcast_in_dim3A_106 = arith.constant 0xFF800000 : f32
      %broadcast_in_dim3A_107 = vector.broadcast %broadcast_in_dim3A_106 : f32 to vector<16xf32>
      %broadcast_in_dim3A_108 = arith.constant 0xFF800000 : f32
      %broadcast_in_dim3A_109 = vector.broadcast %broadcast_in_dim3A_108 : f32 to vector<16xf32>
      %broadcast_in_dim3A_110 = arith.constant 0xFF800000 : f32
      %broadcast_in_dim3A_111 = vector.broadcast %broadcast_in_dim3A_110 : f32 to vector<16xf32>
      %broadcast_in_dim3A_112 = arith.constant 0xFF800000 : f32
      %broadcast_in_dim3A_113 = vector.broadcast %broadcast_in_dim3A_112 : f32 to vector<16xf32>
      %broadcast_in_dim3A_114 = arith.constant 0xFF800000 : f32
      %broadcast_in_dim3A_115 = vector.broadcast %broadcast_in_dim3A_114 : f32 to vector<16xf32>
      %broadcast_in_dim3A_116 = arith.constant 0xFF800000 : f32
      %broadcast_in_dim3A_117 = vector.broadcast %broadcast_in_dim3A_116 : f32 to vector<16xf32>
      %while3A_118 = arith.constant 0 : i32
      %while3A_119 = arith.subi %select_n3A, %while3A_118 : i32
      %while3A_120 = arith.addi %while3A_118, %while3A_119 : i32
      %while3A_121 = arith.constant 1 : i32
      %while3A_122 = arith.divsi %while3A_119, %while3A_121 : i32
      %while3A_123 = arith.muli %while3A_122, %while3A_121 : i32
      %while3A_124 = arith.addi %while3A_118, %while3A_123 : i32
      %while3A_125 = arith.constant 1 : i32
      %while3A_126:8 = scf.for %while3A_158 = %while3A_118 to %while3A_124 step %while3A_125 iter_args(%while3A_159 = %broadcast_in_dim3A_103, %while3A_160 = %broadcast_in_dim3A_105, %while3A_161 = %broadcast_in_dim3A_107, %while3A_162 = %broadcast_in_dim3A_109, %while3A_163 = %broadcast_in_dim3A_111, %while3A_164 = %broadcast_in_dim3A_113, %while3A_165 = %broadcast_in_dim3A_115, %while3A_166 = %broadcast_in_dim3A_117) -> (vector<16xf32>, vector<16xf32>, vector<16xf32>, vector<16xf32>, vector<16xf32>, vector<16xf32>, vector<16xf32>, vector<16xf32>)  : i32 {
        %mul3A_167 = arith.constant 16 : i32
        %mul3A_168 = arith.muli %while3A_158, %mul3A_167 : i32
        %add3A_169 = arith.constant 0 : i32
        %add3A_170 = arith.addi %mul3A_168, %add3A_169 : i32
        %get3A = arith.index_cast %add3A_170 : i32 to index
        %get3A_171 = arith.constant 0 : index
        %get3A_172 = tpu.vector_load %arg8[%get3A, %get3A_171] {strides = array<i32>} : memref<80x128xf32, #tpu.memory_space<vmem>>, vector<16xf32>,
        %max3A = arith.maximumf %while3A_159, %get3A_172 : vector<16xf32>
        %mul3A_173 = arith.constant 16 : i32
        %mul3A_174 = arith.muli %while3A_158, %mul3A_173 : i32
        %add3A_175 = arith.constant 1 : i32
        %add3A_176 = arith.addi %mul3A_174, %add3A_175 : i32
        %get3A_177 = arith.index_cast %add3A_176 : i32 to index
        %get3A_178 = arith.constant 0 : index
        %get3A_179 = tpu.vector_load %arg8[%get3A_177, %get3A_178] {strides = array<i32>} : memref<80x128xf32, #tpu.memory_space<vmem>>, vector<16xf32>,
        %max3A_180 = arith.maximumf %max3A, %get3A_179 : vector<16xf32>
        %mul3A_181 = arith.constant 16 : i32
        %mul3A_182 = arith.muli %while3A_158, %mul3A_181 : i32
        %add3A_183 = arith.constant 2 : i32
        %add3A_184 = arith.addi %mul3A_182, %add3A_183 : i32
        %get3A_185 = arith.index_cast %add3A_184 : i32 to index
        %get3A_186 = arith.constant 0 : index
        %get3A_187 = tpu.vector_load %arg8[%get3A_185, %get3A_186] {strides = array<i32>} : memref<80x128xf32, #tpu.memory_space<vmem>>, vector<16xf32>,
        %max3A_188 = arith.maximumf %max3A_180, %get3A_187 : vector<16xf32>
        %mul3A_189 = arith.constant 16 : i32
        %mul3A_190 = arith.muli %while3A_158, %mul3A_189 : i32
        %add3A_191 = arith.constant 3 : i32
        %add3A_192 = arith.addi %mul3A_190, %add3A_191 : i32
        %get3A_193 = arith.index_cast %add3A_192 : i32 to index
        %get3A_194 = arith.constant 0 : index
        %get3A_195 = tpu.vector_load %arg8[%get3A_193, %get3A_194] {strides = array<i32>} : memref<80x128xf32, #tpu.memory_space<vmem>>, vector<16xf32>,
        %max3A_196 = arith.maximumf %max3A_188, %get3A_195 : vector<16xf32>
        %mul3A_197 = arith.constant 16 : i32
        %mul3A_198 = arith.muli %while3A_158, %mul3A_197 : i32
        %add3A_199 = arith.constant 4 : i32
        %add3A_200 = arith.addi %mul3A_198, %add3A_199 : i32
        %get3A_201 = arith.index_cast %add3A_200 : i32 to index
        %get3A_202 = arith.constant 0 : index
        %get3A_203 = tpu.vector_load %arg8[%get3A_201, %get3A_202] {strides = array<i32>} : memref<80x128xf32, #tpu.memory_space<vmem>>, vector<16xf32>,
        %max3A_204 = arith.maximumf %max3A_196, %get3A_203 : vector<16xf32>
        %mul3A_205 = arith.constant 16 : i32
        %mul3A_206 = arith.muli %while3A_158, %mul3A_205 : i32
        %add3A_207 = arith.constant 5 : i32
        %add3A_208 = arith.addi %mul3A_206, %add3A_207 : i32
        %get3A_209 = arith.index_cast %add3A_208 : i32 to index
        %get3A_210 = arith.constant 0 : index
        %get3A_211 = tpu.vector_load %arg8[%get3A_209, %get3A_210] {strides = array<i32>} : memref<80x128xf32, #tpu.memory_space<vmem>>, vector<16xf32>,
        %max3A_212 = arith.maximumf %max3A_204, %get3A_211 : vector<16xf32>
        %mul3A_213 = arith.constant 16 : i32
        %mul3A_214 = arith.muli %while3A_158, %mul3A_213 : i32
        %add3A_215 = arith.constant 6 : i32
        %add3A_216 = arith.addi %mul3A_214, %add3A_215 : i32
        %get3A_217 = arith.index_cast %add3A_216 : i32 to index
        %get3A_218 = arith.constant 0 : index
        %get3A_219 = tpu.vector_load %arg8[%get3A_217, %get3A_218] {strides = array<i32>} : memref<80x128xf32, #tpu.memory_space<vmem>>, vector<16xf32>,
        %max3A_220 = arith.maximumf %max3A_212, %get3A_219 : vector<16xf32>
        %mul3A_221 = arith.constant 16 : i32
        %mul3A_222 = arith.muli %while3A_158, %mul3A_221 : i32
        %add3A_223 = arith.constant 7 : i32
        %add3A_224 = arith.addi %mul3A_222, %add3A_223 : i32
        %get3A_225 = arith.index_cast %add3A_224 : i32 to index
        %get3A_226 = arith.constant 0 : index
        %get3A_227 = tpu.vector_load %arg8[%get3A_225, %get3A_226] {strides = array<i32>} : memref<80x128xf32, #tpu.memory_space<vmem>>, vector<16xf32>,
        %max3A_228 = arith.maximumf %max3A_220, %get3A_227 : vector<16xf32>
        %mul3A_229 = arith.constant 16 : i32
        %mul3A_230 = arith.muli %while3A_158, %mul3A_229 : i32
        %add3A_231 = arith.constant 8 : i32
        %add3A_232 = arith.addi %mul3A_230, %add3A_231 : i32
        %get3A_233 = arith.index_cast %add3A_232 : i32 to index
        %get3A_234 = arith.constant 0 : index
        %get3A_235 = tpu.vector_load %arg8[%get3A_233, %get3A_234] {strides = array<i32>} : memref<80x128xf32, #tpu.memory_space<vmem>>, vector<16xf32>,
        %max3A_236 = arith.maximumf %max3A_228, %get3A_235 : vector<16xf32>
        %mul3A_237 = arith.constant 16 : i32
        %mul3A_238 = arith.muli %while3A_158, %mul3A_237 : i32
        %add3A_239 = arith.constant 9 : i32
        %add3A_240 = arith.addi %mul3A_238, %add3A_239 : i32
        %get3A_241 = arith.index_cast %add3A_240 : i32 to index
        %get3A_242 = arith.constant 0 : index
        %get3A_243 = tpu.vector_load %arg8[%get3A_241, %get3A_242] {strides = array<i32>} : memref<80x128xf32, #tpu.memory_space<vmem>>, vector<16xf32>,
        %max3A_244 = arith.maximumf %max3A_236, %get3A_243 : vector<16xf32>
        %mul3A_245 = arith.constant 16 : i32
        %mul3A_246 = arith.muli %while3A_158, %mul3A_245 : i32
        %add3A_247 = arith.constant 10 : i32
        %add3A_248 = arith.addi %mul3A_246, %add3A_247 : i32
        %get3A_249 = arith.index_cast %add3A_248 : i32 to index
        %get3A_250 = arith.constant 0 : index
        %get3A_251 = tpu.vector_load %arg8[%get3A_249, %get3A_250] {strides = array<i32>} : memref<80x128xf32, #tpu.memory_space<vmem>>, vector<16xf32>,
        %max3A_252 = arith.maximumf %max3A_244, %get3A_251 : vector<16xf32>
        %mul3A_253 = arith.constant 16 : i32
        %mul3A_254 = arith.muli %while3A_158, %mul3A_253 : i32
        %add3A_255 = arith.constant 11 : i32
        %add3A_256 = arith.addi %mul3A_254, %add3A_255 : i32
        %get3A_257 = arith.index_cast %add3A_256 : i32 to index
        %get3A_258 = arith.constant 0 : index
        %get3A_259 = tpu.vector_load %arg8[%get3A_257, %get3A_258] {strides = array<i32>} : memref<80x128xf32, #tpu.memory_space<vmem>>, vector<16xf32>,
        %max3A_260 = arith.maximumf %max3A_252, %get3A_259 : vector<16xf32>
        %mul3A_261 = arith.constant 16 : i32
        %mul3A_262 = arith.muli %while3A_158, %mul3A_261 : i32
        %add3A_263 = arith.constant 12 : i32
        %add3A_264 = arith.addi %mul3A_262, %add3A_263 : i32
        %get3A_265 = arith.index_cast %add3A_264 : i32 to index
        %get3A_266 = arith.constant 0 : index
        %get3A_267 = tpu.vector_load %arg8[%get3A_265, %get3A_266] {strides = array<i32>} : memref<80x128xf32, #tpu.memory_space<vmem>>, vector<16xf32>,
        %max3A_268 = arith.maximumf %max3A_260, %get3A_267 : vector<16xf32>
        %mul3A_269 = arith.constant 16 : i32
        %mul3A_270 = arith.muli %while3A_158, %mul3A_269 : i32
        %add3A_271 = arith.constant 13 : i32
        %add3A_272 = arith.addi %mul3A_270, %add3A_271 : i32
        %get3A_273 = arith.index_cast %add3A_272 : i32 to index
        %get3A_274 = arith.constant 0 : index
        %get3A_275 = tpu.vector_load %arg8[%get3A_273, %get3A_274] {strides = array<i32>} : memref<80x128xf32, #tpu.memory_space<vmem>>, vector<16xf32>,
        %max3A_276 = arith.maximumf %max3A_268, %get3A_275 : vector<16xf32>
        %mul3A_277 = arith.constant 16 : i32
        %mul3A_278 = arith.muli %while3A_158, %mul3A_277 : i32
        %add3A_279 = arith.constant 14 : i32
        %add3A_280 = arith.addi %mul3A_278, %add3A_279 : i32
        %get3A_281 = arith.index_cast %add3A_280 : i32 to index
        %get3A_282 = arith.constant 0 : index
        %get3A_283 = tpu.vector_load %arg8[%get3A_281, %get3A_282] {strides = array<i32>} : memref<80x128xf32, #tpu.memory_space<vmem>>, vector<16xf32>,
        %max3A_284 = arith.maximumf %max3A_276, %get3A_283 : vector<16xf32>
        %mul3A_285 = arith.constant 16 : i32
        %mul3A_286 = arith.muli %while3A_158, %mul3A_285 : i32
        %add3A_287 = arith.constant 15 : i32
        %add3A_288 = arith.addi %mul3A_286, %add3A_287 : i32
        %get3A_289 = arith.index_cast %add3A_288 : i32 to index
        %get3A_290 = arith.constant 0 : index
        %get3A_291 = tpu.vector_load %arg8[%get3A_289, %get3A_290] {strides = array<i32>} : memref<80x128xf32, #tpu.memory_space<vmem>>, vector<16xf32>,
        %max3A_292 = arith.maximumf %max3A_284, %get3A_291 : vector<16xf32>
        %mul3A_293 = arith.constant 16 : i32
        %mul3A_294 = arith.muli %while3A_158, %mul3A_293 : i32
        %add3A_295 = arith.constant 0 : i32
        %add3A_296 = arith.addi %mul3A_294, %add3A_295 : i32
        %get3A_297 = arith.index_cast %add3A_296 : i32 to index
        %get3A_298 = arith.constant 16 : index
        %get3A_299 = tpu.vector_load %arg8[%get3A_297, %get3A_298] {strides = array<i32>} : memref<80x128xf32, #tpu.memory_space<vmem>>, vector<16xf32>,
        %max3A_300 = arith.maximumf %while3A_160, %get3A_299 : vector<16xf32>
        %mul3A_301 = arith.constant 16 : i32
        %mul3A_302 = arith.muli %while3A_158, %mul3A_301 : i32
        %add3A_303 = arith.constant 1 : i32
        %add3A_304 = arith.addi %mul3A_302, %add3A_303 : i32
        %get3A_305 = arith.index_cast %add3A_304 : i32 to index
        %get3A_306 = arith.constant 16 : index
        %get3A_307 = tpu.vector_load %arg8[%get3A_305, %get3A_306] {strides = array<i32>} : memref<80x128xf32, #tpu.memory_space<vmem>>, vector<16xf32>,
        %max3A_308 = arith.maximumf %max3A_300, %get3A_307 : vector<16xf32>
        %mul3A_309 = arith.constant 16 : i32
        %mul3A_310 = arith.muli %while3A_158, %mul3A_309 : i32
        %add3A_311 = arith.constant 2 : i32
        %add3A_312 = arith.addi %mul3A_310, %add3A_311 : i32
        %get3A_313 = arith.index_cast %add3A_312 : i32 to index
        %get3A_314 = arith.constant 16 : index
        %get3A_315 = tpu.vector_load %arg8[%get3A_313, %get3A_314] {strides = array<i32>} : memref<80x128xf32, #tpu.memory_space<vmem>>, vector<16xf32>,
        %max3A_316 = arith.maximumf %max3A_308, %get3A_315 : vector<16xf32>
        %mul3A_317 = arith.constant 16 : i32
        %mul3A_318 = arith.muli %while3A_158, %mul3A_317 : i32
        %add3A_319 = arith.constant 3 : i32
        %add3A_320 = arith.addi %mul3A_318, %add3A_319 : i32
        %get3A_321 = arith.index_cast %add3A_320 : i32 to index
        %get3A_322 = arith.constant 16 : index
        %get3A_323 = tpu.vector_load %arg8[%get3A_321, %get3A_322] {strides = array<i32>} : memref<80x128xf32, #tpu.memory_space<vmem>>, vector<16xf32>,
        %max3A_324 = arith.maximumf %max3A_316, %get3A_323 : vector<16xf32>
        %mul3A_325 = arith.constant 16 : i32
        %mul3A_326 = arith.muli %while3A_158, %mul3A_325 : i32
        %add3A_327 = arith.constant 4 : i32
        %add3A_328 = arith.addi %mul3A_326, %add3A_327 : i32
        %get3A_329 = arith.index_cast %add3A_328 : i32 to index
        %get3A_330 = arith.constant 16 : index
        %get3A_331 = tpu.vector_load %arg8[%get3A_329, %get3A_330] {strides = array<i32>} : memref<80x128xf32, #tpu.memory_space<vmem>>, vector<16xf32>,
        %max3A_332 = arith.maximumf %max3A_324, %get3A_331 : vector<16xf32>
        %mul3A_333 = arith.constant 16 : i32
        %mul3A_334 = arith.muli %while3A_158, %mul3A_333 : i32
        %add3A_335 = arith.constant 5 : i32
        %add3A_336 = arith.addi %mul3A_334, %add3A_335 : i32
        %get3A_337 = arith.index_cast %add3A_336 : i32 to index
        %get3A_338 = arith.constant 16 : index
        %get3A_339 = tpu.vector_load %arg8[%get3A_337, %get3A_338] {strides = array<i32>} : memref<80x128xf32, #tpu.memory_space<vmem>>, vector<16xf32>,
        %max3A_340 = arith.maximumf %max3A_332, %get3A_339 : vector<16xf32>
        %mul3A_341 = arith.constant 16 : i32
        %mul3A_342 = arith.muli %while3A_158, %mul3A_341 : i32
        %add3A_343 = arith.constant 6 : i32
        %add3A_344 = arith.addi %mul3A_342, %add3A_343 : i32
        %get3A_345 = arith.index_cast %add3A_344 : i32 to index
        %get3A_346 = arith.constant 16 : index
        %get3A_347 = tpu.vector_load %arg8[%get3A_345, %get3A_346] {strides = array<i32>} : memref<80x128xf32, #tpu.memory_space<vmem>>, vector<16xf32>,
        %max3A_348 = arith.maximumf %max3A_340, %get3A_347 : vector<16xf32>
        %mul3A_349 = arith.constant 16 : i32
        %mul3A_350 = arith.muli %while3A_158, %mul3A_349 : i32
        %add3A_351 = arith.constant 7 : i32
        %add3A_352 = arith.addi %mul3A_350, %add3A_351 : i32
        %get3A_353 = arith.index_cast %add3A_352 : i32 to index
        %get3A_354 = arith.constant 16 : index
        %get3A_355 = tpu.vector_load %arg8[%get3A_353, %get3A_354] {strides = array<i32>} : memref<80x128xf32, #tpu.memory_space<vmem>>, vector<16xf32>,
        %max3A_356 = arith.maximumf %max3A_348, %get3A_355 : vector<16xf32>
        %mul3A_357 = arith.constant 16 : i32
        %mul3A_358 = arith.muli %while3A_158, %mul3A_357 : i32
        %add3A_359 = arith.constant 8 : i32
        %add3A_360 = arith.addi %mul3A_358, %add3A_359 : i32
        %get3A_361 = arith.index_cast %add3A_360 : i32 to index
        %get3A_362 = arith.constant 16 : index
        %get3A_363 = tpu.vector_load %arg8[%get3A_361, %get3A_362] {strides = array<i32>} : memref<80x128xf32, #tpu.memory_space<vmem>>, vector<16xf32>,
        %max3A_364 = arith.maximumf %max3A_356, %get3A_363 : vector<16xf32>
        %mul3A_365 = arith.constant 16 : i32
        %mul3A_366 = arith.muli %while3A_158, %mul3A_365 : i32
        %add3A_367 = arith.constant 9 : i32
        %add3A_368 = arith.addi %mul3A_366, %add3A_367 : i32
        %get3A_369 = arith.index_cast %add3A_368 : i32 to index
        %get3A_370 = arith.constant 16 : index
        %get3A_371 = tpu.vector_load %arg8[%get3A_369, %get3A_370] {strides = array<i32>} : memref<80x128xf32, #tpu.memory_space<vmem>>, vector<16xf32>,
        %max3A_372 = arith.maximumf %max3A_364, %get3A_371 : vector<16xf32>
        %mul3A_373 = arith.constant 16 : i32
        %mul3A_374 = arith.muli %while3A_158, %mul3A_373 : i32
        %add3A_375 = arith.constant 10 : i32
        %add3A_376 = arith.addi %mul3A_374, %add3A_375 : i32
        %get3A_377 = arith.index_cast %add3A_376 : i32 to index
        %get3A_378 = arith.constant 16 : index
        %get3A_379 = tpu.vector_load %arg8[%get3A_377, %get3A_378] {strides = array<i32>} : memref<80x128xf32, #tpu.memory_space<vmem>>, vector<16xf32>,
        %max3A_380 = arith.maximumf %max3A_372, %get3A_379 : vector<16xf32>
        %mul3A_381 = arith.constant 16 : i32
        %mul3A_382 = arith.muli %while3A_158, %mul3A_381 : i32
        %add3A_383 = arith.constant 11 : i32
        %add3A_384 = arith.addi %mul3A_382, %add3A_383 : i32
        %get3A_385 = arith.index_cast %add3A_384 : i32 to index
        %get3A_386 = arith.constant 16 : index
        %get3A_387 = tpu.vector_load %arg8[%get3A_385, %get3A_386] {strides = array<i32>} : memref<80x128xf32, #tpu.memory_space<vmem>>, vector<16xf32>,
        %max3A_388 = arith.maximumf %max3A_380, %get3A_387 : vector<16xf32>
        %mul3A_389 = arith.constant 16 : i32
        %mul3A_390 = arith.muli %while3A_158, %mul3A_389 : i32
        %add3A_391 = arith.constant 12 : i32
        %add3A_392 = arith.addi %mul3A_390, %add3A_391 : i32
        %get3A_393 = arith.index_cast %add3A_392 : i32 to index
        %get3A_394 = arith.constant 16 : index
        %get3A_395 = tpu.vector_load %arg8[%get3A_393, %get3A_394] {strides = array<i32>} : memref<80x128xf32, #tpu.memory_space<vmem>>, vector<16xf32>,
        %max3A_396 = arith.maximumf %max3A_388, %get3A_395 : vector<16xf32>
        %mul3A_397 = arith.constant 16 : i32
        %mul3A_398 = arith.muli %while3A_158, %mul3A_397 : i32
        %add3A_399 = arith.constant 13 : i32
        %add3A_400 = arith.addi %mul3A_398, %add3A_399 : i32
        %get3A_401 = arith.index_cast %add3A_400 : i32 to index
        %get3A_402 = arith.constant 16 : index
        %get3A_403 = tpu.vector_load %arg8[%get3A_401, %get3A_402] {strides = array<i32>} : memref<80x128xf32, #tpu.memory_space<vmem>>, vector<16xf32>,
        %max3A_404 = arith.maximumf %max3A_396, %get3A_403 : vector<16xf32>
        %mul3A_405 = arith.constant 16 : i32
        %mul3A_406 = arith.muli %while3A_158, %mul3A_405 : i32
        %add3A_407 = arith.constant 14 : i32
        %add3A_408 = arith.addi %mul3A_406, %add3A_407 : i32
        %get3A_409 = arith.index_cast %add3A_408 : i32 to index
        %get3A_410 = arith.constant 16 : index
        %get3A_411 = tpu.vector_load %arg8[%get3A_409, %get3A_410] {strides = array<i32>} : memref<80x128xf32, #tpu.memory_space<vmem>>, vector<16xf32>,
        %max3A_412 = arith.maximumf %max3A_404, %get3A_411 : vector<16xf32>
        %mul3A_413 = arith.constant 16 : i32
        %mul3A_414 = arith.muli %while3A_158, %mul3A_413 : i32
        %add3A_415 = arith.constant 15 : i32
        %add3A_416 = arith.addi %mul3A_414, %add3A_415 : i32
        %get3A_417 = arith.index_cast %add3A_416 : i32 to index
        %get3A_418 = arith.constant 16 : index
        %get3A_419 = tpu.vector_load %arg8[%get3A_417, %get3A_418] {strides = array<i32>} : memref<80x128xf32, #tpu.memory_space<vmem>>, vector<16xf32>,
        %max3A_420 = arith.maximumf %max3A_412, %get3A_419 : vector<16xf32>
        %mul3A_421 = arith.constant 16 : i32
        %mul3A_422 = arith.muli %while3A_158, %mul3A_421 : i32
        %add3A_423 = arith.constant 0 : i32
        %add3A_424 = arith.addi %mul3A_422, %add3A_423 : i32
        %get3A_425 = arith.index_cast %add3A_424 : i32 to index
        %get3A_426 = arith.constant 32 : index
        %get3A_427 = tpu.vector_load %arg8[%get3A_425, %get3A_426] {strides = array<i32>} : memref<80x128xf32, #tpu.memory_space<vmem>>, vector<16xf32>,
        %max3A_428 = arith.maximumf %while3A_161, %get3A_427 : vector<16xf32>
        %mul3A_429 = arith.constant 16 : i32
        %mul3A_430 = arith.muli %while3A_158, %mul3A_429 : i32
        %add3A_431 = arith.constant 1 : i32
        %add3A_432 = arith.addi %mul3A_430, %add3A_431 : i32
        %get3A_433 = arith.index_cast %add3A_432 : i32 to index
        %get3A_434 = arith.constant 32 : index
        %get3A_435 = tpu.vector_load %arg8[%get3A_433, %get3A_434] {strides = array<i32>} : memref<80x128xf32, #tpu.memory_space<vmem>>, vector<16xf32>,
        %max3A_436 = arith.maximumf %max3A_428, %get3A_435 : vector<16xf32>
        %mul3A_437 = arith.constant 16 : i32
        %mul3A_438 = arith.muli %while3A_158, %mul3A_437 : i32
        %add3A_439 = arith.constant 2 : i32
        %add3A_440 = arith.addi %mul3A_438, %add3A_439 : i32
        %get3A_441 = arith.index_cast %add3A_440 : i32 to index
        %get3A_442 = arith.constant 32 : index
        %get3A_443 = tpu.vector_load %arg8[%get3A_441, %get3A_442] {strides = array<i32>} : memref<80x128xf32, #tpu.memory_space<vmem>>, vector<16xf32>,
        %max3A_444 = arith.maximumf %max3A_436, %get3A_443 : vector<16xf32>
        %mul3A_445 = arith.constant 16 : i32
        %mul3A_446 = arith.muli %while3A_158, %mul3A_445 : i32
        %add3A_447 = arith.constant 3 : i32
        %add3A_448 = arith.addi %mul3A_446, %add3A_447 : i32
        %get3A_449 = arith.index_cast %add3A_448 : i32 to index
        %get3A_450 = arith.constant 32 : index
        %get3A_451 = tpu.vector_load %arg8[%get3A_449, %get3A_450] {strides = array<i32>} : memref<80x128xf32, #tpu.memory_space<vmem>>, vector<16xf32>,
        %max3A_452 = arith.maximumf %max3A_444, %get3A_451 : vector<16xf32>
        %mul3A_453 = arith.constant 16 : i32
        %mul3A_454 = arith.muli %while3A_158, %mul3A_453 : i32
        %add3A_455 = arith.constant 4 : i32
        %add3A_456 = arith.addi %mul3A_454, %add3A_455 : i32
        %get3A_457 = arith.index_cast %add3A_456 : i32 to index
        %get3A_458 = arith.constant 32 : index
        %get3A_459 = tpu.vector_load %arg8[%get3A_457, %get3A_458] {strides = array<i32>} : memref<80x128xf32, #tpu.memory_space<vmem>>, vector<16xf32>,
        %max3A_460 = arith.maximumf %max3A_452, %get3A_459 : vector<16xf32>
        %mul3A_461 = arith.constant 16 : i32
        %mul3A_462 = arith.muli %while3A_158, %mul3A_461 : i32
        %add3A_463 = arith.constant 5 : i32
        %add3A_464 = arith.addi %mul3A_462, %add3A_463 : i32
        %get3A_465 = arith.index_cast %add3A_464 : i32 to index
        %get3A_466 = arith.constant 32 : index
        %get3A_467 = tpu.vector_load %arg8[%get3A_465, %get3A_466] {strides = array<i32>} : memref<80x128xf32, #tpu.memory_space<vmem>>, vector<16xf32>,
        %max3A_468 = arith.maximumf %max3A_460, %get3A_467 : vector<16xf32>
        %mul3A_469 = arith.constant 16 : i32
        %mul3A_470 = arith.muli %while3A_158, %mul3A_469 : i32
        %add3A_471 = arith.constant 6 : i32
        %add3A_472 = arith.addi %mul3A_470, %add3A_471 : i32
        %get3A_473 = arith.index_cast %add3A_472 : i32 to index
        %get3A_474 = arith.constant 32 : index
        %get3A_475 = tpu.vector_load %arg8[%get3A_473, %get3A_474] {strides = array<i32>} : memref<80x128xf32, #tpu.memory_space<vmem>>, vector<16xf32>,
        %max3A_476 = arith.maximumf %max3A_468, %get3A_475 : vector<16xf32>
        %mul3A_477 = arith.constant 16 : i32
        %mul3A_478 = arith.muli %while3A_158, %mul3A_477 : i32
        %add3A_479 = arith.constant 7 : i32
        %add3A_480 = arith.addi %mul3A_478, %add3A_479 : i32
        %get3A_481 = arith.index_cast %add3A_480 : i32 to index
        %get3A_482 = arith.constant 32 : index
        %get3A_483 = tpu.vector_load %arg8[%get3A_481, %get3A_482] {strides = array<i32>} : memref<80x128xf32, #tpu.memory_space<vmem>>, vector<16xf32>,
        %max3A_484 = arith.maximumf %max3A_476, %get3A_483 : vector<16xf32>
        %mul3A_485 = arith.constant 16 : i32
        %mul3A_486 = arith.muli %while3A_158, %mul3A_485 : i32
        %add3A_487 = arith.constant 8 : i32
        %add3A_488 = arith.addi %mul3A_486, %add3A_487 : i32
        %get3A_489 = arith.index_cast %add3A_488 : i32 to index
        %get3A_490 = arith.constant 32 : index
        %get3A_491 = tpu.vector_load %arg8[%get3A_489, %get3A_490] {strides = array<i32>} : memref<80x128xf32, #tpu.memory_space<vmem>>, vector<16xf32>,
        %max3A_492 = arith.maximumf %max3A_484, %get3A_491 : vector<16xf32>
        %mul3A_493 = arith.constant 16 : i32
        %mul3A_494 = arith.muli %while3A_158, %mul3A_493 : i32
        %add3A_495 = arith.constant 9 : i32
        %add3A_496 = arith.addi %mul3A_494, %add3A_495 : i32
        %get3A_497 = arith.index_cast %add3A_496 : i32 to index
        %get3A_498 = arith.constant 32 : index
        %get3A_499 = tpu.vector_load %arg8[%get3A_497, %get3A_498] {strides = array<i32>} : memref<80x128xf32, #tpu.memory_space<vmem>>, vector<16xf32>,
        %max3A_500 = arith.maximumf %max3A_492, %get3A_499 : vector<16xf32>
        %mul3A_501 = arith.constant 16 : i32
        %mul3A_502 = arith.muli %while3A_158, %mul3A_501 : i32
        %add3A_503 = arith.constant 10 : i32
        %add3A_504 = arith.addi %mul3A_502, %add3A_503 : i32
        %get3A_505 = arith.index_cast %add3A_504 : i32 to index
        %get3A_506 = arith.constant 32 : index
        %get3A_507 = tpu.vector_load %arg8[%get3A_505, %get3A_506] {strides = array<i32>} : memref<80x128xf32, #tpu.memory_space<vmem>>, vector<16xf32>,
        %max3A_508 = arith.maximumf %max3A_500, %get3A_507 : vector<16xf32>
        %mul3A_509 = arith.constant 16 : i32
        %mul3A_510 = arith.muli %while3A_158, %mul3A_509 : i32
        %add3A_511 = arith.constant 11 : i32
        %add3A_512 = arith.addi %mul3A_510, %add3A_511 : i32
        %get3A_513 = arith.index_cast %add3A_512 : i32 to index
        %get3A_514 = arith.constant 32 : index
        %get3A_515 = tpu.vector_load %arg8[%get3A_513, %get3A_514] {strides = array<i32>} : memref<80x128xf32, #tpu.memory_space<vmem>>, vector<16xf32>,
        %max3A_516 = arith.maximumf %max3A_508, %get3A_515 : vector<16xf32>
        %mul3A_517 = arith.constant 16 : i32
        %mul3A_518 = arith.muli %while3A_158, %mul3A_517 : i32
        %add3A_519 = arith.constant 12 : i32
        %add3A_520 = arith.addi %mul3A_518, %add3A_519 : i32
        %get3A_521 = arith.index_cast %add3A_520 : i32 to index
        %get3A_522 = arith.constant 32 : index
        %get3A_523 = tpu.vector_load %arg8[%get3A_521, %get3A_522] {strides = array<i32>} : memref<80x128xf32, #tpu.memory_space<vmem>>, vector<16xf32>,
        %max3A_524 = arith.maximumf %max3A_516, %get3A_523 : vector<16xf32>
        %mul3A_525 = arith.constant 16 : i32
        %mul3A_526 = arith.muli %while3A_158, %mul3A_525 : i32
        %add3A_527 = arith.constant 13 : i32
        %add3A_528 = arith.addi %mul3A_526, %add3A_527 : i32
        %get3A_529 = arith.index_cast %add3A_528 : i32 to index
        %get3A_530 = arith.constant 32 : index
        %get3A_531 = tpu.vector_load %arg8[%get3A_529, %get3A_530] {strides = array<i32>} : memref<80x128xf32, #tpu.memory_space<vmem>>, vector<16xf32>,
        %max3A_532 = arith.maximumf %max3A_524, %get3A_531 : vector<16xf32>
        %mul3A_533 = arith.constant 16 : i32
        %mul3A_534 = arith.muli %while3A_158, %mul3A_533 : i32
        %add3A_535 = arith.constant 14 : i32
        %add3A_536 = arith.addi %mul3A_534, %add3A_535 : i32
        %get3A_537 = arith.index_cast %add3A_536 : i32 to index
        %get3A_538 = arith.constant 32 : index
        %get3A_539 = tpu.vector_load %arg8[%get3A_537, %get3A_538] {strides = array<i32>} : memref<80x128xf32, #tpu.memory_space<vmem>>, vector<16xf32>,
        %max3A_540 = arith.maximumf %max3A_532, %get3A_539 : vector<16xf32>
        %mul3A_541 = arith.constant 16 : i32
        %mul3A_542 = arith.muli %while3A_158, %mul3A_541 : i32
        %add3A_543 = arith.constant 15 : i32
        %add3A_544 = arith.addi %mul3A_542, %add3A_543 : i32
        %get3A_545 = arith.index_cast %add3A_544 : i32 to index
        %get3A_546 = arith.constant 32 : index
        %get3A_547 = tpu.vector_load %arg8[%get3A_545, %get3A_546] {strides = array<i32>} : memref<80x128xf32, #tpu.memory_space<vmem>>, vector<16xf32>,
        %max3A_548 = arith.maximumf %max3A_540, %get3A_547 : vector<16xf32>
        %mul3A_549 = arith.constant 16 : i32
        %mul3A_550 = arith.muli %while3A_158, %mul3A_549 : i32
        %add3A_551 = arith.constant 0 : i32
        %add3A_552 = arith.addi %mul3A_550, %add3A_551 : i32
        %get3A_553 = arith.index_cast %add3A_552 : i32 to index
        %get3A_554 = arith.constant 48 : index
        %get3A_555 = tpu.vector_load %arg8[%get3A_553, %get3A_554] {strides = array<i32>} : memref<80x128xf32, #tpu.memory_space<vmem>>, vector<16xf32>,
        %max3A_556 = arith.maximumf %while3A_162, %get3A_555 : vector<16xf32>
        %mul3A_557 = arith.constant 16 : i32
        %mul3A_558 = arith.muli %while3A_158, %mul3A_557 : i32
        %add3A_559 = arith.constant 1 : i32
        %add3A_560 = arith.addi %mul3A_558, %add3A_559 : i32
        %get3A_561 = arith.index_cast %add3A_560 : i32 to index
        %get3A_562 = arith.constant 48 : index
        %get3A_563 = tpu.vector_load %arg8[%get3A_561, %get3A_562] {strides = array<i32>} : memref<80x128xf32, #tpu.memory_space<vmem>>, vector<16xf32>,
        %max3A_564 = arith.maximumf %max3A_556, %get3A_563 : vector<16xf32>
        %mul3A_565 = arith.constant 16 : i32
        %mul3A_566 = arith.muli %while3A_158, %mul3A_565 : i32
        %add3A_567 = arith.constant 2 : i32
        %add3A_568 = arith.addi %mul3A_566, %add3A_567 : i32
        %get3A_569 = arith.index_cast %add3A_568 : i32 to index
        %get3A_570 = arith.constant 48 : index
        %get3A_571 = tpu.vector_load %arg8[%get3A_569, %get3A_570] {strides = array<i32>} : memref<80x128xf32, #tpu.memory_space<vmem>>, vector<16xf32>,
        %max3A_572 = arith.maximumf %max3A_564, %get3A_571 : vector<16xf32>
        %mul3A_573 = arith.constant 16 : i32
        %mul3A_574 = arith.muli %while3A_158, %mul3A_573 : i32
        %add3A_575 = arith.constant 3 : i32
        %add3A_576 = arith.addi %mul3A_574, %add3A_575 : i32
        %get3A_577 = arith.index_cast %add3A_576 : i32 to index
        %get3A_578 = arith.constant 48 : index
        %get3A_579 = tpu.vector_load %arg8[%get3A_577, %get3A_578] {strides = array<i32>} : memref<80x128xf32, #tpu.memory_space<vmem>>, vector<16xf32>,
        %max3A_580 = arith.maximumf %max3A_572, %get3A_579 : vector<16xf32>
        %mul3A_581 = arith.constant 16 : i32
        %mul3A_582 = arith.muli %while3A_158, %mul3A_581 : i32
        %add3A_583 = arith.constant 4 : i32
        %add3A_584 = arith.addi %mul3A_582, %add3A_583 : i32
        %get3A_585 = arith.index_cast %add3A_584 : i32 to index
        %get3A_586 = arith.constant 48 : index
        %get3A_587 = tpu.vector_load %arg8[%get3A_585, %get3A_586] {strides = array<i32>} : memref<80x128xf32, #tpu.memory_space<vmem>>, vector<16xf32>,
        %max3A_588 = arith.maximumf %max3A_580, %get3A_587 : vector<16xf32>
        %mul3A_589 = arith.constant 16 : i32
        %mul3A_590 = arith.muli %while3A_158, %mul3A_589 : i32
        %add3A_591 = arith.constant 5 : i32
        %add3A_592 = arith.addi %mul3A_590, %add3A_591 : i32
        %get3A_593 = arith.index_cast %add3A_592 : i32 to index
        %get3A_594 = arith.constant 48 : index
        %get3A_595 = tpu.vector_load %arg8[%get3A_593, %get3A_594] {strides = array<i32>} : memref<80x128xf32, #tpu.memory_space<vmem>>, vector<16xf32>,
        %max3A_596 = arith.maximumf %max3A_588, %get3A_595 : vector<16xf32>
        %mul3A_597 = arith.constant 16 : i32
        %mul3A_598 = arith.muli %while3A_158, %mul3A_597 : i32
        %add3A_599 = arith.constant 6 : i32
        %add3A_600 = arith.addi %mul3A_598, %add3A_599 : i32
        %get3A_601 = arith.index_cast %add3A_600 : i32 to index
        %get3A_602 = arith.constant 48 : index
        %get3A_603 = tpu.vector_load %arg8[%get3A_601, %get3A_602] {strides = array<i32>} : memref<80x128xf32, #tpu.memory_space<vmem>>, vector<16xf32>,
        %max3A_604 = arith.maximumf %max3A_596, %get3A_603 : vector<16xf32>
        %mul3A_605 = arith.constant 16 : i32
        %mul3A_606 = arith.muli %while3A_158, %mul3A_605 : i32
        %add3A_607 = arith.constant 7 : i32
        %add3A_608 = arith.addi %mul3A_606, %add3A_607 : i32
        %get3A_609 = arith.index_cast %add3A_608 : i32 to index
        %get3A_610 = arith.constant 48 : index
        %get3A_611 = tpu.vector_load %arg8[%get3A_609, %get3A_610] {strides = array<i32>} : memref<80x128xf32, #tpu.memory_space<vmem>>, vector<16xf32>,
        %max3A_612 = arith.maximumf %max3A_604, %get3A_611 : vector<16xf32>
        %mul3A_613 = arith.constant 16 : i32
        %mul3A_614 = arith.muli %while3A_158, %mul3A_613 : i32
        %add3A_615 = arith.constant 8 : i32
        %add3A_616 = arith.addi %mul3A_614, %add3A_615 : i32
        %get3A_617 = arith.index_cast %add3A_616 : i32 to index
        %get3A_618 = arith.constant 48 : index
        %get3A_619 = tpu.vector_load %arg8[%get3A_617, %get3A_618] {strides = array<i32>} : memref<80x128xf32, #tpu.memory_space<vmem>>, vector<16xf32>,
        %max3A_620 = arith.maximumf %max3A_612, %get3A_619 : vector<16xf32>
        %mul3A_621 = arith.constant 16 : i32
        %mul3A_622 = arith.muli %while3A_158, %mul3A_621 : i32
        %add3A_623 = arith.constant 9 : i32
        %add3A_624 = arith.addi %mul3A_622, %add3A_623 : i32
        %get3A_625 = arith.index_cast %add3A_624 : i32 to index
        %get3A_626 = arith.constant 48 : index
        %get3A_627 = tpu.vector_load %arg8[%get3A_625, %get3A_626] {strides = array<i32>} : memref<80x128xf32, #tpu.memory_space<vmem>>, vector<16xf32>,
        %max3A_628 = arith.maximumf %max3A_620, %get3A_627 : vector<16xf32>
        %mul3A_629 = arith.constant 16 : i32
        %mul3A_630 = arith.muli %while3A_158, %mul3A_629 : i32
        %add3A_631 = arith.constant 10 : i32
        %add3A_632 = arith.addi %mul3A_630, %add3A_631 : i32
        %get3A_633 = arith.index_cast %add3A_632 : i32 to index
        %get3A_634 = arith.constant 48 : index
        %get3A_635 = tpu.vector_load %arg8[%get3A_633, %get3A_634] {strides = array<i32>} : memref<80x128xf32, #tpu.memory_space<vmem>>, vector<16xf32>,
        %max3A_636 = arith.maximumf %max3A_628, %get3A_635 : vector<16xf32>
        %mul3A_637 = arith.constant 16 : i32
        %mul3A_638 = arith.muli %while3A_158, %mul3A_637 : i32
        %add3A_639 = arith.constant 11 : i32
        %add3A_640 = arith.addi %mul3A_638, %add3A_639 : i32
        %get3A_641 = arith.index_cast %add3A_640 : i32 to index
        %get3A_642 = arith.constant 48 : index
        %get3A_643 = tpu.vector_load %arg8[%get3A_641, %get3A_642] {strides = array<i32>} : memref<80x128xf32, #tpu.memory_space<vmem>>, vector<16xf32>,
        %max3A_644 = arith.maximumf %max3A_636, %get3A_643 : vector<16xf32>
        %mul3A_645 = arith.constant 16 : i32
        %mul3A_646 = arith.muli %while3A_158, %mul3A_645 : i32
        %add3A_647 = arith.constant 12 : i32
        %add3A_648 = arith.addi %mul3A_646, %add3A_647 : i32
        %get3A_649 = arith.index_cast %add3A_648 : i32 to index
        %get3A_650 = arith.constant 48 : index
        %get3A_651 = tpu.vector_load %arg8[%get3A_649, %get3A_650] {strides = array<i32>} : memref<80x128xf32, #tpu.memory_space<vmem>>, vector<16xf32>,
        %max3A_652 = arith.maximumf %max3A_644, %get3A_651 : vector<16xf32>
        %mul3A_653 = arith.constant 16 : i32
        %mul3A_654 = arith.muli %while3A_158, %mul3A_653 : i32
        %add3A_655 = arith.constant 13 : i32
        %add3A_656 = arith.addi %mul3A_654, %add3A_655 : i32
        %get3A_657 = arith.index_cast %add3A_656 : i32 to index
        %get3A_658 = arith.constant 48 : index
        %get3A_659 = tpu.vector_load %arg8[%get3A_657, %get3A_658] {strides = array<i32>} : memref<80x128xf32, #tpu.memory_space<vmem>>, vector<16xf32>,
        %max3A_660 = arith.maximumf %max3A_652, %get3A_659 : vector<16xf32>
        %mul3A_661 = arith.constant 16 : i32
        %mul3A_662 = arith.muli %while3A_158, %mul3A_661 : i32
        %add3A_663 = arith.constant 14 : i32
        %add3A_664 = arith.addi %mul3A_662, %add3A_663 : i32
        %get3A_665 = arith.index_cast %add3A_664 : i32 to index
        %get3A_666 = arith.constant 48 : index
        %get3A_667 = tpu.vector_load %arg8[%get3A_665, %get3A_666] {strides = array<i32>} : memref<80x128xf32, #tpu.memory_space<vmem>>, vector<16xf32>,
        %max3A_668 = arith.maximumf %max3A_660, %get3A_667 : vector<16xf32>
        %mul3A_669 = arith.constant 16 : i32
        %mul3A_670 = arith.muli %while3A_158, %mul3A_669 : i32
        %add3A_671 = arith.constant 15 : i32
        %add3A_672 = arith.addi %mul3A_670, %add3A_671 : i32
        %get3A_673 = arith.index_cast %add3A_672 : i32 to index
        %get3A_674 = arith.constant 48 : index
        %get3A_675 = tpu.vector_load %arg8[%get3A_673, %get3A_674] {strides = array<i32>} : memref<80x128xf32, #tpu.memory_space<vmem>>, vector<16xf32>,
        %max3A_676 = arith.maximumf %max3A_668, %get3A_675 : vector<16xf32>
        %mul3A_677 = arith.constant 16 : i32
        %mul3A_678 = arith.muli %while3A_158, %mul3A_677 : i32
        %add3A_679 = arith.constant 0 : i32
        %add3A_680 = arith.addi %mul3A_678, %add3A_679 : i32
        %get3A_681 = arith.index_cast %add3A_680 : i32 to index
        %get3A_682 = arith.constant 64 : index
        %get3A_683 = tpu.vector_load %arg8[%get3A_681, %get3A_682] {strides = array<i32>} : memref<80x128xf32, #tpu.memory_space<vmem>>, vector<16xf32>,
        %max3A_684 = arith.maximumf %while3A_163, %get3A_683 : vector<16xf32>
        %mul3A_685 = arith.constant 16 : i32
        %mul3A_686 = arith.muli %while3A_158, %mul3A_685 : i32
        %add3A_687 = arith.constant 1 : i32
        %add3A_688 = arith.addi %mul3A_686, %add3A_687 : i32
        %get3A_689 = arith.index_cast %add3A_688 : i32 to index
        %get3A_690 = arith.constant 64 : index
        %get3A_691 = tpu.vector_load %arg8[%get3A_689, %get3A_690] {strides = array<i32>} : memref<80x128xf32, #tpu.memory_space<vmem>>, vector<16xf32>,
        %max3A_692 = arith.maximumf %max3A_684, %get3A_691 : vector<16xf32>
        %mul3A_693 = arith.constant 16 : i32
        %mul3A_694 = arith.muli %while3A_158, %mul3A_693 : i32
        %add3A_695 = arith.constant 2 : i32
        %add3A_696 = arith.addi %mul3A_694, %add3A_695 : i32
        %get3A_697 = arith.index_cast %add3A_696 : i32 to index
        %get3A_698 = arith.constant 64 : index
        %get3A_699 = tpu.vector_load %arg8[%get3A_697, %get3A_698] {strides = array<i32>} : memref<80x128xf32, #tpu.memory_space<vmem>>, vector<16xf32>,
        %max3A_700 = arith.maximumf %max3A_692, %get3A_699 : vector<16xf32>
        %mul3A_701 = arith.constant 16 : i32
        %mul3A_702 = arith.muli %while3A_158, %mul3A_701 : i32
        %add3A_703 = arith.constant 3 : i32
        %add3A_704 = arith.addi %mul3A_702, %add3A_703 : i32
        %get3A_705 = arith.index_cast %add3A_704 : i32 to index
        %get3A_706 = arith.constant 64 : index
        %get3A_707 = tpu.vector_load %arg8[%get3A_705, %get3A_706] {strides = array<i32>} : memref<80x128xf32, #tpu.memory_space<vmem>>, vector<16xf32>,
        %max3A_708 = arith.maximumf %max3A_700, %get3A_707 : vector<16xf32>
        %mul3A_709 = arith.constant 16 : i32
        %mul3A_710 = arith.muli %while3A_158, %mul3A_709 : i32
        %add3A_711 = arith.constant 4 : i32
        %add3A_712 = arith.addi %mul3A_710, %add3A_711 : i32
        %get3A_713 = arith.index_cast %add3A_712 : i32 to index
        %get3A_714 = arith.constant 64 : index
        %get3A_715 = tpu.vector_load %arg8[%get3A_713, %get3A_714] {strides = array<i32>} : memref<80x128xf32, #tpu.memory_space<vmem>>, vector<16xf32>,
        %max3A_716 = arith.maximumf %max3A_708, %get3A_715 : vector<16xf32>
        %mul3A_717 = arith.constant 16 : i32
        %mul3A_718 = arith.muli %while3A_158, %mul3A_717 : i32
        %add3A_719 = arith.constant 5 : i32
        %add3A_720 = arith.addi %mul3A_718, %add3A_719 : i32
        %get3A_721 = arith.index_cast %add3A_720 : i32 to index
        %get3A_722 = arith.constant 64 : index
        %get3A_723 = tpu.vector_load %arg8[%get3A_721, %get3A_722] {strides = array<i32>} : memref<80x128xf32, #tpu.memory_space<vmem>>, vector<16xf32>,
        %max3A_724 = arith.maximumf %max3A_716, %get3A_723 : vector<16xf32>
        %mul3A_725 = arith.constant 16 : i32
        %mul3A_726 = arith.muli %while3A_158, %mul3A_725 : i32
        %add3A_727 = arith.constant 6 : i32
        %add3A_728 = arith.addi %mul3A_726, %add3A_727 : i32
        %get3A_729 = arith.index_cast %add3A_728 : i32 to index
        %get3A_730 = arith.constant 64 : index
        %get3A_731 = tpu.vector_load %arg8[%get3A_729, %get3A_730] {strides = array<i32>} : memref<80x128xf32, #tpu.memory_space<vmem>>, vector<16xf32>,
        %max3A_732 = arith.maximumf %max3A_724, %get3A_731 : vector<16xf32>
        %mul3A_733 = arith.constant 16 : i32
        %mul3A_734 = arith.muli %while3A_158, %mul3A_733 : i32
        %add3A_735 = arith.constant 7 : i32
        %add3A_736 = arith.addi %mul3A_734, %add3A_735 : i32
        %get3A_737 = arith.index_cast %add3A_736 : i32 to index
        %get3A_738 = arith.constant 64 : index
        %get3A_739 = tpu.vector_load %arg8[%get3A_737, %get3A_738] {strides = array<i32>} : memref<80x128xf32, #tpu.memory_space<vmem>>, vector<16xf32>,
        %max3A_740 = arith.maximumf %max3A_732, %get3A_739 : vector<16xf32>
        %mul3A_741 = arith.constant 16 : i32
        %mul3A_742 = arith.muli %while3A_158, %mul3A_741 : i32
        %add3A_743 = arith.constant 8 : i32
        %add3A_744 = arith.addi %mul3A_742, %add3A_743 : i32
        %get3A_745 = arith.index_cast %add3A_744 : i32 to index
        %get3A_746 = arith.constant 64 : index
        %get3A_747 = tpu.vector_load %arg8[%get3A_745, %get3A_746] {strides = array<i32>} : memref<80x128xf32, #tpu.memory_space<vmem>>, vector<16xf32>,
        %max3A_748 = arith.maximumf %max3A_740, %get3A_747 : vector<16xf32>
        %mul3A_749 = arith.constant 16 : i32
        %mul3A_750 = arith.muli %while3A_158, %mul3A_749 : i32
        %add3A_751 = arith.constant 9 : i32
        %add3A_752 = arith.addi %mul3A_750, %add3A_751 : i32
        %get3A_753 = arith.index_cast %add3A_752 : i32 to index
        %get3A_754 = arith.constant 64 : index
        %get3A_755 = tpu.vector_load %arg8[%get3A_753, %get3A_754] {strides = array<i32>} : memref<80x128xf32, #tpu.memory_space<vmem>>, vector<16xf32>,
        %max3A_756 = arith.maximumf %max3A_748, %get3A_755 : vector<16xf32>
        %mul3A_757 = arith.constant 16 : i32
        %mul3A_758 = arith.muli %while3A_158, %mul3A_757 : i32
        %add3A_759 = arith.constant 10 : i32
        %add3A_760 = arith.addi %mul3A_758, %add3A_759 : i32
        %get3A_761 = arith.index_cast %add3A_760 : i32 to index
        %get3A_762 = arith.constant 64 : index
        %get3A_763 = tpu.vector_load %arg8[%get3A_761, %get3A_762] {strides = array<i32>} : memref<80x128xf32, #tpu.memory_space<vmem>>, vector<16xf32>,
        %max3A_764 = arith.maximumf %max3A_756, %get3A_763 : vector<16xf32>
        %mul3A_765 = arith.constant 16 : i32
        %mul3A_766 = arith.muli %while3A_158, %mul3A_765 : i32
        %add3A_767 = arith.constant 11 : i32
        %add3A_768 = arith.addi %mul3A_766, %add3A_767 : i32
        %get3A_769 = arith.index_cast %add3A_768 : i32 to index
        %get3A_770 = arith.constant 64 : index
        %get3A_771 = tpu.vector_load %arg8[%get3A_769, %get3A_770] {strides = array<i32>} : memref<80x128xf32, #tpu.memory_space<vmem>>, vector<16xf32>,
        %max3A_772 = arith.maximumf %max3A_764, %get3A_771 : vector<16xf32>
        %mul3A_773 = arith.constant 16 : i32
        %mul3A_774 = arith.muli %while3A_158, %mul3A_773 : i32
        %add3A_775 = arith.constant 12 : i32
        %add3A_776 = arith.addi %mul3A_774, %add3A_775 : i32
        %get3A_777 = arith.index_cast %add3A_776 : i32 to index
        %get3A_778 = arith.constant 64 : index
        %get3A_779 = tpu.vector_load %arg8[%get3A_777, %get3A_778] {strides = array<i32>} : memref<80x128xf32, #tpu.memory_space<vmem>>, vector<16xf32>,
        %max3A_780 = arith.maximumf %max3A_772, %get3A_779 : vector<16xf32>
        %mul3A_781 = arith.constant 16 : i32
        %mul3A_782 = arith.muli %while3A_158, %mul3A_781 : i32
        %add3A_783 = arith.constant 13 : i32
        %add3A_784 = arith.addi %mul3A_782, %add3A_783 : i32
        %get3A_785 = arith.index_cast %add3A_784 : i32 to index
        %get3A_786 = arith.constant 64 : index
        %get3A_787 = tpu.vector_load %arg8[%get3A_785, %get3A_786] {strides = array<i32>} : memref<80x128xf32, #tpu.memory_space<vmem>>, vector<16xf32>,
        %max3A_788 = arith.maximumf %max3A_780, %get3A_787 : vector<16xf32>
        %mul3A_789 = arith.constant 16 : i32
        %mul3A_790 = arith.muli %while3A_158, %mul3A_789 : i32
        %add3A_791 = arith.constant 14 : i32
        %add3A_792 = arith.addi %mul3A_790, %add3A_791 : i32
        %get3A_793 = arith.index_cast %add3A_792 : i32 to index
        %get3A_794 = arith.constant 64 : index
        %get3A_795 = tpu.vector_load %arg8[%get3A_793, %get3A_794] {strides = array<i32>} : memref<80x128xf32, #tpu.memory_space<vmem>>, vector<16xf32>,
        %max3A_796 = arith.maximumf %max3A_788, %get3A_795 : vector<16xf32>
        %mul3A_797 = arith.constant 16 : i32
        %mul3A_798 = arith.muli %while3A_158, %mul3A_797 : i32
        %add3A_799 = arith.constant 15 : i32
        %add3A_800 = arith.addi %mul3A_798, %add3A_799 : i32
        %get3A_801 = arith.index_cast %add3A_800 : i32 to index
        %get3A_802 = arith.constant 64 : index
        %get3A_803 = tpu.vector_load %arg8[%get3A_801, %get3A_802] {strides = array<i32>} : memref<80x128xf32, #tpu.memory_space<vmem>>, vector<16xf32>,
        %max3A_804 = arith.maximumf %max3A_796, %get3A_803 : vector<16xf32>
        %mul3A_805 = arith.constant 16 : i32
        %mul3A_806 = arith.muli %while3A_158, %mul3A_805 : i32
        %add3A_807 = arith.constant 0 : i32
        %add3A_808 = arith.addi %mul3A_806, %add3A_807 : i32
        %get3A_809 = arith.index_cast %add3A_808 : i32 to index
        %get3A_810 = arith.constant 80 : index
        %get3A_811 = tpu.vector_load %arg8[%get3A_809, %get3A_810] {strides = array<i32>} : memref<80x128xf32, #tpu.memory_space<vmem>>, vector<16xf32>,
        %max3A_812 = arith.maximumf %while3A_164, %get3A_811 : vector<16xf32>
        %mul3A_813 = arith.constant 16 : i32
        %mul3A_814 = arith.muli %while3A_158, %mul3A_813 : i32
        %add3A_815 = arith.constant 1 : i32
        %add3A_816 = arith.addi %mul3A_814, %add3A_815 : i32
        %get3A_817 = arith.index_cast %add3A_816 : i32 to index
        %get3A_818 = arith.constant 80 : index
        %get3A_819 = tpu.vector_load %arg8[%get3A_817, %get3A_818] {strides = array<i32>} : memref<80x128xf32, #tpu.memory_space<vmem>>, vector<16xf32>,
        %max3A_820 = arith.maximumf %max3A_812, %get3A_819 : vector<16xf32>
        %mul3A_821 = arith.constant 16 : i32
        %mul3A_822 = arith.muli %while3A_158, %mul3A_821 : i32
        %add3A_823 = arith.constant 2 : i32
        %add3A_824 = arith.addi %mul3A_822, %add3A_823 : i32
        %get3A_825 = arith.index_cast %add3A_824 : i32 to index
        %get3A_826 = arith.constant 80 : index
        %get3A_827 = tpu.vector_load %arg8[%get3A_825, %get3A_826] {strides = array<i32>} : memref<80x128xf32, #tpu.memory_space<vmem>>, vector<16xf32>,
        %max3A_828 = arith.maximumf %max3A_820, %get3A_827 : vector<16xf32>
        %mul3A_829 = arith.constant 16 : i32
        %mul3A_830 = arith.muli %while3A_158, %mul3A_829 : i32
        %add3A_831 = arith.constant 3 : i32
        %add3A_832 = arith.addi %mul3A_830, %add3A_831 : i32
        %get3A_833 = arith.index_cast %add3A_832 : i32 to index
        %get3A_834 = arith.constant 80 : index
        %get3A_835 = tpu.vector_load %arg8[%get3A_833, %get3A_834] {strides = array<i32>} : memref<80x128xf32, #tpu.memory_space<vmem>>, vector<16xf32>,
        %max3A_836 = arith.maximumf %max3A_828, %get3A_835 : vector<16xf32>
        %mul3A_837 = arith.constant 16 : i32
        %mul3A_838 = arith.muli %while3A_158, %mul3A_837 : i32
        %add3A_839 = arith.constant 4 : i32
        %add3A_840 = arith.addi %mul3A_838, %add3A_839 : i32
        %get3A_841 = arith.index_cast %add3A_840 : i32 to index
        %get3A_842 = arith.constant 80 : index
        %get3A_843 = tpu.vector_load %arg8[%get3A_841, %get3A_842] {strides = array<i32>} : memref<80x128xf32, #tpu.memory_space<vmem>>, vector<16xf32>,
        %max3A_844 = arith.maximumf %max3A_836, %get3A_843 : vector<16xf32>
        %mul3A_845 = arith.constant 16 : i32
        %mul3A_846 = arith.muli %while3A_158, %mul3A_845 : i32
        %add3A_847 = arith.constant 5 : i32
        %add3A_848 = arith.addi %mul3A_846, %add3A_847 : i32
        %get3A_849 = arith.index_cast %add3A_848 : i32 to index
        %get3A_850 = arith.constant 80 : index
        %get3A_851 = tpu.vector_load %arg8[%get3A_849, %get3A_850] {strides = array<i32>} : memref<80x128xf32, #tpu.memory_space<vmem>>, vector<16xf32>,
        %max3A_852 = arith.maximumf %max3A_844, %get3A_851 : vector<16xf32>
        %mul3A_853 = arith.constant 16 : i32
        %mul3A_854 = arith.muli %while3A_158, %mul3A_853 : i32
        %add3A_855 = arith.constant 6 : i32
        %add3A_856 = arith.addi %mul3A_854, %add3A_855 : i32
        %get3A_857 = arith.index_cast %add3A_856 : i32 to index
        %get3A_858 = arith.constant 80 : index
        %get3A_859 = tpu.vector_load %arg8[%get3A_857, %get3A_858] {strides = array<i32>} : memref<80x128xf32, #tpu.memory_space<vmem>>, vector<16xf32>,
        %max3A_860 = arith.maximumf %max3A_852, %get3A_859 : vector<16xf32>
        %mul3A_861 = arith.constant 16 : i32
        %mul3A_862 = arith.muli %while3A_158, %mul3A_861 : i32
        %add3A_863 = arith.constant 7 : i32
        %add3A_864 = arith.addi %mul3A_862, %add3A_863 : i32
        %get3A_865 = arith.index_cast %add3A_864 : i32 to index
        %get3A_866 = arith.constant 80 : index
        %get3A_867 = tpu.vector_load %arg8[%get3A_865, %get3A_866] {strides = array<i32>} : memref<80x128xf32, #tpu.memory_space<vmem>>, vector<16xf32>,
        %max3A_868 = arith.maximumf %max3A_860, %get3A_867 : vector<16xf32>
        %mul3A_869 = arith.constant 16 : i32
        %mul3A_870 = arith.muli %while3A_158, %mul3A_869 : i32
        %add3A_871 = arith.constant 8 : i32
        %add3A_872 = arith.addi %mul3A_870, %add3A_871 : i32
        %get3A_873 = arith.index_cast %add3A_872 : i32 to index
        %get3A_874 = arith.constant 80 : index
        %get3A_875 = tpu.vector_load %arg8[%get3A_873, %get3A_874] {strides = array<i32>} : memref<80x128xf32, #tpu.memory_space<vmem>>, vector<16xf32>,
        %max3A_876 = arith.maximumf %max3A_868, %get3A_875 : vector<16xf32>
        %mul3A_877 = arith.constant 16 : i32
        %mul3A_878 = arith.muli %while3A_158, %mul3A_877 : i32
        %add3A_879 = arith.constant 9 : i32
        %add3A_880 = arith.addi %mul3A_878, %add3A_879 : i32
        %get3A_881 = arith.index_cast %add3A_880 : i32 to index
        %get3A_882 = arith.constant 80 : index
        %get3A_883 = tpu.vector_load %arg8[%get3A_881, %get3A_882] {strides = array<i32>} : memref<80x128xf32, #tpu.memory_space<vmem>>, vector<16xf32>,
        %max3A_884 = arith.maximumf %max3A_876, %get3A_883 : vector<16xf32>
        %mul3A_885 = arith.constant 16 : i32
        %mul3A_886 = arith.muli %while3A_158, %mul3A_885 : i32
        %add3A_887 = arith.constant 10 : i32
        %add3A_888 = arith.addi %mul3A_886, %add3A_887 : i32
        %get3A_889 = arith.index_cast %add3A_888 : i32 to index
        %get3A_890 = arith.constant 80 : index
        %get3A_891 = tpu.vector_load %arg8[%get3A_889, %get3A_890] {strides = array<i32>} : memref<80x128xf32, #tpu.memory_space<vmem>>, vector<16xf32>,
        %max3A_892 = arith.maximumf %max3A_884, %get3A_891 : vector<16xf32>
        %mul3A_893 = arith.constant 16 : i32
        %mul3A_894 = arith.muli %while3A_158, %mul3A_893 : i32
        %add3A_895 = arith.constant 11 : i32
        %add3A_896 = arith.addi %mul3A_894, %add3A_895 : i32
        %get3A_897 = arith.index_cast %add3A_896 : i32 to index
        %get3A_898 = arith.constant 80 : index
        %get3A_899 = tpu.vector_load %arg8[%get3A_897, %get3A_898] {strides = array<i32>} : memref<80x128xf32, #tpu.memory_space<vmem>>, vector<16xf32>,
        %max3A_900 = arith.maximumf %max3A_892, %get3A_899 : vector<16xf32>
        %mul3A_901 = arith.constant 16 : i32
        %mul3A_902 = arith.muli %while3A_158, %mul3A_901 : i32
        %add3A_903 = arith.constant 12 : i32
        %add3A_904 = arith.addi %mul3A_902, %add3A_903 : i32
        %get3A_905 = arith.index_cast %add3A_904 : i32 to index
        %get3A_906 = arith.constant 80 : index
        %get3A_907 = tpu.vector_load %arg8[%get3A_905, %get3A_906] {strides = array<i32>} : memref<80x128xf32, #tpu.memory_space<vmem>>, vector<16xf32>,
        %max3A_908 = arith.maximumf %max3A_900, %get3A_907 : vector<16xf32>
        %mul3A_909 = arith.constant 16 : i32
        %mul3A_910 = arith.muli %while3A_158, %mul3A_909 : i32
        %add3A_911 = arith.constant 13 : i32
        %add3A_912 = arith.addi %mul3A_910, %add3A_911 : i32
        %get3A_913 = arith.index_cast %add3A_912 : i32 to index
        %get3A_914 = arith.constant 80 : index
        %get3A_915 = tpu.vector_load %arg8[%get3A_913, %get3A_914] {strides = array<i32>} : memref<80x128xf32, #tpu.memory_space<vmem>>, vector<16xf32>,
        %max3A_916 = arith.maximumf %max3A_908, %get3A_915 : vector<16xf32>
        %mul3A_917 = arith.constant 16 : i32
        %mul3A_918 = arith.muli %while3A_158, %mul3A_917 : i32
        %add3A_919 = arith.constant 14 : i32
        %add3A_920 = arith.addi %mul3A_918, %add3A_919 : i32
        %get3A_921 = arith.index_cast %add3A_920 : i32 to index
        %get3A_922 = arith.constant 80 : index
        %get3A_923 = tpu.vector_load %arg8[%get3A_921, %get3A_922] {strides = array<i32>} : memref<80x128xf32, #tpu.memory_space<vmem>>, vector<16xf32>,
        %max3A_924 = arith.maximumf %max3A_916, %get3A_923 : vector<16xf32>
        %mul3A_925 = arith.constant 16 : i32
        %mul3A_926 = arith.muli %while3A_158, %mul3A_925 : i32
        %add3A_927 = arith.constant 15 : i32
        %add3A_928 = arith.addi %mul3A_926, %add3A_927 : i32
        %get3A_929 = arith.index_cast %add3A_928 : i32 to index
        %get3A_930 = arith.constant 80 : index
        %get3A_931 = tpu.vector_load %arg8[%get3A_929, %get3A_930] {strides = array<i32>} : memref<80x128xf32, #tpu.memory_space<vmem>>, vector<16xf32>,
        %max3A_932 = arith.maximumf %max3A_924, %get3A_931 : vector<16xf32>
        %mul3A_933 = arith.constant 16 : i32
        %mul3A_934 = arith.muli %while3A_158, %mul3A_933 : i32
        %add3A_935 = arith.constant 0 : i32
        %add3A_936 = arith.addi %mul3A_934, %add3A_935 : i32
        %get3A_937 = arith.index_cast %add3A_936 : i32 to index
        %get3A_938 = arith.constant 96 : index
        %get3A_939 = tpu.vector_load %arg8[%get3A_937, %get3A_938] {strides = array<i32>} : memref<80x128xf32, #tpu.memory_space<vmem>>, vector<16xf32>,
        %max3A_940 = arith.maximumf %while3A_165, %get3A_939 : vector<16xf32>
        %mul3A_941 = arith.constant 16 : i32
        %mul3A_942 = arith.muli %while3A_158, %mul3A_941 : i32
        %add3A_943 = arith.constant 1 : i32
        %add3A_944 = arith.addi %mul3A_942, %add3A_943 : i32
        %get3A_945 = arith.index_cast %add3A_944 : i32 to index
        %get3A_946 = arith.constant 96 : index
        %get3A_947 = tpu.vector_load %arg8[%get3A_945, %get3A_946] {strides = array<i32>} : memref<80x128xf32, #tpu.memory_space<vmem>>, vector<16xf32>,
        %max3A_948 = arith.maximumf %max3A_940, %get3A_947 : vector<16xf32>
        %mul3A_949 = arith.constant 16 : i32
        %mul3A_950 = arith.muli %while3A_158, %mul3A_949 : i32
        %add3A_951 = arith.constant 2 : i32
        %add3A_952 = arith.addi %mul3A_950, %add3A_951 : i32
        %get3A_953 = arith.index_cast %add3A_952 : i32 to index
        %get3A_954 = arith.constant 96 : index
        %get3A_955 = tpu.vector_load %arg8[%get3A_953, %get3A_954] {strides = array<i32>} : memref<80x128xf32, #tpu.memory_space<vmem>>, vector<16xf32>,
        %max3A_956 = arith.maximumf %max3A_948, %get3A_955 : vector<16xf32>
        %mul3A_957 = arith.constant 16 : i32
        %mul3A_958 = arith.muli %while3A_158, %mul3A_957 : i32
        %add3A_959 = arith.constant 3 : i32
        %add3A_960 = arith.addi %mul3A_958, %add3A_959 : i32
        %get3A_961 = arith.index_cast %add3A_960 : i32 to index
        %get3A_962 = arith.constant 96 : index
        %get3A_963 = tpu.vector_load %arg8[%get3A_961, %get3A_962] {strides = array<i32>} : memref<80x128xf32, #tpu.memory_space<vmem>>, vector<16xf32>,
        %max3A_964 = arith.maximumf %max3A_956, %get3A_963 : vector<16xf32>
        %mul3A_965 = arith.constant 16 : i32
        %mul3A_966 = arith.muli %while3A_158, %mul3A_965 : i32
        %add3A_967 = arith.constant 4 : i32
        %add3A_968 = arith.addi %mul3A_966, %add3A_967 : i32
        %get3A_969 = arith.index_cast %add3A_968 : i32 to index
        %get3A_970 = arith.constant 96 : index
        %get3A_971 = tpu.vector_load %arg8[%get3A_969, %get3A_970] {strides = array<i32>} : memref<80x128xf32, #tpu.memory_space<vmem>>, vector<16xf32>,
        %max3A_972 = arith.maximumf %max3A_964, %get3A_971 : vector<16xf32>
        %mul3A_973 = arith.constant 16 : i32
        %mul3A_974 = arith.muli %while3A_158, %mul3A_973 : i32
        %add3A_975 = arith.constant 5 : i32
        %add3A_976 = arith.addi %mul3A_974, %add3A_975 : i32
        %get3A_977 = arith.index_cast %add3A_976 : i32 to index
        %get3A_978 = arith.constant 96 : index
        %get3A_979 = tpu.vector_load %arg8[%get3A_977, %get3A_978] {strides = array<i32>} : memref<80x128xf32, #tpu.memory_space<vmem>>, vector<16xf32>,
        %max3A_980 = arith.maximumf %max3A_972, %get3A_979 : vector<16xf32>
        %mul3A_981 = arith.constant 16 : i32
        %mul3A_982 = arith.muli %while3A_158, %mul3A_981 : i32
        %add3A_983 = arith.constant 6 : i32
        %add3A_984 = arith.addi %mul3A_982, %add3A_983 : i32
        %get3A_985 = arith.index_cast %add3A_984 : i32 to index
        %get3A_986 = arith.constant 96 : index
        %get3A_987 = tpu.vector_load %arg8[%get3A_985, %get3A_986] {strides = array<i32>} : memref<80x128xf32, #tpu.memory_space<vmem>>, vector<16xf32>,
        %max3A_988 = arith.maximumf %max3A_980, %get3A_987 : vector<16xf32>
        %mul3A_989 = arith.constant 16 : i32
        %mul3A_990 = arith.muli %while3A_158, %mul3A_989 : i32
        %add3A_991 = arith.constant 7 : i32
        %add3A_992 = arith.addi %mul3A_990, %add3A_991 : i32
        %get3A_993 = arith.index_cast %add3A_992 : i32 to index
        %get3A_994 = arith.constant 96 : index
        %get3A_995 = tpu.vector_load %arg8[%get3A_993, %get3A_994] {strides = array<i32>} : memref<80x128xf32, #tpu.memory_space<vmem>>, vector<16xf32>,
        %max3A_996 = arith.maximumf %max3A_988, %get3A_995 : vector<16xf32>
        %mul3A_997 = arith.constant 16 : i32
        %mul3A_998 = arith.muli %while3A_158, %mul3A_997 : i32
        %add3A_999 = arith.constant 8 : i32
        %add3A_1000 = arith.addi %mul3A_998, %add3A_999 : i32
        %get3A_1001 = arith.index_cast %add3A_1000 : i32 to index
        %get3A_1002 = arith.constant 96 : index
        %get3A_1003 = tpu.vector_load %arg8[%get3A_1001, %get3A_1002] {strides = array<i32>} : memref<80x128xf32, #tpu.memory_space<vmem>>, vector<16xf32>,
        %max3A_1004 = arith.maximumf %max3A_996, %get3A_1003 : vector<16xf32>
        %mul3A_1005 = arith.constant 16 : i32
        %mul3A_1006 = arith.muli %while3A_158, %mul3A_1005 : i32
        %add3A_1007 = arith.constant 9 : i32
        %add3A_1008 = arith.addi %mul3A_1006, %add3A_1007 : i32
        %get3A_1009 = arith.index_cast %add3A_1008 : i32 to index
        %get3A_1010 = arith.constant 96 : index
        %get3A_1011 = tpu.vector_load %arg8[%get3A_1009, %get3A_1010] {strides = array<i32>} : memref<80x128xf32, #tpu.memory_space<vmem>>, vector<16xf32>,
        %max3A_1012 = arith.maximumf %max3A_1004, %get3A_1011 : vector<16xf32>
        %mul3A_1013 = arith.constant 16 : i32
        %mul3A_1014 = arith.muli %while3A_158, %mul3A_1013 : i32
        %add3A_1015 = arith.constant 10 : i32
        %add3A_1016 = arith.addi %mul3A_1014, %add3A_1015 : i32
        %get3A_1017 = arith.index_cast %add3A_1016 : i32 to index
        %get3A_1018 = arith.constant 96 : index
        %get3A_1019 = tpu.vector_load %arg8[%get3A_1017, %get3A_1018] {strides = array<i32>} : memref<80x128xf32, #tpu.memory_space<vmem>>, vector<16xf32>,
        %max3A_1020 = arith.maximumf %max3A_1012, %get3A_1019 : vector<16xf32>
        %mul3A_1021 = arith.constant 16 : i32
        %mul3A_1022 = arith.muli %while3A_158, %mul3A_1021 : i32
        %add3A_1023 = arith.constant 11 : i32
        %add3A_1024 = arith.addi %mul3A_1022, %add3A_1023 : i32
        %get3A_1025 = arith.index_cast %add3A_1024 : i32 to index
        %get3A_1026 = arith.constant 96 : index
        %get3A_1027 = tpu.vector_load %arg8[%get3A_1025, %get3A_1026] {strides = array<i32>} : memref<80x128xf32, #tpu.memory_space<vmem>>, vector<16xf32>,
        %max3A_1028 = arith.maximumf %max3A_1020, %get3A_1027 : vector<16xf32>
        %mul3A_1029 = arith.constant 16 : i32
        %mul3A_1030 = arith.muli %while3A_158, %mul3A_1029 : i32
        %add3A_1031 = arith.constant 12 : i32
        %add3A_1032 = arith.addi %mul3A_1030, %add3A_1031 : i32
        %get3A_1033 = arith.index_cast %add3A_1032 : i32 to index
        %get3A_1034 = arith.constant 96 : index
        %get3A_1035 = tpu.vector_load %arg8[%get3A_1033, %get3A_1034] {strides = array<i32>} : memref<80x128xf32, #tpu.memory_space<vmem>>, vector<16xf32>,
        %max3A_1036 = arith.maximumf %max3A_1028, %get3A_1035 : vector<16xf32>
        %mul3A_1037 = arith.constant 16 : i32
        %mul3A_1038 = arith.muli %while3A_158, %mul3A_1037 : i32
        %add3A_1039 = arith.constant 13 : i32
        %add3A_1040 = arith.addi %mul3A_1038, %add3A_1039 : i32
        %get3A_1041 = arith.index_cast %add3A_1040 : i32 to index
        %get3A_1042 = arith.constant 96 : index
        %get3A_1043 = tpu.vector_load %arg8[%get3A_1041, %get3A_1042] {strides = array<i32>} : memref<80x128xf32, #tpu.memory_space<vmem>>, vector<16xf32>,
        %max3A_1044 = arith.maximumf %max3A_1036, %get3A_1043 : vector<16xf32>
        %mul3A_1045 = arith.constant 16 : i32
        %mul3A_1046 = arith.muli %while3A_158, %mul3A_1045 : i32
        %add3A_1047 = arith.constant 14 : i32
        %add3A_1048 = arith.addi %mul3A_1046, %add3A_1047 : i32
        %get3A_1049 = arith.index_cast %add3A_1048 : i32 to index
        %get3A_1050 = arith.constant 96 : index
        %get3A_1051 = tpu.vector_load %arg8[%get3A_1049, %get3A_1050] {strides = array<i32>} : memref<80x128xf32, #tpu.memory_space<vmem>>, vector<16xf32>,
        %max3A_1052 = arith.maximumf %max3A_1044, %get3A_1051 : vector<16xf32>
        %mul3A_1053 = arith.constant 16 : i32
        %mul3A_1054 = arith.muli %while3A_158, %mul3A_1053 : i32
        %add3A_1055 = arith.constant 15 : i32
        %add3A_1056 = arith.addi %mul3A_1054, %add3A_1055 : i32
        %get3A_1057 = arith.index_cast %add3A_1056 : i32 to index
        %get3A_1058 = arith.constant 96 : index
        %get3A_1059 = tpu.vector_load %arg8[%get3A_1057, %get3A_1058] {strides = array<i32>} : memref<80x128xf32, #tpu.memory_space<vmem>>, vector<16xf32>,
        %max3A_1060 = arith.maximumf %max3A_1052, %get3A_1059 : vector<16xf32>
        %mul3A_1061 = arith.constant 16 : i32
        %mul3A_1062 = arith.muli %while3A_158, %mul3A_1061 : i32
        %add3A_1063 = arith.constant 0 : i32
        %add3A_1064 = arith.addi %mul3A_1062, %add3A_1063 : i32
        %get3A_1065 = arith.index_cast %add3A_1064 : i32 to index
        %get3A_1066 = arith.constant 112 : index
        %get3A_1067 = tpu.vector_load %arg8[%get3A_1065, %get3A_1066] {strides = array<i32>} : memref<80x128xf32, #tpu.memory_space<vmem>>, vector<16xf32>,
        %max3A_1068 = arith.maximumf %while3A_166, %get3A_1067 : vector<16xf32>
        %mul3A_1069 = arith.constant 16 : i32
        %mul3A_1070 = arith.muli %while3A_158, %mul3A_1069 : i32
        %add3A_1071 = arith.constant 1 : i32
        %add3A_1072 = arith.addi %mul3A_1070, %add3A_1071 : i32
        %get3A_1073 = arith.index_cast %add3A_1072 : i32 to index
        %get3A_1074 = arith.constant 112 : index
        %get3A_1075 = tpu.vector_load %arg8[%get3A_1073, %get3A_1074] {strides = array<i32>} : memref<80x128xf32, #tpu.memory_space<vmem>>, vector<16xf32>,
        %max3A_1076 = arith.maximumf %max3A_1068, %get3A_1075 : vector<16xf32>
        %mul3A_1077 = arith.constant 16 : i32
        %mul3A_1078 = arith.muli %while3A_158, %mul3A_1077 : i32
        %add3A_1079 = arith.constant 2 : i32
        %add3A_1080 = arith.addi %mul3A_1078, %add3A_1079 : i32
        %get3A_1081 = arith.index_cast %add3A_1080 : i32 to index
        %get3A_1082 = arith.constant 112 : index
        %get3A_1083 = tpu.vector_load %arg8[%get3A_1081, %get3A_1082] {strides = array<i32>} : memref<80x128xf32, #tpu.memory_space<vmem>>, vector<16xf32>,
        %max3A_1084 = arith.maximumf %max3A_1076, %get3A_1083 : vector<16xf32>
        %mul3A_1085 = arith.constant 16 : i32
        %mul3A_1086 = arith.muli %while3A_158, %mul3A_1085 : i32
        %add3A_1087 = arith.constant 3 : i32
        %add3A_1088 = arith.addi %mul3A_1086, %add3A_1087 : i32
        %get3A_1089 = arith.index_cast %add3A_1088 : i32 to index
        %get3A_1090 = arith.constant 112 : index
        %get3A_1091 = tpu.vector_load %arg8[%get3A_1089, %get3A_1090] {strides = array<i32>} : memref<80x128xf32, #tpu.memory_space<vmem>>, vector<16xf32>,
        %max3A_1092 = arith.maximumf %max3A_1084, %get3A_1091 : vector<16xf32>
        %mul3A_1093 = arith.constant 16 : i32
        %mul3A_1094 = arith.muli %while3A_158, %mul3A_1093 : i32
        %add3A_1095 = arith.constant 4 : i32
        %add3A_1096 = arith.addi %mul3A_1094, %add3A_1095 : i32
        %get3A_1097 = arith.index_cast %add3A_1096 : i32 to index
        %get3A_1098 = arith.constant 112 : index
        %get3A_1099 = tpu.vector_load %arg8[%get3A_1097, %get3A_1098] {strides = array<i32>} : memref<80x128xf32, #tpu.memory_space<vmem>>, vector<16xf32>,
        %max3A_1100 = arith.maximumf %max3A_1092, %get3A_1099 : vector<16xf32>
        %mul3A_1101 = arith.constant 16 : i32
        %mul3A_1102 = arith.muli %while3A_158, %mul3A_1101 : i32
        %add3A_1103 = arith.constant 5 : i32
        %add3A_1104 = arith.addi %mul3A_1102, %add3A_1103 : i32
        %get3A_1105 = arith.index_cast %add3A_1104 : i32 to index
        %get3A_1106 = arith.constant 112 : index
        %get3A_1107 = tpu.vector_load %arg8[%get3A_1105, %get3A_1106] {strides = array<i32>} : memref<80x128xf32, #tpu.memory_space<vmem>>, vector<16xf32>,
        %max3A_1108 = arith.maximumf %max3A_1100, %get3A_1107 : vector<16xf32>
        %mul3A_1109 = arith.constant 16 : i32
        %mul3A_1110 = arith.muli %while3A_158, %mul3A_1109 : i32
        %add3A_1111 = arith.constant 6 : i32
        %add3A_1112 = arith.addi %mul3A_1110, %add3A_1111 : i32
        %get3A_1113 = arith.index_cast %add3A_1112 : i32 to index
        %get3A_1114 = arith.constant 112 : index
        %get3A_1115 = tpu.vector_load %arg8[%get3A_1113, %get3A_1114] {strides = array<i32>} : memref<80x128xf32, #tpu.memory_space<vmem>>, vector<16xf32>,
        %max3A_1116 = arith.maximumf %max3A_1108, %get3A_1115 : vector<16xf32>
        %mul3A_1117 = arith.constant 16 : i32
        %mul3A_1118 = arith.muli %while3A_158, %mul3A_1117 : i32
        %add3A_1119 = arith.constant 7 : i32
        %add3A_1120 = arith.addi %mul3A_1118, %add3A_1119 : i32
        %get3A_1121 = arith.index_cast %add3A_1120 : i32 to index
        %get3A_1122 = arith.constant 112 : index
        %get3A_1123 = tpu.vector_load %arg8[%get3A_1121, %get3A_1122] {strides = array<i32>} : memref<80x128xf32, #tpu.memory_space<vmem>>, vector<16xf32>,
        %max3A_1124 = arith.maximumf %max3A_1116, %get3A_1123 : vector<16xf32>
        %mul3A_1125 = arith.constant 16 : i32
        %mul3A_1126 = arith.muli %while3A_158, %mul3A_1125 : i32
        %add3A_1127 = arith.constant 8 : i32
        %add3A_1128 = arith.addi %mul3A_1126, %add3A_1127 : i32
        %get3A_1129 = arith.index_cast %add3A_1128 : i32 to index
        %get3A_1130 = arith.constant 112 : index
        %get3A_1131 = tpu.vector_load %arg8[%get3A_1129, %get3A_1130] {strides = array<i32>} : memref<80x128xf32, #tpu.memory_space<vmem>>, vector<16xf32>,
        %max3A_1132 = arith.maximumf %max3A_1124, %get3A_1131 : vector<16xf32>
        %mul3A_1133 = arith.constant 16 : i32
        %mul3A_1134 = arith.muli %while3A_158, %mul3A_1133 : i32
        %add3A_1135 = arith.constant 9 : i32
        %add3A_1136 = arith.addi %mul3A_1134, %add3A_1135 : i32
        %get3A_1137 = arith.index_cast %add3A_1136 : i32 to index
        %get3A_1138 = arith.constant 112 : index
        %get3A_1139 = tpu.vector_load %arg8[%get3A_1137, %get3A_1138] {strides = array<i32>} : memref<80x128xf32, #tpu.memory_space<vmem>>, vector<16xf32>,
        %max3A_1140 = arith.maximumf %max3A_1132, %get3A_1139 : vector<16xf32>
        %mul3A_1141 = arith.constant 16 : i32
        %mul3A_1142 = arith.muli %while3A_158, %mul3A_1141 : i32
        %add3A_1143 = arith.constant 10 : i32
        %add3A_1144 = arith.addi %mul3A_1142, %add3A_1143 : i32
        %get3A_1145 = arith.index_cast %add3A_1144 : i32 to index
        %get3A_1146 = arith.constant 112 : index
        %get3A_1147 = tpu.vector_load %arg8[%get3A_1145, %get3A_1146] {strides = array<i32>} : memref<80x128xf32, #tpu.memory_space<vmem>>, vector<16xf32>,
        %max3A_1148 = arith.maximumf %max3A_1140, %get3A_1147 : vector<16xf32>
        %mul3A_1149 = arith.constant 16 : i32
        %mul3A_1150 = arith.muli %while3A_158, %mul3A_1149 : i32
        %add3A_1151 = arith.constant 11 : i32
        %add3A_1152 = arith.addi %mul3A_1150, %add3A_1151 : i32
        %get3A_1153 = arith.index_cast %add3A_1152 : i32 to index
        %get3A_1154 = arith.constant 112 : index
        %get3A_1155 = tpu.vector_load %arg8[%get3A_1153, %get3A_1154] {strides = array<i32>} : memref<80x128xf32, #tpu.memory_space<vmem>>, vector<16xf32>,
        %max3A_1156 = arith.maximumf %max3A_1148, %get3A_1155 : vector<16xf32>
        %mul3A_1157 = arith.constant 16 : i32
        %mul3A_1158 = arith.muli %while3A_158, %mul3A_1157 : i32
        %add3A_1159 = arith.constant 12 : i32
        %add3A_1160 = arith.addi %mul3A_1158, %add3A_1159 : i32
        %get3A_1161 = arith.index_cast %add3A_1160 : i32 to index
        %get3A_1162 = arith.constant 112 : index
        %get3A_1163 = tpu.vector_load %arg8[%get3A_1161, %get3A_1162] {strides = array<i32>} : memref<80x128xf32, #tpu.memory_space<vmem>>, vector<16xf32>,
        %max3A_1164 = arith.maximumf %max3A_1156, %get3A_1163 : vector<16xf32>
        %mul3A_1165 = arith.constant 16 : i32
        %mul3A_1166 = arith.muli %while3A_158, %mul3A_1165 : i32
        %add3A_1167 = arith.constant 13 : i32
        %add3A_1168 = arith.addi %mul3A_1166, %add3A_1167 : i32
        %get3A_1169 = arith.index_cast %add3A_1168 : i32 to index
        %get3A_1170 = arith.constant 112 : index
        %get3A_1171 = tpu.vector_load %arg8[%get3A_1169, %get3A_1170] {strides = array<i32>} : memref<80x128xf32, #tpu.memory_space<vmem>>, vector<16xf32>,
        %max3A_1172 = arith.maximumf %max3A_1164, %get3A_1171 : vector<16xf32>
        %mul3A_1173 = arith.constant 16 : i32
        %mul3A_1174 = arith.muli %while3A_158, %mul3A_1173 : i32
        %add3A_1175 = arith.constant 14 : i32
        %add3A_1176 = arith.addi %mul3A_1174, %add3A_1175 : i32
        %get3A_1177 = arith.index_cast %add3A_1176 : i32 to index
        %get3A_1178 = arith.constant 112 : index
        %get3A_1179 = tpu.vector_load %arg8[%get3A_1177, %get3A_1178] {strides = array<i32>} : memref<80x128xf32, #tpu.memory_space<vmem>>, vector<16xf32>,
        %max3A_1180 = arith.maximumf %max3A_1172, %get3A_1179 : vector<16xf32>
        %mul3A_1181 = arith.constant 16 : i32
        %mul3A_1182 = arith.muli %while3A_158, %mul3A_1181 : i32
        %add3A_1183 = arith.constant 15 : i32
        %add3A_1184 = arith.addi %mul3A_1182, %add3A_1183 : i32
        %get3A_1185 = arith.index_cast %add3A_1184 : i32 to index
        %get3A_1186 = arith.constant 112 : index
        %get3A_1187 = tpu.vector_load %arg8[%get3A_1185, %get3A_1186] {strides = array<i32>} : memref<80x128xf32, #tpu.memory_space<vmem>>, vector<16xf32>,
        %max3A_1188 = arith.maximumf %max3A_1180, %get3A_1187 : vector<16xf32>
        scf.yield %max3A_292, %max3A_420, %max3A_548, %max3A_676, %max3A_804, %max3A_932, %max3A_1060, %max3A_1188 : vector<16xf32>, vector<16xf32>, vector<16xf32>, vector<16xf32>, vector<16xf32>, vector<16xf32>, vector<16xf32>, vector<16xf32>
      }
      %while3A_127 = arith.constant 1 : i32
      %while3A_128:8 = scf.for %while3A_158 = %while3A_124 to %while3A_120 step %while3A_127 iter_args(%while3A_159 = %while3A_126#0, %while3A_160 = %while3A_126#1, %while3A_161 = %while3A_126#2, %while3A_162 = %while3A_126#3, %while3A_163 = %while3A_126#4, %while3A_164 = %while3A_126#5, %while3A_165 = %while3A_126#6, %while3A_166 = %while3A_126#7) -> (vector<16xf32>, vector<16xf32>, vector<16xf32>, vector<16xf32>, vector<16xf32>, vector<16xf32>, vector<16xf32>, vector<16xf32>)  : i32 {
        %mul3A_167 = arith.constant 16 : i32
        %mul3A_168 = arith.muli %while3A_158, %mul3A_167 : i32
        %add3A_169 = arith.constant 0 : i32
        %add3A_170 = arith.addi %mul3A_168, %add3A_169 : i32
        %get3A = arith.index_cast %add3A_170 : i32 to index
        %get3A_171 = arith.constant 0 : index
        %get3A_172 = tpu.vector_load %arg8[%get3A, %get3A_171] {strides = array<i32>} : memref<80x128xf32, #tpu.memory_space<vmem>>, vector<16xf32>,
        %max3A = arith.maximumf %while3A_159, %get3A_172 : vector<16xf32>
        %mul3A_173 = arith.constant 16 : i32
        %mul3A_174 = arith.muli %while3A_158, %mul3A_173 : i32
        %add3A_175 = arith.constant 1 : i32
        %add3A_176 = arith.addi %mul3A_174, %add3A_175 : i32
        %get3A_177 = arith.index_cast %add3A_176 : i32 to index
        %get3A_178 = arith.constant 0 : index
        %get3A_179 = tpu.vector_load %arg8[%get3A_177, %get3A_178] {strides = array<i32>} : memref<80x128xf32, #tpu.memory_space<vmem>>, vector<16xf32>,
        %max3A_180 = arith.maximumf %max3A, %get3A_179 : vector<16xf32>
        %mul3A_181 = arith.constant 16 : i32
        %mul3A_182 = arith.muli %while3A_158, %mul3A_181 : i32
        %add3A_183 = arith.constant 2 : i32
        %add3A_184 = arith.addi %mul3A_182, %add3A_183 : i32
        %get3A_185 = arith.index_cast %add3A_184 : i32 to index
        %get3A_186 = arith.constant 0 : index
        %get3A_187 = tpu.vector_load %arg8[%get3A_185, %get3A_186] {strides = array<i32>} : memref<80x128xf32, #tpu.memory_space<vmem>>, vector<16xf32>,
        %max3A_188 = arith.maximumf %max3A_180, %get3A_187 : vector<16xf32>
        %mul3A_189 = arith.constant 16 : i32
        %mul3A_190 = arith.muli %while3A_158, %mul3A_189 : i32
        %add3A_191 = arith.constant 3 : i32
        %add3A_192 = arith.addi %mul3A_190, %add3A_191 : i32
        %get3A_193 = arith.index_cast %add3A_192 : i32 to index
        %get3A_194 = arith.constant 0 : index
        %get3A_195 = tpu.vector_load %arg8[%get3A_193, %get3A_194] {strides = array<i32>} : memref<80x128xf32, #tpu.memory_space<vmem>>, vector<16xf32>,
        %max3A_196 = arith.maximumf %max3A_188, %get3A_195 : vector<16xf32>
        %mul3A_197 = arith.constant 16 : i32
        %mul3A_198 = arith.muli %while3A_158, %mul3A_197 : i32
        %add3A_199 = arith.constant 4 : i32
        %add3A_200 = arith.addi %mul3A_198, %add3A_199 : i32
        %get3A_201 = arith.index_cast %add3A_200 : i32 to index
        %get3A_202 = arith.constant 0 : index
        %get3A_203 = tpu.vector_load %arg8[%get3A_201, %get3A_202] {strides = array<i32>} : memref<80x128xf32, #tpu.memory_space<vmem>>, vector<16xf32>,
        %max3A_204 = arith.maximumf %max3A_196, %get3A_203 : vector<16xf32>
        %mul3A_205 = arith.constant 16 : i32
        %mul3A_206 = arith.muli %while3A_158, %mul3A_205 : i32
        %add3A_207 = arith.constant 5 : i32
        %add3A_208 = arith.addi %mul3A_206, %add3A_207 : i32
        %get3A_209 = arith.index_cast %add3A_208 : i32 to index
        %get3A_210 = arith.constant 0 : index
        %get3A_211 = tpu.vector_load %arg8[%get3A_209, %get3A_210] {strides = array<i32>} : memref<80x128xf32, #tpu.memory_space<vmem>>, vector<16xf32>,
        %max3A_212 = arith.maximumf %max3A_204, %get3A_211 : vector<16xf32>
        %mul3A_213 = arith.constant 16 : i32
        %mul3A_214 = arith.muli %while3A_158, %mul3A_213 : i32
        %add3A_215 = arith.constant 6 : i32
        %add3A_216 = arith.addi %mul3A_214, %add3A_215 : i32
        %get3A_217 = arith.index_cast %add3A_216 : i32 to index
        %get3A_218 = arith.constant 0 : index
        %get3A_219 = tpu.vector_load %arg8[%get3A_217, %get3A_218] {strides = array<i32>} : memref<80x128xf32, #tpu.memory_space<vmem>>, vector<16xf32>,
        %max3A_220 = arith.maximumf %max3A_212, %get3A_219 : vector<16xf32>
        %mul3A_221 = arith.constant 16 : i32
        %mul3A_222 = arith.muli %while3A_158, %mul3A_221 : i32
        %add3A_223 = arith.constant 7 : i32
        %add3A_224 = arith.addi %mul3A_222, %add3A_223 : i32
        %get3A_225 = arith.index_cast %add3A_224 : i32 to index
        %get3A_226 = arith.constant 0 : index
        %get3A_227 = tpu.vector_load %arg8[%get3A_225, %get3A_226] {strides = array<i32>} : memref<80x128xf32, #tpu.memory_space<vmem>>, vector<16xf32>,
        %max3A_228 = arith.maximumf %max3A_220, %get3A_227 : vector<16xf32>
        %mul3A_229 = arith.constant 16 : i32
        %mul3A_230 = arith.muli %while3A_158, %mul3A_229 : i32
        %add3A_231 = arith.constant 8 : i32
        %add3A_232 = arith.addi %mul3A_230, %add3A_231 : i32
        %get3A_233 = arith.index_cast %add3A_232 : i32 to index
        %get3A_234 = arith.constant 0 : index
        %get3A_235 = tpu.vector_load %arg8[%get3A_233, %get3A_234] {strides = array<i32>} : memref<80x128xf32, #tpu.memory_space<vmem>>, vector<16xf32>,
        %max3A_236 = arith.maximumf %max3A_228, %get3A_235 : vector<16xf32>
        %mul3A_237 = arith.constant 16 : i32
        %mul3A_238 = arith.muli %while3A_158, %mul3A_237 : i32
        %add3A_239 = arith.constant 9 : i32
        %add3A_240 = arith.addi %mul3A_238, %add3A_239 : i32
        %get3A_241 = arith.index_cast %add3A_240 : i32 to index
        %get3A_242 = arith.constant 0 : index
        %get3A_243 = tpu.vector_load %arg8[%get3A_241, %get3A_242] {strides = array<i32>} : memref<80x128xf32, #tpu.memory_space<vmem>>, vector<16xf32>,
        %max3A_244 = arith.maximumf %max3A_236, %get3A_243 : vector<16xf32>
        %mul3A_245 = arith.constant 16 : i32
        %mul3A_246 = arith.muli %while3A_158, %mul3A_245 : i32
        %add3A_247 = arith.constant 10 : i32
        %add3A_248 = arith.addi %mul3A_246, %add3A_247 : i32
        %get3A_249 = arith.index_cast %add3A_248 : i32 to index
        %get3A_250 = arith.constant 0 : index
        %get3A_251 = tpu.vector_load %arg8[%get3A_249, %get3A_250] {strides = array<i32>} : memref<80x128xf32, #tpu.memory_space<vmem>>, vector<16xf32>,
        %max3A_252 = arith.maximumf %max3A_244, %get3A_251 : vector<16xf32>
        %mul3A_253 = arith.constant 16 : i32
        %mul3A_254 = arith.muli %while3A_158, %mul3A_253 : i32
        %add3A_255 = arith.constant 11 : i32
        %add3A_256 = arith.addi %mul3A_254, %add3A_255 : i32
        %get3A_257 = arith.index_cast %add3A_256 : i32 to index
        %get3A_258 = arith.constant 0 : index
        %get3A_259 = tpu.vector_load %arg8[%get3A_257, %get3A_258] {strides = array<i32>} : memref<80x128xf32, #tpu.memory_space<vmem>>, vector<16xf32>,
        %max3A_260 = arith.maximumf %max3A_252, %get3A_259 : vector<16xf32>
        %mul3A_261 = arith.constant 16 : i32
        %mul3A_262 = arith.muli %while3A_158, %mul3A_261 : i32
        %add3A_263 = arith.constant 12 : i32
        %add3A_264 = arith.addi %mul3A_262, %add3A_263 : i32
        %get3A_265 = arith.index_cast %add3A_264 : i32 to index
        %get3A_266 = arith.constant 0 : index
        %get3A_267 = tpu.vector_load %arg8[%get3A_265, %get3A_266] {strides = array<i32>} : memref<80x128xf32, #tpu.memory_space<vmem>>, vector<16xf32>,
        %max3A_268 = arith.maximumf %max3A_260, %get3A_267 : vector<16xf32>
        %mul3A_269 = arith.constant 16 : i32
        %mul3A_270 = arith.muli %while3A_158, %mul3A_269 : i32
        %add3A_271 = arith.constant 13 : i32
        %add3A_272 = arith.addi %mul3A_270, %add3A_271 : i32
        %get3A_273 = arith.index_cast %add3A_272 : i32 to index
        %get3A_274 = arith.constant 0 : index
        %get3A_275 = tpu.vector_load %arg8[%get3A_273, %get3A_274] {strides = array<i32>} : memref<80x128xf32, #tpu.memory_space<vmem>>, vector<16xf32>,
        %max3A_276 = arith.maximumf %max3A_268, %get3A_275 : vector<16xf32>
        %mul3A_277 = arith.constant 16 : i32
        %mul3A_278 = arith.muli %while3A_158, %mul3A_277 : i32
        %add3A_279 = arith.constant 14 : i32
        %add3A_280 = arith.addi %mul3A_278, %add3A_279 : i32
        %get3A_281 = arith.index_cast %add3A_280 : i32 to index
        %get3A_282 = arith.constant 0 : index
        %get3A_283 = tpu.vector_load %arg8[%get3A_281, %get3A_282] {strides = array<i32>} : memref<80x128xf32, #tpu.memory_space<vmem>>, vector<16xf32>,
        %max3A_284 = arith.maximumf %max3A_276, %get3A_283 : vector<16xf32>
        %mul3A_285 = arith.constant 16 : i32
        %mul3A_286 = arith.muli %while3A_158, %mul3A_285 : i32
        %add3A_287 = arith.constant 15 : i32
        %add3A_288 = arith.addi %mul3A_286, %add3A_287 : i32
        %get3A_289 = arith.index_cast %add3A_288 : i32 to index
        %get3A_290 = arith.constant 0 : index
        %get3A_291 = tpu.vector_load %arg8[%get3A_289, %get3A_290] {strides = array<i32>} : memref<80x128xf32, #tpu.memory_space<vmem>>, vector<16xf32>,
        %max3A_292 = arith.maximumf %max3A_284, %get3A_291 : vector<16xf32>
        %mul3A_293 = arith.constant 16 : i32
        %mul3A_294 = arith.muli %while3A_158, %mul3A_293 : i32
        %add3A_295 = arith.constant 0 : i32
        %add3A_296 = arith.addi %mul3A_294, %add3A_295 : i32
        %get3A_297 = arith.index_cast %add3A_296 : i32 to index
        %get3A_298 = arith.constant 16 : index
        %get3A_299 = tpu.vector_load %arg8[%get3A_297, %get3A_298] {strides = array<i32>} : memref<80x128xf32, #tpu.memory_space<vmem>>, vector<16xf32>,
        %max3A_300 = arith.maximumf %while3A_160, %get3A_299 : vector<16xf32>
        %mul3A_301 = arith.constant 16 : i32
        %mul3A_302 = arith.muli %while3A_158, %mul3A_301 : i32
        %add3A_303 = arith.constant 1 : i32
        %add3A_304 = arith.addi %mul3A_302, %add3A_303 : i32
        %get3A_305 = arith.index_cast %add3A_304 : i32 to index
        %get3A_306 = arith.constant 16 : index
        %get3A_307 = tpu.vector_load %arg8[%get3A_305, %get3A_306] {strides = array<i32>} : memref<80x128xf32, #tpu.memory_space<vmem>>, vector<16xf32>,
        %max3A_308 = arith.maximumf %max3A_300, %get3A_307 : vector<16xf32>
        %mul3A_309 = arith.constant 16 : i32
        %mul3A_310 = arith.muli %while3A_158, %mul3A_309 : i32
        %add3A_311 = arith.constant 2 : i32
        %add3A_312 = arith.addi %mul3A_310, %add3A_311 : i32
        %get3A_313 = arith.index_cast %add3A_312 : i32 to index
        %get3A_314 = arith.constant 16 : index
        %get3A_315 = tpu.vector_load %arg8[%get3A_313, %get3A_314] {strides = array<i32>} : memref<80x128xf32, #tpu.memory_space<vmem>>, vector<16xf32>,
        %max3A_316 = arith.maximumf %max3A_308, %get3A_315 : vector<16xf32>
        %mul3A_317 = arith.constant 16 : i32
        %mul3A_318 = arith.muli %while3A_158, %mul3A_317 : i32
        %add3A_319 = arith.constant 3 : i32
        %add3A_320 = arith.addi %mul3A_318, %add3A_319 : i32
        %get3A_321 = arith.index_cast %add3A_320 : i32 to index
        %get3A_322 = arith.constant 16 : index
        %get3A_323 = tpu.vector_load %arg8[%get3A_321, %get3A_322] {strides = array<i32>} : memref<80x128xf32, #tpu.memory_space<vmem>>, vector<16xf32>,
        %max3A_324 = arith.maximumf %max3A_316, %get3A_323 : vector<16xf32>
        %mul3A_325 = arith.constant 16 : i32
        %mul3A_326 = arith.muli %while3A_158, %mul3A_325 : i32
        %add3A_327 = arith.constant 4 : i32
        %add3A_328 = arith.addi %mul3A_326, %add3A_327 : i32
        %get3A_329 = arith.index_cast %add3A_328 : i32 to index
        %get3A_330 = arith.constant 16 : index
        %get3A_331 = tpu.vector_load %arg8[%get3A_329, %get3A_330] {strides = array<i32>} : memref<80x128xf32, #tpu.memory_space<vmem>>, vector<16xf32>,
        %max3A_332 = arith.maximumf %max3A_324, %get3A_331 : vector<16xf32>
        %mul3A_333 = arith.constant 16 : i32
        %mul3A_334 = arith.muli %while3A_158, %mul3A_333 : i32
        %add3A_335 = arith.constant 5 : i32
        %add3A_336 = arith.addi %mul3A_334, %add3A_335 : i32
        %get3A_337 = arith.index_cast %add3A_336 : i32 to index
        %get3A_338 = arith.constant 16 : index
        %get3A_339 = tpu.vector_load %arg8[%get3A_337, %get3A_338] {strides = array<i32>} : memref<80x128xf32, #tpu.memory_space<vmem>>, vector<16xf32>,
        %max3A_340 = arith.maximumf %max3A_332, %get3A_339 : vector<16xf32>
        %mul3A_341 = arith.constant 16 : i32
        %mul3A_342 = arith.muli %while3A_158, %mul3A_341 : i32
        %add3A_343 = arith.constant 6 : i32
        %add3A_344 = arith.addi %mul3A_342, %add3A_343 : i32
        %get3A_345 = arith.index_cast %add3A_344 : i32 to index
        %get3A_346 = arith.constant 16 : index
        %get3A_347 = tpu.vector_load %arg8[%get3A_345, %get3A_346] {strides = array<i32>} : memref<80x128xf32, #tpu.memory_space<vmem>>, vector<16xf32>,
        %max3A_348 = arith.maximumf %max3A_340, %get3A_347 : vector<16xf32>
        %mul3A_349 = arith.constant 16 : i32
        %mul3A_350 = arith.muli %while3A_158, %mul3A_349 : i32
        %add3A_351 = arith.constant 7 : i32
        %add3A_352 = arith.addi %mul3A_350, %add3A_351 : i32
        %get3A_353 = arith.index_cast %add3A_352 : i32 to index
        %get3A_354 = arith.constant 16 : index
        %get3A_355 = tpu.vector_load %arg8[%get3A_353, %get3A_354] {strides = array<i32>} : memref<80x128xf32, #tpu.memory_space<vmem>>, vector<16xf32>,
        %max3A_356 = arith.maximumf %max3A_348, %get3A_355 : vector<16xf32>
        %mul3A_357 = arith.constant 16 : i32
        %mul3A_358 = arith.muli %while3A_158, %mul3A_357 : i32
        %add3A_359 = arith.constant 8 : i32
        %add3A_360 = arith.addi %mul3A_358, %add3A_359 : i32
        %get3A_361 = arith.index_cast %add3A_360 : i32 to index
        %get3A_362 = arith.constant 16 : index
        %get3A_363 = tpu.vector_load %arg8[%get3A_361, %get3A_362] {strides = array<i32>} : memref<80x128xf32, #tpu.memory_space<vmem>>, vector<16xf32>,
        %max3A_364 = arith.maximumf %max3A_356, %get3A_363 : vector<16xf32>
        %mul3A_365 = arith.constant 16 : i32
        %mul3A_366 = arith.muli %while3A_158, %mul3A_365 : i32
        %add3A_367 = arith.constant 9 : i32
        %add3A_368 = arith.addi %mul3A_366, %add3A_367 : i32
        %get3A_369 = arith.index_cast %add3A_368 : i32 to index
        %get3A_370 = arith.constant 16 : index
        %get3A_371 = tpu.vector_load %arg8[%get3A_369, %get3A_370] {strides = array<i32>} : memref<80x128xf32, #tpu.memory_space<vmem>>, vector<16xf32>,
        %max3A_372 = arith.maximumf %max3A_364, %get3A_371 : vector<16xf32>
        %mul3A_373 = arith.constant 16 : i32
        %mul3A_374 = arith.muli %while3A_158, %mul3A_373 : i32
        %add3A_375 = arith.constant 10 : i32
        %add3A_376 = arith.addi %mul3A_374, %add3A_375 : i32
        %get3A_377 = arith.index_cast %add3A_376 : i32 to index
        %get3A_378 = arith.constant 16 : index
        %get3A_379 = tpu.vector_load %arg8[%get3A_377, %get3A_378] {strides = array<i32>} : memref<80x128xf32, #tpu.memory_space<vmem>>, vector<16xf32>,
        %max3A_380 = arith.maximumf %max3A_372, %get3A_379 : vector<16xf32>
        %mul3A_381 = arith.constant 16 : i32
        %mul3A_382 = arith.muli %while3A_158, %mul3A_381 : i32
        %add3A_383 = arith.constant 11 : i32
        %add3A_384 = arith.addi %mul3A_382, %add3A_383 : i32
        %get3A_385 = arith.index_cast %add3A_384 : i32 to index
        %get3A_386 = arith.constant 16 : index
        %get3A_387 = tpu.vector_load %arg8[%get3A_385, %get3A_386] {strides = array<i32>} : memref<80x128xf32, #tpu.memory_space<vmem>>, vector<16xf32>,
        %max3A_388 = arith.maximumf %max3A_380, %get3A_387 : vector<16xf32>
        %mul3A_389 = arith.constant 16 : i32
        %mul3A_390 = arith.muli %while3A_158, %mul3A_389 : i32
        %add3A_391 = arith.constant 12 : i32
        %add3A_392 = arith.addi %mul3A_390, %add3A_391 : i32
        %get3A_393 = arith.index_cast %add3A_392 : i32 to index
        %get3A_394 = arith.constant 16 : index
        %get3A_395 = tpu.vector_load %arg8[%get3A_393, %get3A_394] {strides = array<i32>} : memref<80x128xf32, #tpu.memory_space<vmem>>, vector<16xf32>,
        %max3A_396 = arith.maximumf %max3A_388, %get3A_395 : vector<16xf32>
        %mul3A_397 = arith.constant 16 : i32
        %mul3A_398 = arith.muli %while3A_158, %mul3A_397 : i32
        %add3A_399 = arith.constant 13 : i32
        %add3A_400 = arith.addi %mul3A_398, %add3A_399 : i32
        %get3A_401 = arith.index_cast %add3A_400 : i32 to index
        %get3A_402 = arith.constant 16 : index
        %get3A_403 = tpu.vector_load %arg8[%get3A_401, %get3A_402] {strides = array<i32>} : memref<80x128xf32, #tpu.memory_space<vmem>>, vector<16xf32>,
        %max3A_404 = arith.maximumf %max3A_396, %get3A_403 : vector<16xf32>
        %mul3A_405 = arith.constant 16 : i32
        %mul3A_406 = arith.muli %while3A_158, %mul3A_405 : i32
        %add3A_407 = arith.constant 14 : i32
        %add3A_408 = arith.addi %mul3A_406, %add3A_407 : i32
        %get3A_409 = arith.index_cast %add3A_408 : i32 to index
        %get3A_410 = arith.constant 16 : index
        %get3A_411 = tpu.vector_load %arg8[%get3A_409, %get3A_410] {strides = array<i32>} : memref<80x128xf32, #tpu.memory_space<vmem>>, vector<16xf32>,
        %max3A_412 = arith.maximumf %max3A_404, %get3A_411 : vector<16xf32>
        %mul3A_413 = arith.constant 16 : i32
        %mul3A_414 = arith.muli %while3A_158, %mul3A_413 : i32
        %add3A_415 = arith.constant 15 : i32
        %add3A_416 = arith.addi %mul3A_414, %add3A_415 : i32
        %get3A_417 = arith.index_cast %add3A_416 : i32 to index
        %get3A_418 = arith.constant 16 : index
        %get3A_419 = tpu.vector_load %arg8[%get3A_417, %get3A_418] {strides = array<i32>} : memref<80x128xf32, #tpu.memory_space<vmem>>, vector<16xf32>,
        %max3A_420 = arith.maximumf %max3A_412, %get3A_419 : vector<16xf32>
        %mul3A_421 = arith.constant 16 : i32
        %mul3A_422 = arith.muli %while3A_158, %mul3A_421 : i32
        %add3A_423 = arith.constant 0 : i32
        %add3A_424 = arith.addi %mul3A_422, %add3A_423 : i32
        %get3A_425 = arith.index_cast %add3A_424 : i32 to index
        %get3A_426 = arith.constant 32 : index
        %get3A_427 = tpu.vector_load %arg8[%get3A_425, %get3A_426] {strides = array<i32>} : memref<80x128xf32, #tpu.memory_space<vmem>>, vector<16xf32>,
        %max3A_428 = arith.maximumf %while3A_161, %get3A_427 : vector<16xf32>
        %mul3A_429 = arith.constant 16 : i32
        %mul3A_430 = arith.muli %while3A_158, %mul3A_429 : i32
        %add3A_431 = arith.constant 1 : i32
        %add3A_432 = arith.addi %mul3A_430, %add3A_431 : i32
        %get3A_433 = arith.index_cast %add3A_432 : i32 to index
        %get3A_434 = arith.constant 32 : index
        %get3A_435 = tpu.vector_load %arg8[%get3A_433, %get3A_434] {strides = array<i32>} : memref<80x128xf32, #tpu.memory_space<vmem>>, vector<16xf32>,
        %max3A_436 = arith.maximumf %max3A_428, %get3A_435 : vector<16xf32>
        %mul3A_437 = arith.constant 16 : i32
        %mul3A_438 = arith.muli %while3A_158, %mul3A_437 : i32
        %add3A_439 = arith.constant 2 : i32
        %add3A_440 = arith.addi %mul3A_438, %add3A_439 : i32
        %get3A_441 = arith.index_cast %add3A_440 : i32 to index
        %get3A_442 = arith.constant 32 : index
        %get3A_443 = tpu.vector_load %arg8[%get3A_441, %get3A_442] {strides = array<i32>} : memref<80x128xf32, #tpu.memory_space<vmem>>, vector<16xf32>,
        %max3A_444 = arith.maximumf %max3A_436, %get3A_443 : vector<16xf32>
        %mul3A_445 = arith.constant 16 : i32
        %mul3A_446 = arith.muli %while3A_158, %mul3A_445 : i32
        %add3A_447 = arith.constant 3 : i32
        %add3A_448 = arith.addi %mul3A_446, %add3A_447 : i32
        %get3A_449 = arith.index_cast %add3A_448 : i32 to index
        %get3A_450 = arith.constant 32 : index
        %get3A_451 = tpu.vector_load %arg8[%get3A_449, %get3A_450] {strides = array<i32>} : memref<80x128xf32, #tpu.memory_space<vmem>>, vector<16xf32>,
        %max3A_452 = arith.maximumf %max3A_444, %get3A_451 : vector<16xf32>
        %mul3A_453 = arith.constant 16 : i32
        %mul3A_454 = arith.muli %while3A_158, %mul3A_453 : i32
        %add3A_455 = arith.constant 4 : i32
        %add3A_456 = arith.addi %mul3A_454, %add3A_455 : i32
        %get3A_457 = arith.index_cast %add3A_456 : i32 to index
        %get3A_458 = arith.constant 32 : index
        %get3A_459 = tpu.vector_load %arg8[%get3A_457, %get3A_458] {strides = array<i32>} : memref<80x128xf32, #tpu.memory_space<vmem>>, vector<16xf32>,
        %max3A_460 = arith.maximumf %max3A_452, %get3A_459 : vector<16xf32>
        %mul3A_461 = arith.constant 16 : i32
        %mul3A_462 = arith.muli %while3A_158, %mul3A_461 : i32
        %add3A_463 = arith.constant 5 : i32
        %add3A_464 = arith.addi %mul3A_462, %add3A_463 : i32
        %get3A_465 = arith.index_cast %add3A_464 : i32 to index
        %get3A_466 = arith.constant 32 : index
        %get3A_467 = tpu.vector_load %arg8[%get3A_465, %get3A_466] {strides = array<i32>} : memref<80x128xf32, #tpu.memory_space<vmem>>, vector<16xf32>,
        %max3A_468 = arith.maximumf %max3A_460, %get3A_467 : vector<16xf32>
        %mul3A_469 = arith.constant 16 : i32
        %mul3A_470 = arith.muli %while3A_158, %mul3A_469 : i32
        %add3A_471 = arith.constant 6 : i32
        %add3A_472 = arith.addi %mul3A_470, %add3A_471 : i32
        %get3A_473 = arith.index_cast %add3A_472 : i32 to index
        %get3A_474 = arith.constant 32 : index
        %get3A_475 = tpu.vector_load %arg8[%get3A_473, %get3A_474] {strides = array<i32>} : memref<80x128xf32, #tpu.memory_space<vmem>>, vector<16xf32>,
        %max3A_476 = arith.maximumf %max3A_468, %get3A_475 : vector<16xf32>
        %mul3A_477 = arith.constant 16 : i32
        %mul3A_478 = arith.muli %while3A_158, %mul3A_477 : i32
        %add3A_479 = arith.constant 7 : i32
        %add3A_480 = arith.addi %mul3A_478, %add3A_479 : i32
        %get3A_481 = arith.index_cast %add3A_480 : i32 to index
        %get3A_482 = arith.constant 32 : index
        %get3A_483 = tpu.vector_load %arg8[%get3A_481, %get3A_482] {strides = array<i32>} : memref<80x128xf32, #tpu.memory_space<vmem>>, vector<16xf32>,
        %max3A_484 = arith.maximumf %max3A_476, %get3A_483 : vector<16xf32>
        %mul3A_485 = arith.constant 16 : i32
        %mul3A_486 = arith.muli %while3A_158, %mul3A_485 : i32
        %add3A_487 = arith.constant 8 : i32
        %add3A_488 = arith.addi %mul3A_486, %add3A_487 : i32
        %get3A_489 = arith.index_cast %add3A_488 : i32 to index
        %get3A_490 = arith.constant 32 : index
        %get3A_491 = tpu.vector_load %arg8[%get3A_489, %get3A_490] {strides = array<i32>} : memref<80x128xf32, #tpu.memory_space<vmem>>, vector<16xf32>,
        %max3A_492 = arith.maximumf %max3A_484, %get3A_491 : vector<16xf32>
        %mul3A_493 = arith.constant 16 : i32
        %mul3A_494 = arith.muli %while3A_158, %mul3A_493 : i32
        %add3A_495 = arith.constant 9 : i32
        %add3A_496 = arith.addi %mul3A_494, %add3A_495 : i32
        %get3A_497 = arith.index_cast %add3A_496 : i32 to index
        %get3A_498 = arith.constant 32 : index
        %get3A_499 = tpu.vector_load %arg8[%get3A_497, %get3A_498] {strides = array<i32>} : memref<80x128xf32, #tpu.memory_space<vmem>>, vector<16xf32>,
        %max3A_500 = arith.maximumf %max3A_492, %get3A_499 : vector<16xf32>
        %mul3A_501 = arith.constant 16 : i32
        %mul3A_502 = arith.muli %while3A_158, %mul3A_501 : i32
        %add3A_503 = arith.constant 10 : i32
        %add3A_504 = arith.addi %mul3A_502, %add3A_503 : i32
        %get3A_505 = arith.index_cast %add3A_504 : i32 to index
        %get3A_506 = arith.constant 32 : index
        %get3A_507 = tpu.vector_load %arg8[%get3A_505, %get3A_506] {strides = array<i32>} : memref<80x128xf32, #tpu.memory_space<vmem>>, vector<16xf32>,
        %max3A_508 = arith.maximumf %max3A_500, %get3A_507 : vector<16xf32>
        %mul3A_509 = arith.constant 16 : i32
        %mul3A_510 = arith.muli %while3A_158, %mul3A_509 : i32
        %add3A_511 = arith.constant 11 : i32
        %add3A_512 = arith.addi %mul3A_510, %add3A_511 : i32
        %get3A_513 = arith.index_cast %add3A_512 : i32 to index
        %get3A_514 = arith.constant 32 : index
        %get3A_515 = tpu.vector_load %arg8[%get3A_513, %get3A_514] {strides = array<i32>} : memref<80x128xf32, #tpu.memory_space<vmem>>, vector<16xf32>,
        %max3A_516 = arith.maximumf %max3A_508, %get3A_515 : vector<16xf32>
        %mul3A_517 = arith.constant 16 : i32
        %mul3A_518 = arith.muli %while3A_158, %mul3A_517 : i32
        %add3A_519 = arith.constant 12 : i32
        %add3A_520 = arith.addi %mul3A_518, %add3A_519 : i32
        %get3A_521 = arith.index_cast %add3A_520 : i32 to index
        %get3A_522 = arith.constant 32 : index
        %get3A_523 = tpu.vector_load %arg8[%get3A_521, %get3A_522] {strides = array<i32>} : memref<80x128xf32, #tpu.memory_space<vmem>>, vector<16xf32>,
        %max3A_524 = arith.maximumf %max3A_516, %get3A_523 : vector<16xf32>
        %mul3A_525 = arith.constant 16 : i32
        %mul3A_526 = arith.muli %while3A_158, %mul3A_525 : i32
        %add3A_527 = arith.constant 13 : i32
        %add3A_528 = arith.addi %mul3A_526, %add3A_527 : i32
        %get3A_529 = arith.index_cast %add3A_528 : i32 to index
        %get3A_530 = arith.constant 32 : index
        %get3A_531 = tpu.vector_load %arg8[%get3A_529, %get3A_530] {strides = array<i32>} : memref<80x128xf32, #tpu.memory_space<vmem>>, vector<16xf32>,
        %max3A_532 = arith.maximumf %max3A_524, %get3A_531 : vector<16xf32>
        %mul3A_533 = arith.constant 16 : i32
        %mul3A_534 = arith.muli %while3A_158, %mul3A_533 : i32
        %add3A_535 = arith.constant 14 : i32
        %add3A_536 = arith.addi %mul3A_534, %add3A_535 : i32
        %get3A_537 = arith.index_cast %add3A_536 : i32 to index
        %get3A_538 = arith.constant 32 : index
        %get3A_539 = tpu.vector_load %arg8[%get3A_537, %get3A_538] {strides = array<i32>} : memref<80x128xf32, #tpu.memory_space<vmem>>, vector<16xf32>,
        %max3A_540 = arith.maximumf %max3A_532, %get3A_539 : vector<16xf32>
        %mul3A_541 = arith.constant 16 : i32
        %mul3A_542 = arith.muli %while3A_158, %mul3A_541 : i32
        %add3A_543 = arith.constant 15 : i32
        %add3A_544 = arith.addi %mul3A_542, %add3A_543 : i32
        %get3A_545 = arith.index_cast %add3A_544 : i32 to index
        %get3A_546 = arith.constant 32 : index
        %get3A_547 = tpu.vector_load %arg8[%get3A_545, %get3A_546] {strides = array<i32>} : memref<80x128xf32, #tpu.memory_space<vmem>>, vector<16xf32>,
        %max3A_548 = arith.maximumf %max3A_540, %get3A_547 : vector<16xf32>
        %mul3A_549 = arith.constant 16 : i32
        %mul3A_550 = arith.muli %while3A_158, %mul3A_549 : i32
        %add3A_551 = arith.constant 0 : i32
        %add3A_552 = arith.addi %mul3A_550, %add3A_551 : i32
        %get3A_553 = arith.index_cast %add3A_552 : i32 to index
        %get3A_554 = arith.constant 48 : index
        %get3A_555 = tpu.vector_load %arg8[%get3A_553, %get3A_554] {strides = array<i32>} : memref<80x128xf32, #tpu.memory_space<vmem>>, vector<16xf32>,
        %max3A_556 = arith.maximumf %while3A_162, %get3A_555 : vector<16xf32>
        %mul3A_557 = arith.constant 16 : i32
        %mul3A_558 = arith.muli %while3A_158, %mul3A_557 : i32
        %add3A_559 = arith.constant 1 : i32
        %add3A_560 = arith.addi %mul3A_558, %add3A_559 : i32
        %get3A_561 = arith.index_cast %add3A_560 : i32 to index
        %get3A_562 = arith.constant 48 : index
        %get3A_563 = tpu.vector_load %arg8[%get3A_561, %get3A_562] {strides = array<i32>} : memref<80x128xf32, #tpu.memory_space<vmem>>, vector<16xf32>,
        %max3A_564 = arith.maximumf %max3A_556, %get3A_563 : vector<16xf32>
        %mul3A_565 = arith.constant 16 : i32
        %mul3A_566 = arith.muli %while3A_158, %mul3A_565 : i32
        %add3A_567 = arith.constant 2 : i32
        %add3A_568 = arith.addi %mul3A_566, %add3A_567 : i32
        %get3A_569 = arith.index_cast %add3A_568 : i32 to index
        %get3A_570 = arith.constant 48 : index
        %get3A_571 = tpu.vector_load %arg8[%get3A_569, %get3A_570] {strides = array<i32>} : memref<80x128xf32, #tpu.memory_space<vmem>>, vector<16xf32>,
        %max3A_572 = arith.maximumf %max3A_564, %get3A_571 : vector<16xf32>
        %mul3A_573 = arith.constant 16 : i32
        %mul3A_574 = arith.muli %while3A_158, %mul3A_573 : i32
        %add3A_575 = arith.constant 3 : i32
        %add3A_576 = arith.addi %mul3A_574, %add3A_575 : i32
        %get3A_577 = arith.index_cast %add3A_576 : i32 to index
        %get3A_578 = arith.constant 48 : index
        %get3A_579 = tpu.vector_load %arg8[%get3A_577, %get3A_578] {strides = array<i32>} : memref<80x128xf32, #tpu.memory_space<vmem>>, vector<16xf32>,
        %max3A_580 = arith.maximumf %max3A_572, %get3A_579 : vector<16xf32>
        %mul3A_581 = arith.constant 16 : i32
        %mul3A_582 = arith.muli %while3A_158, %mul3A_581 : i32
        %add3A_583 = arith.constant 4 : i32
        %add3A_584 = arith.addi %mul3A_582, %add3A_583 : i32
        %get3A_585 = arith.index_cast %add3A_584 : i32 to index
        %get3A_586 = arith.constant 48 : index
        %get3A_587 = tpu.vector_load %arg8[%get3A_585, %get3A_586] {strides = array<i32>} : memref<80x128xf32, #tpu.memory_space<vmem>>, vector<16xf32>,
        %max3A_588 = arith.maximumf %max3A_580, %get3A_587 : vector<16xf32>
        %mul3A_589 = arith.constant 16 : i32
        %mul3A_590 = arith.muli %while3A_158, %mul3A_589 : i32
        %add3A_591 = arith.constant 5 : i32
        %add3A_592 = arith.addi %mul3A_590, %add3A_591 : i32
        %get3A_593 = arith.index_cast %add3A_592 : i32 to index
        %get3A_594 = arith.constant 48 : index
        %get3A_595 = tpu.vector_load %arg8[%get3A_593, %get3A_594] {strides = array<i32>} : memref<80x128xf32, #tpu.memory_space<vmem>>, vector<16xf32>,
        %max3A_596 = arith.maximumf %max3A_588, %get3A_595 : vector<16xf32>
        %mul3A_597 = arith.constant 16 : i32
        %mul3A_598 = arith.muli %while3A_158, %mul3A_597 : i32
        %add3A_599 = arith.constant 6 : i32
        %add3A_600 = arith.addi %mul3A_598, %add3A_599 : i32
        %get3A_601 = arith.index_cast %add3A_600 : i32 to index
        %get3A_602 = arith.constant 48 : index
        %get3A_603 = tpu.vector_load %arg8[%get3A_601, %get3A_602] {strides = array<i32>} : memref<80x128xf32, #tpu.memory_space<vmem>>, vector<16xf32>,
        %max3A_604 = arith.maximumf %max3A_596, %get3A_603 : vector<16xf32>
        %mul3A_605 = arith.constant 16 : i32
        %mul3A_606 = arith.muli %while3A_158, %mul3A_605 : i32
        %add3A_607 = arith.constant 7 : i32
        %add3A_608 = arith.addi %mul3A_606, %add3A_607 : i32
        %get3A_609 = arith.index_cast %add3A_608 : i32 to index
        %get3A_610 = arith.constant 48 : index
        %get3A_611 = tpu.vector_load %arg8[%get3A_609, %get3A_610] {strides = array<i32>} : memref<80x128xf32, #tpu.memory_space<vmem>>, vector<16xf32>,
        %max3A_612 = arith.maximumf %max3A_604, %get3A_611 : vector<16xf32>
        %mul3A_613 = arith.constant 16 : i32
        %mul3A_614 = arith.muli %while3A_158, %mul3A_613 : i32
        %add3A_615 = arith.constant 8 : i32
        %add3A_616 = arith.addi %mul3A_614, %add3A_615 : i32
        %get3A_617 = arith.index_cast %add3A_616 : i32 to index
        %get3A_618 = arith.constant 48 : index
        %get3A_619 = tpu.vector_load %arg8[%get3A_617, %get3A_618] {strides = array<i32>} : memref<80x128xf32, #tpu.memory_space<vmem>>, vector<16xf32>,
        %max3A_620 = arith.maximumf %max3A_612, %get3A_619 : vector<16xf32>
        %mul3A_621 = arith.constant 16 : i32
        %mul3A_622 = arith.muli %while3A_158, %mul3A_621 : i32
        %add3A_623 = arith.constant 9 : i32
        %add3A_624 = arith.addi %mul3A_622, %add3A_623 : i32
        %get3A_625 = arith.index_cast %add3A_624 : i32 to index
        %get3A_626 = arith.constant 48 : index
        %get3A_627 = tpu.vector_load %arg8[%get3A_625, %get3A_626] {strides = array<i32>} : memref<80x128xf32, #tpu.memory_space<vmem>>, vector<16xf32>,
        %max3A_628 = arith.maximumf %max3A_620, %get3A_627 : vector<16xf32>
        %mul3A_629 = arith.constant 16 : i32
        %mul3A_630 = arith.muli %while3A_158, %mul3A_629 : i32
        %add3A_631 = arith.constant 10 : i32
        %add3A_632 = arith.addi %mul3A_630, %add3A_631 : i32
        %get3A_633 = arith.index_cast %add3A_632 : i32 to index
        %get3A_634 = arith.constant 48 : index
        %get3A_635 = tpu.vector_load %arg8[%get3A_633, %get3A_634] {strides = array<i32>} : memref<80x128xf32, #tpu.memory_space<vmem>>, vector<16xf32>,
        %max3A_636 = arith.maximumf %max3A_628, %get3A_635 : vector<16xf32>
        %mul3A_637 = arith.constant 16 : i32
        %mul3A_638 = arith.muli %while3A_158, %mul3A_637 : i32
        %add3A_639 = arith.constant 11 : i32
        %add3A_640 = arith.addi %mul3A_638, %add3A_639 : i32
        %get3A_641 = arith.index_cast %add3A_640 : i32 to index
        %get3A_642 = arith.constant 48 : index
        %get3A_643 = tpu.vector_load %arg8[%get3A_641, %get3A_642] {strides = array<i32>} : memref<80x128xf32, #tpu.memory_space<vmem>>, vector<16xf32>,
        %max3A_644 = arith.maximumf %max3A_636, %get3A_643 : vector<16xf32>
        %mul3A_645 = arith.constant 16 : i32
        %mul3A_646 = arith.muli %while3A_158, %mul3A_645 : i32
        %add3A_647 = arith.constant 12 : i32
        %add3A_648 = arith.addi %mul3A_646, %add3A_647 : i32
        %get3A_649 = arith.index_cast %add3A_648 : i32 to index
        %get3A_650 = arith.constant 48 : index
        %get3A_651 = tpu.vector_load %arg8[%get3A_649, %get3A_650] {strides = array<i32>} : memref<80x128xf32, #tpu.memory_space<vmem>>, vector<16xf32>,
        %max3A_652 = arith.maximumf %max3A_644, %get3A_651 : vector<16xf32>
        %mul3A_653 = arith.constant 16 : i32
        %mul3A_654 = arith.muli %while3A_158, %mul3A_653 : i32
        %add3A_655 = arith.constant 13 : i32
        %add3A_656 = arith.addi %mul3A_654, %add3A_655 : i32
        %get3A_657 = arith.index_cast %add3A_656 : i32 to index
        %get3A_658 = arith.constant 48 : index
        %get3A_659 = tpu.vector_load %arg8[%get3A_657, %get3A_658] {strides = array<i32>} : memref<80x128xf32, #tpu.memory_space<vmem>>, vector<16xf32>,
        %max3A_660 = arith.maximumf %max3A_652, %get3A_659 : vector<16xf32>
        %mul3A_661 = arith.constant 16 : i32
        %mul3A_662 = arith.muli %while3A_158, %mul3A_661 : i32
        %add3A_663 = arith.constant 14 : i32
        %add3A_664 = arith.addi %mul3A_662, %add3A_663 : i32
        %get3A_665 = arith.index_cast %add3A_664 : i32 to index
        %get3A_666 = arith.constant 48 : index
        %get3A_667 = tpu.vector_load %arg8[%get3A_665, %get3A_666] {strides = array<i32>} : memref<80x128xf32, #tpu.memory_space<vmem>>, vector<16xf32>,
        %max3A_668 = arith.maximumf %max3A_660, %get3A_667 : vector<16xf32>
        %mul3A_669 = arith.constant 16 : i32
        %mul3A_670 = arith.muli %while3A_158, %mul3A_669 : i32
        %add3A_671 = arith.constant 15 : i32
        %add3A_672 = arith.addi %mul3A_670, %add3A_671 : i32
        %get3A_673 = arith.index_cast %add3A_672 : i32 to index
        %get3A_674 = arith.constant 48 : index
        %get3A_675 = tpu.vector_load %arg8[%get3A_673, %get3A_674] {strides = array<i32>} : memref<80x128xf32, #tpu.memory_space<vmem>>, vector<16xf32>,
        %max3A_676 = arith.maximumf %max3A_668, %get3A_675 : vector<16xf32>
        %mul3A_677 = arith.constant 16 : i32
        %mul3A_678 = arith.muli %while3A_158, %mul3A_677 : i32
        %add3A_679 = arith.constant 0 : i32
        %add3A_680 = arith.addi %mul3A_678, %add3A_679 : i32
        %get3A_681 = arith.index_cast %add3A_680 : i32 to index
        %get3A_682 = arith.constant 64 : index
        %get3A_683 = tpu.vector_load %arg8[%get3A_681, %get3A_682] {strides = array<i32>} : memref<80x128xf32, #tpu.memory_space<vmem>>, vector<16xf32>,
        %max3A_684 = arith.maximumf %while3A_163, %get3A_683 : vector<16xf32>
        %mul3A_685 = arith.constant 16 : i32
        %mul3A_686 = arith.muli %while3A_158, %mul3A_685 : i32
        %add3A_687 = arith.constant 1 : i32
        %add3A_688 = arith.addi %mul3A_686, %add3A_687 : i32
        %get3A_689 = arith.index_cast %add3A_688 : i32 to index
        %get3A_690 = arith.constant 64 : index
        %get3A_691 = tpu.vector_load %arg8[%get3A_689, %get3A_690] {strides = array<i32>} : memref<80x128xf32, #tpu.memory_space<vmem>>, vector<16xf32>,
        %max3A_692 = arith.maximumf %max3A_684, %get3A_691 : vector<16xf32>
        %mul3A_693 = arith.constant 16 : i32
        %mul3A_694 = arith.muli %while3A_158, %mul3A_693 : i32
        %add3A_695 = arith.constant 2 : i32
        %add3A_696 = arith.addi %mul3A_694, %add3A_695 : i32
        %get3A_697 = arith.index_cast %add3A_696 : i32 to index
        %get3A_698 = arith.constant 64 : index
        %get3A_699 = tpu.vector_load %arg8[%get3A_697, %get3A_698] {strides = array<i32>} : memref<80x128xf32, #tpu.memory_space<vmem>>, vector<16xf32>,
        %max3A_700 = arith.maximumf %max3A_692, %get3A_699 : vector<16xf32>
        %mul3A_701 = arith.constant 16 : i32
        %mul3A_702 = arith.muli %while3A_158, %mul3A_701 : i32
        %add3A_703 = arith.constant 3 : i32
        %add3A_704 = arith.addi %mul3A_702, %add3A_703 : i32
        %get3A_705 = arith.index_cast %add3A_704 : i32 to index
        %get3A_706 = arith.constant 64 : index
        %get3A_707 = tpu.vector_load %arg8[%get3A_705, %get3A_706] {strides = array<i32>} : memref<80x128xf32, #tpu.memory_space<vmem>>, vector<16xf32>,
        %max3A_708 = arith.maximumf %max3A_700, %get3A_707 : vector<16xf32>
        %mul3A_709 = arith.constant 16 : i32
        %mul3A_710 = arith.muli %while3A_158, %mul3A_709 : i32
        %add3A_711 = arith.constant 4 : i32
        %add3A_712 = arith.addi %mul3A_710, %add3A_711 : i32
        %get3A_713 = arith.index_cast %add3A_712 : i32 to index
        %get3A_714 = arith.constant 64 : index
        %get3A_715 = tpu.vector_load %arg8[%get3A_713, %get3A_714] {strides = array<i32>} : memref<80x128xf32, #tpu.memory_space<vmem>>, vector<16xf32>,
        %max3A_716 = arith.maximumf %max3A_708, %get3A_715 : vector<16xf32>
        %mul3A_717 = arith.constant 16 : i32
        %mul3A_718 = arith.muli %while3A_158, %mul3A_717 : i32
        %add3A_719 = arith.constant 5 : i32
        %add3A_720 = arith.addi %mul3A_718, %add3A_719 : i32
        %get3A_721 = arith.index_cast %add3A_720 : i32 to index
        %get3A_722 = arith.constant 64 : index
        %get3A_723 = tpu.vector_load %arg8[%get3A_721, %get3A_722] {strides = array<i32>} : memref<80x128xf32, #tpu.memory_space<vmem>>, vector<16xf32>,
        %max3A_724 = arith.maximumf %max3A_716, %get3A_723 : vector<16xf32>
        %mul3A_725 = arith.constant 16 : i32
        %mul3A_726 = arith.muli %while3A_158, %mul3A_725 : i32
        %add3A_727 = arith.constant 6 : i32
        %add3A_728 = arith.addi %mul3A_726, %add3A_727 : i32
        %get3A_729 = arith.index_cast %add3A_728 : i32 to index
        %get3A_730 = arith.constant 64 : index
        %get3A_731 = tpu.vector_load %arg8[%get3A_729, %get3A_730] {strides = array<i32>} : memref<80x128xf32, #tpu.memory_space<vmem>>, vector<16xf32>,
        %max3A_732 = arith.maximumf %max3A_724, %get3A_731 : vector<16xf32>
        %mul3A_733 = arith.constant 16 : i32
        %mul3A_734 = arith.muli %while3A_158, %mul3A_733 : i32
        %add3A_735 = arith.constant 7 : i32
        %add3A_736 = arith.addi %mul3A_734, %add3A_735 : i32
        %get3A_737 = arith.index_cast %add3A_736 : i32 to index
        %get3A_738 = arith.constant 64 : index
        %get3A_739 = tpu.vector_load %arg8[%get3A_737, %get3A_738] {strides = array<i32>} : memref<80x128xf32, #tpu.memory_space<vmem>>, vector<16xf32>,
        %max3A_740 = arith.maximumf %max3A_732, %get3A_739 : vector<16xf32>
        %mul3A_741 = arith.constant 16 : i32
        %mul3A_742 = arith.muli %while3A_158, %mul3A_741 : i32
        %add3A_743 = arith.constant 8 : i32
        %add3A_744 = arith.addi %mul3A_742, %add3A_743 : i32
        %get3A_745 = arith.index_cast %add3A_744 : i32 to index
        %get3A_746 = arith.constant 64 : index
        %get3A_747 = tpu.vector_load %arg8[%get3A_745, %get3A_746] {strides = array<i32>} : memref<80x128xf32, #tpu.memory_space<vmem>>, vector<16xf32>,
        %max3A_748 = arith.maximumf %max3A_740, %get3A_747 : vector<16xf32>
        %mul3A_749 = arith.constant 16 : i32
        %mul3A_750 = arith.muli %while3A_158, %mul3A_749 : i32
        %add3A_751 = arith.constant 9 : i32
        %add3A_752 = arith.addi %mul3A_750, %add3A_751 : i32
        %get3A_753 = arith.index_cast %add3A_752 : i32 to index
        %get3A_754 = arith.constant 64 : index
        %get3A_755 = tpu.vector_load %arg8[%get3A_753, %get3A_754] {strides = array<i32>} : memref<80x128xf32, #tpu.memory_space<vmem>>, vector<16xf32>,
        %max3A_756 = arith.maximumf %max3A_748, %get3A_755 : vector<16xf32>
        %mul3A_757 = arith.constant 16 : i32
        %mul3A_758 = arith.muli %while3A_158, %mul3A_757 : i32
        %add3A_759 = arith.constant 10 : i32
        %add3A_760 = arith.addi %mul3A_758, %add3A_759 : i32
        %get3A_761 = arith.index_cast %add3A_760 : i32 to index
        %get3A_762 = arith.constant 64 : index
        %get3A_763 = tpu.vector_load %arg8[%get3A_761, %get3A_762] {strides = array<i32>} : memref<80x128xf32, #tpu.memory_space<vmem>>, vector<16xf32>,
        %max3A_764 = arith.maximumf %max3A_756, %get3A_763 : vector<16xf32>
        %mul3A_765 = arith.constant 16 : i32
        %mul3A_766 = arith.muli %while3A_158, %mul3A_765 : i32
        %add3A_767 = arith.constant 11 : i32
        %add3A_768 = arith.addi %mul3A_766, %add3A_767 : i32
        %get3A_769 = arith.index_cast %add3A_768 : i32 to index
        %get3A_770 = arith.constant 64 : index
        %get3A_771 = tpu.vector_load %arg8[%get3A_769, %get3A_770] {strides = array<i32>} : memref<80x128xf32, #tpu.memory_space<vmem>>, vector<16xf32>,
        %max3A_772 = arith.maximumf %max3A_764, %get3A_771 : vector<16xf32>
        %mul3A_773 = arith.constant 16 : i32
        %mul3A_774 = arith.muli %while3A_158, %mul3A_773 : i32
        %add3A_775 = arith.constant 12 : i32
        %add3A_776 = arith.addi %mul3A_774, %add3A_775 : i32
        %get3A_777 = arith.index_cast %add3A_776 : i32 to index
        %get3A_778 = arith.constant 64 : index
        %get3A_779 = tpu.vector_load %arg8[%get3A_777, %get3A_778] {strides = array<i32>} : memref<80x128xf32, #tpu.memory_space<vmem>>, vector<16xf32>,
        %max3A_780 = arith.maximumf %max3A_772, %get3A_779 : vector<16xf32>
        %mul3A_781 = arith.constant 16 : i32
        %mul3A_782 = arith.muli %while3A_158, %mul3A_781 : i32
        %add3A_783 = arith.constant 13 : i32
        %add3A_784 = arith.addi %mul3A_782, %add3A_783 : i32
        %get3A_785 = arith.index_cast %add3A_784 : i32 to index
        %get3A_786 = arith.constant 64 : index
        %get3A_787 = tpu.vector_load %arg8[%get3A_785, %get3A_786] {strides = array<i32>} : memref<80x128xf32, #tpu.memory_space<vmem>>, vector<16xf32>,
        %max3A_788 = arith.maximumf %max3A_780, %get3A_787 : vector<16xf32>
        %mul3A_789 = arith.constant 16 : i32
        %mul3A_790 = arith.muli %while3A_158, %mul3A_789 : i32
        %add3A_791 = arith.constant 14 : i32
        %add3A_792 = arith.addi %mul3A_790, %add3A_791 : i32
        %get3A_793 = arith.index_cast %add3A_792 : i32 to index
        %get3A_794 = arith.constant 64 : index
        %get3A_795 = tpu.vector_load %arg8[%get3A_793, %get3A_794] {strides = array<i32>} : memref<80x128xf32, #tpu.memory_space<vmem>>, vector<16xf32>,
        %max3A_796 = arith.maximumf %max3A_788, %get3A_795 : vector<16xf32>
        %mul3A_797 = arith.constant 16 : i32
        %mul3A_798 = arith.muli %while3A_158, %mul3A_797 : i32
        %add3A_799 = arith.constant 15 : i32
        %add3A_800 = arith.addi %mul3A_798, %add3A_799 : i32
        %get3A_801 = arith.index_cast %add3A_800 : i32 to index
        %get3A_802 = arith.constant 64 : index
        %get3A_803 = tpu.vector_load %arg8[%get3A_801, %get3A_802] {strides = array<i32>} : memref<80x128xf32, #tpu.memory_space<vmem>>, vector<16xf32>,
        %max3A_804 = arith.maximumf %max3A_796, %get3A_803 : vector<16xf32>
        %mul3A_805 = arith.constant 16 : i32
        %mul3A_806 = arith.muli %while3A_158, %mul3A_805 : i32
        %add3A_807 = arith.constant 0 : i32
        %add3A_808 = arith.addi %mul3A_806, %add3A_807 : i32
        %get3A_809 = arith.index_cast %add3A_808 : i32 to index
        %get3A_810 = arith.constant 80 : index
        %get3A_811 = tpu.vector_load %arg8[%get3A_809, %get3A_810] {strides = array<i32>} : memref<80x128xf32, #tpu.memory_space<vmem>>, vector<16xf32>,
        %max3A_812 = arith.maximumf %while3A_164, %get3A_811 : vector<16xf32>
        %mul3A_813 = arith.constant 16 : i32
        %mul3A_814 = arith.muli %while3A_158, %mul3A_813 : i32
        %add3A_815 = arith.constant 1 : i32
        %add3A_816 = arith.addi %mul3A_814, %add3A_815 : i32
        %get3A_817 = arith.index_cast %add3A_816 : i32 to index
        %get3A_818 = arith.constant 80 : index
        %get3A_819 = tpu.vector_load %arg8[%get3A_817, %get3A_818] {strides = array<i32>} : memref<80x128xf32, #tpu.memory_space<vmem>>, vector<16xf32>,
        %max3A_820 = arith.maximumf %max3A_812, %get3A_819 : vector<16xf32>
        %mul3A_821 = arith.constant 16 : i32
        %mul3A_822 = arith.muli %while3A_158, %mul3A_821 : i32
        %add3A_823 = arith.constant 2 : i32
        %add3A_824 = arith.addi %mul3A_822, %add3A_823 : i32
        %get3A_825 = arith.index_cast %add3A_824 : i32 to index
        %get3A_826 = arith.constant 80 : index
        %get3A_827 = tpu.vector_load %arg8[%get3A_825, %get3A_826] {strides = array<i32>} : memref<80x128xf32, #tpu.memory_space<vmem>>, vector<16xf32>,
        %max3A_828 = arith.maximumf %max3A_820, %get3A_827 : vector<16xf32>
        %mul3A_829 = arith.constant 16 : i32
        %mul3A_830 = arith.muli %while3A_158, %mul3A_829 : i32
        %add3A_831 = arith.constant 3 : i32
        %add3A_832 = arith.addi %mul3A_830, %add3A_831 : i32
        %get3A_833 = arith.index_cast %add3A_832 : i32 to index
        %get3A_834 = arith.constant 80 : index
        %get3A_835 = tpu.vector_load %arg8[%get3A_833, %get3A_834] {strides = array<i32>} : memref<80x128xf32, #tpu.memory_space<vmem>>, vector<16xf32>,
        %max3A_836 = arith.maximumf %max3A_828, %get3A_835 : vector<16xf32>
        %mul3A_837 = arith.constant 16 : i32
        %mul3A_838 = arith.muli %while3A_158, %mul3A_837 : i32
        %add3A_839 = arith.constant 4 : i32
        %add3A_840 = arith.addi %mul3A_838, %add3A_839 : i32
        %get3A_841 = arith.index_cast %add3A_840 : i32 to index
        %get3A_842 = arith.constant 80 : index
        %get3A_843 = tpu.vector_load %arg8[%get3A_841, %get3A_842] {strides = array<i32>} : memref<80x128xf32, #tpu.memory_space<vmem>>, vector<16xf32>,
        %max3A_844 = arith.maximumf %max3A_836, %get3A_843 : vector<16xf32>
        %mul3A_845 = arith.constant 16 : i32
        %mul3A_846 = arith.muli %while3A_158, %mul3A_845 : i32
        %add3A_847 = arith.constant 5 : i32
        %add3A_848 = arith.addi %mul3A_846, %add3A_847 : i32
        %get3A_849 = arith.index_cast %add3A_848 : i32 to index
        %get3A_850 = arith.constant 80 : index
        %get3A_851 = tpu.vector_load %arg8[%get3A_849, %get3A_850] {strides = array<i32>} : memref<80x128xf32, #tpu.memory_space<vmem>>, vector<16xf32>,
        %max3A_852 = arith.maximumf %max3A_844, %get3A_851 : vector<16xf32>
        %mul3A_853 = arith.constant 16 : i32
        %mul3A_854 = arith.muli %while3A_158, %mul3A_853 : i32
        %add3A_855 = arith.constant 6 : i32
        %add3A_856 = arith.addi %mul3A_854, %add3A_855 : i32
        %get3A_857 = arith.index_cast %add3A_856 : i32 to index
        %get3A_858 = arith.constant 80 : index
        %get3A_859 = tpu.vector_load %arg8[%get3A_857, %get3A_858] {strides = array<i32>} : memref<80x128xf32, #tpu.memory_space<vmem>>, vector<16xf32>,
        %max3A_860 = arith.maximumf %max3A_852, %get3A_859 : vector<16xf32>
        %mul3A_861 = arith.constant 16 : i32
        %mul3A_862 = arith.muli %while3A_158, %mul3A_861 : i32
        %add3A_863 = arith.constant 7 : i32
        %add3A_864 = arith.addi %mul3A_862, %add3A_863 : i32
        %get3A_865 = arith.index_cast %add3A_864 : i32 to index
        %get3A_866 = arith.constant 80 : index
        %get3A_867 = tpu.vector_load %arg8[%get3A_865, %get3A_866] {strides = array<i32>} : memref<80x128xf32, #tpu.memory_space<vmem>>, vector<16xf32>,
        %max3A_868 = arith.maximumf %max3A_860, %get3A_867 : vector<16xf32>
        %mul3A_869 = arith.constant 16 : i32
        %mul3A_870 = arith.muli %while3A_158, %mul3A_869 : i32
        %add3A_871 = arith.constant 8 : i32
        %add3A_872 = arith.addi %mul3A_870, %add3A_871 : i32
        %get3A_873 = arith.index_cast %add3A_872 : i32 to index
        %get3A_874 = arith.constant 80 : index
        %get3A_875 = tpu.vector_load %arg8[%get3A_873, %get3A_874] {strides = array<i32>} : memref<80x128xf32, #tpu.memory_space<vmem>>, vector<16xf32>,
        %max3A_876 = arith.maximumf %max3A_868, %get3A_875 : vector<16xf32>
        %mul3A_877 = arith.constant 16 : i32
        %mul3A_878 = arith.muli %while3A_158, %mul3A_877 : i32
        %add3A_879 = arith.constant 9 : i32
        %add3A_880 = arith.addi %mul3A_878, %add3A_879 : i32
        %get3A_881 = arith.index_cast %add3A_880 : i32 to index
        %get3A_882 = arith.constant 80 : index
        %get3A_883 = tpu.vector_load %arg8[%get3A_881, %get3A_882] {strides = array<i32>} : memref<80x128xf32, #tpu.memory_space<vmem>>, vector<16xf32>,
        %max3A_884 = arith.maximumf %max3A_876, %get3A_883 : vector<16xf32>
        %mul3A_885 = arith.constant 16 : i32
        %mul3A_886 = arith.muli %while3A_158, %mul3A_885 : i32
        %add3A_887 = arith.constant 10 : i32
        %add3A_888 = arith.addi %mul3A_886, %add3A_887 : i32
        %get3A_889 = arith.index_cast %add3A_888 : i32 to index
        %get3A_890 = arith.constant 80 : index
        %get3A_891 = tpu.vector_load %arg8[%get3A_889, %get3A_890] {strides = array<i32>} : memref<80x128xf32, #tpu.memory_space<vmem>>, vector<16xf32>,
        %max3A_892 = arith.maximumf %max3A_884, %get3A_891 : vector<16xf32>
        %mul3A_893 = arith.constant 16 : i32
        %mul3A_894 = arith.muli %while3A_158, %mul3A_893 : i32
        %add3A_895 = arith.constant 11 : i32
        %add3A_896 = arith.addi %mul3A_894, %add3A_895 : i32
        %get3A_897 = arith.index_cast %add3A_896 : i32 to index
        %get3A_898 = arith.constant 80 : index
        %get3A_899 = tpu.vector_load %arg8[%get3A_897, %get3A_898] {strides = array<i32>} : memref<80x128xf32, #tpu.memory_space<vmem>>, vector<16xf32>,
        %max3A_900 = arith.maximumf %max3A_892, %get3A_899 : vector<16xf32>
        %mul3A_901 = arith.constant 16 : i32
        %mul3A_902 = arith.muli %while3A_158, %mul3A_901 : i32
        %add3A_903 = arith.constant 12 : i32
        %add3A_904 = arith.addi %mul3A_902, %add3A_903 : i32
        %get3A_905 = arith.index_cast %add3A_904 : i32 to index
        %get3A_906 = arith.constant 80 : index
        %get3A_907 = tpu.vector_load %arg8[%get3A_905, %get3A_906] {strides = array<i32>} : memref<80x128xf32, #tpu.memory_space<vmem>>, vector<16xf32>,
        %max3A_908 = arith.maximumf %max3A_900, %get3A_907 : vector<16xf32>
        %mul3A_909 = arith.constant 16 : i32
        %mul3A_910 = arith.muli %while3A_158, %mul3A_909 : i32
        %add3A_911 = arith.constant 13 : i32
        %add3A_912 = arith.addi %mul3A_910, %add3A_911 : i32
        %get3A_913 = arith.index_cast %add3A_912 : i32 to index
        %get3A_914 = arith.constant 80 : index
        %get3A_915 = tpu.vector_load %arg8[%get3A_913, %get3A_914] {strides = array<i32>} : memref<80x128xf32, #tpu.memory_space<vmem>>, vector<16xf32>,
        %max3A_916 = arith.maximumf %max3A_908, %get3A_915 : vector<16xf32>
        %mul3A_917 = arith.constant 16 : i32
        %mul3A_918 = arith.muli %while3A_158, %mul3A_917 : i32
        %add3A_919 = arith.constant 14 : i32
        %add3A_920 = arith.addi %mul3A_918, %add3A_919 : i32
        %get3A_921 = arith.index_cast %add3A_920 : i32 to index
        %get3A_922 = arith.constant 80 : index
        %get3A_923 = tpu.vector_load %arg8[%get3A_921, %get3A_922] {strides = array<i32>} : memref<80x128xf32, #tpu.memory_space<vmem>>, vector<16xf32>,
        %max3A_924 = arith.maximumf %max3A_916, %get3A_923 : vector<16xf32>
        %mul3A_925 = arith.constant 16 : i32
        %mul3A_926 = arith.muli %while3A_158, %mul3A_925 : i32
        %add3A_927 = arith.constant 15 : i32
        %add3A_928 = arith.addi %mul3A_926, %add3A_927 : i32
        %get3A_929 = arith.index_cast %add3A_928 : i32 to index
        %get3A_930 = arith.constant 80 : index
        %get3A_931 = tpu.vector_load %arg8[%get3A_929, %get3A_930] {strides = array<i32>} : memref<80x128xf32, #tpu.memory_space<vmem>>, vector<16xf32>,
        %max3A_932 = arith.maximumf %max3A_924, %get3A_931 : vector<16xf32>
        %mul3A_933 = arith.constant 16 : i32
        %mul3A_934 = arith.muli %while3A_158, %mul3A_933 : i32
        %add3A_935 = arith.constant 0 : i32
        %add3A_936 = arith.addi %mul3A_934, %add3A_935 : i32
        %get3A_937 = arith.index_cast %add3A_936 : i32 to index
        %get3A_938 = arith.constant 96 : index
        %get3A_939 = tpu.vector_load %arg8[%get3A_937, %get3A_938] {strides = array<i32>} : memref<80x128xf32, #tpu.memory_space<vmem>>, vector<16xf32>,
        %max3A_940 = arith.maximumf %while3A_165, %get3A_939 : vector<16xf32>
        %mul3A_941 = arith.constant 16 : i32
        %mul3A_942 = arith.muli %while3A_158, %mul3A_941 : i32
        %add3A_943 = arith.constant 1 : i32
        %add3A_944 = arith.addi %mul3A_942, %add3A_943 : i32
        %get3A_945 = arith.index_cast %add3A_944 : i32 to index
        %get3A_946 = arith.constant 96 : index
        %get3A_947 = tpu.vector_load %arg8[%get3A_945, %get3A_946] {strides = array<i32>} : memref<80x128xf32, #tpu.memory_space<vmem>>, vector<16xf32>,
        %max3A_948 = arith.maximumf %max3A_940, %get3A_947 : vector<16xf32>
        %mul3A_949 = arith.constant 16 : i32
        %mul3A_950 = arith.muli %while3A_158, %mul3A_949 : i32
        %add3A_951 = arith.constant 2 : i32
        %add3A_952 = arith.addi %mul3A_950, %add3A_951 : i32
        %get3A_953 = arith.index_cast %add3A_952 : i32 to index
        %get3A_954 = arith.constant 96 : index
        %get3A_955 = tpu.vector_load %arg8[%get3A_953, %get3A_954] {strides = array<i32>} : memref<80x128xf32, #tpu.memory_space<vmem>>, vector<16xf32>,
        %max3A_956 = arith.maximumf %max3A_948, %get3A_955 : vector<16xf32>
        %mul3A_957 = arith.constant 16 : i32
        %mul3A_958 = arith.muli %while3A_158, %mul3A_957 : i32
        %add3A_959 = arith.constant 3 : i32
        %add3A_960 = arith.addi %mul3A_958, %add3A_959 : i32
        %get3A_961 = arith.index_cast %add3A_960 : i32 to index
        %get3A_962 = arith.constant 96 : index
        %get3A_963 = tpu.vector_load %arg8[%get3A_961, %get3A_962] {strides = array<i32>} : memref<80x128xf32, #tpu.memory_space<vmem>>, vector<16xf32>,
        %max3A_964 = arith.maximumf %max3A_956, %get3A_963 : vector<16xf32>
        %mul3A_965 = arith.constant 16 : i32
        %mul3A_966 = arith.muli %while3A_158, %mul3A_965 : i32
        %add3A_967 = arith.constant 4 : i32
        %add3A_968 = arith.addi %mul3A_966, %add3A_967 : i32
        %get3A_969 = arith.index_cast %add3A_968 : i32 to index
        %get3A_970 = arith.constant 96 : index
        %get3A_971 = tpu.vector_load %arg8[%get3A_969, %get3A_970] {strides = array<i32>} : memref<80x128xf32, #tpu.memory_space<vmem>>, vector<16xf32>,
        %max3A_972 = arith.maximumf %max3A_964, %get3A_971 : vector<16xf32>
        %mul3A_973 = arith.constant 16 : i32
        %mul3A_974 = arith.muli %while3A_158, %mul3A_973 : i32
        %add3A_975 = arith.constant 5 : i32
        %add3A_976 = arith.addi %mul3A_974, %add3A_975 : i32
        %get3A_977 = arith.index_cast %add3A_976 : i32 to index
        %get3A_978 = arith.constant 96 : index
        %get3A_979 = tpu.vector_load %arg8[%get3A_977, %get3A_978] {strides = array<i32>} : memref<80x128xf32, #tpu.memory_space<vmem>>, vector<16xf32>,
        %max3A_980 = arith.maximumf %max3A_972, %get3A_979 : vector<16xf32>
        %mul3A_981 = arith.constant 16 : i32
        %mul3A_982 = arith.muli %while3A_158, %mul3A_981 : i32
        %add3A_983 = arith.constant 6 : i32
        %add3A_984 = arith.addi %mul3A_982, %add3A_983 : i32
        %get3A_985 = arith.index_cast %add3A_984 : i32 to index
        %get3A_986 = arith.constant 96 : index
        %get3A_987 = tpu.vector_load %arg8[%get3A_985, %get3A_986] {strides = array<i32>} : memref<80x128xf32, #tpu.memory_space<vmem>>, vector<16xf32>,
        %max3A_988 = arith.maximumf %max3A_980, %get3A_987 : vector<16xf32>
        %mul3A_989 = arith.constant 16 : i32
        %mul3A_990 = arith.muli %while3A_158, %mul3A_989 : i32
        %add3A_991 = arith.constant 7 : i32
        %add3A_992 = arith.addi %mul3A_990, %add3A_991 : i32
        %get3A_993 = arith.index_cast %add3A_992 : i32 to index
        %get3A_994 = arith.constant 96 : index
        %get3A_995 = tpu.vector_load %arg8[%get3A_993, %get3A_994] {strides = array<i32>} : memref<80x128xf32, #tpu.memory_space<vmem>>, vector<16xf32>,
        %max3A_996 = arith.maximumf %max3A_988, %get3A_995 : vector<16xf32>
        %mul3A_997 = arith.constant 16 : i32
        %mul3A_998 = arith.muli %while3A_158, %mul3A_997 : i32
        %add3A_999 = arith.constant 8 : i32
        %add3A_1000 = arith.addi %mul3A_998, %add3A_999 : i32
        %get3A_1001 = arith.index_cast %add3A_1000 : i32 to index
        %get3A_1002 = arith.constant 96 : index
        %get3A_1003 = tpu.vector_load %arg8[%get3A_1001, %get3A_1002] {strides = array<i32>} : memref<80x128xf32, #tpu.memory_space<vmem>>, vector<16xf32>,
        %max3A_1004 = arith.maximumf %max3A_996, %get3A_1003 : vector<16xf32>
        %mul3A_1005 = arith.constant 16 : i32
        %mul3A_1006 = arith.muli %while3A_158, %mul3A_1005 : i32
        %add3A_1007 = arith.constant 9 : i32
        %add3A_1008 = arith.addi %mul3A_1006, %add3A_1007 : i32
        %get3A_1009 = arith.index_cast %add3A_1008 : i32 to index
        %get3A_1010 = arith.constant 96 : index
        %get3A_1011 = tpu.vector_load %arg8[%get3A_1009, %get3A_1010] {strides = array<i32>} : memref<80x128xf32, #tpu.memory_space<vmem>>, vector<16xf32>,
        %max3A_1012 = arith.maximumf %max3A_1004, %get3A_1011 : vector<16xf32>
        %mul3A_1013 = arith.constant 16 : i32
        %mul3A_1014 = arith.muli %while3A_158, %mul3A_1013 : i32
        %add3A_1015 = arith.constant 10 : i32
        %add3A_1016 = arith.addi %mul3A_1014, %add3A_1015 : i32
        %get3A_1017 = arith.index_cast %add3A_1016 : i32 to index
        %get3A_1018 = arith.constant 96 : index
        %get3A_1019 = tpu.vector_load %arg8[%get3A_1017, %get3A_1018] {strides = array<i32>} : memref<80x128xf32, #tpu.memory_space<vmem>>, vector<16xf32>,
        %max3A_1020 = arith.maximumf %max3A_1012, %get3A_1019 : vector<16xf32>
        %mul3A_1021 = arith.constant 16 : i32
        %mul3A_1022 = arith.muli %while3A_158, %mul3A_1021 : i32
        %add3A_1023 = arith.constant 11 : i32
        %add3A_1024 = arith.addi %mul3A_1022, %add3A_1023 : i32
        %get3A_1025 = arith.index_cast %add3A_1024 : i32 to index
        %get3A_1026 = arith.constant 96 : index
        %get3A_1027 = tpu.vector_load %arg8[%get3A_1025, %get3A_1026] {strides = array<i32>} : memref<80x128xf32, #tpu.memory_space<vmem>>, vector<16xf32>,
        %max3A_1028 = arith.maximumf %max3A_1020, %get3A_1027 : vector<16xf32>
        %mul3A_1029 = arith.constant 16 : i32
        %mul3A_1030 = arith.muli %while3A_158, %mul3A_1029 : i32
        %add3A_1031 = arith.constant 12 : i32
        %add3A_1032 = arith.addi %mul3A_1030, %add3A_1031 : i32
        %get3A_1033 = arith.index_cast %add3A_1032 : i32 to index
        %get3A_1034 = arith.constant 96 : index
        %get3A_1035 = tpu.vector_load %arg8[%get3A_1033, %get3A_1034] {strides = array<i32>} : memref<80x128xf32, #tpu.memory_space<vmem>>, vector<16xf32>,
        %max3A_1036 = arith.maximumf %max3A_1028, %get3A_1035 : vector<16xf32>
        %mul3A_1037 = arith.constant 16 : i32
        %mul3A_1038 = arith.muli %while3A_158, %mul3A_1037 : i32
        %add3A_1039 = arith.constant 13 : i32
        %add3A_1040 = arith.addi %mul3A_1038, %add3A_1039 : i32
        %get3A_1041 = arith.index_cast %add3A_1040 : i32 to index
        %get3A_1042 = arith.constant 96 : index
        %get3A_1043 = tpu.vector_load %arg8[%get3A_1041, %get3A_1042] {strides = array<i32>} : memref<80x128xf32, #tpu.memory_space<vmem>>, vector<16xf32>,
        %max3A_1044 = arith.maximumf %max3A_1036, %get3A_1043 : vector<16xf32>
        %mul3A_1045 = arith.constant 16 : i32
        %mul3A_1046 = arith.muli %while3A_158, %mul3A_1045 : i32
        %add3A_1047 = arith.constant 14 : i32
        %add3A_1048 = arith.addi %mul3A_1046, %add3A_1047 : i32
        %get3A_1049 = arith.index_cast %add3A_1048 : i32 to index
        %get3A_1050 = arith.constant 96 : index
        %get3A_1051 = tpu.vector_load %arg8[%get3A_1049, %get3A_1050] {strides = array<i32>} : memref<80x128xf32, #tpu.memory_space<vmem>>, vector<16xf32>,
        %max3A_1052 = arith.maximumf %max3A_1044, %get3A_1051 : vector<16xf32>
        %mul3A_1053 = arith.constant 16 : i32
        %mul3A_1054 = arith.muli %while3A_158, %mul3A_1053 : i32
        %add3A_1055 = arith.constant 15 : i32
        %add3A_1056 = arith.addi %mul3A_1054, %add3A_1055 : i32
        %get3A_1057 = arith.index_cast %add3A_1056 : i32 to index
        %get3A_1058 = arith.constant 96 : index
        %get3A_1059 = tpu.vector_load %arg8[%get3A_1057, %get3A_1058] {strides = array<i32>} : memref<80x128xf32, #tpu.memory_space<vmem>>, vector<16xf32>,
        %max3A_1060 = arith.maximumf %max3A_1052, %get3A_1059 : vector<16xf32>
        %mul3A_1061 = arith.constant 16 : i32
        %mul3A_1062 = arith.muli %while3A_158, %mul3A_1061 : i32
        %add3A_1063 = arith.constant 0 : i32
        %add3A_1064 = arith.addi %mul3A_1062, %add3A_1063 : i32
        %get3A_1065 = arith.index_cast %add3A_1064 : i32 to index
        %get3A_1066 = arith.constant 112 : index
        %get3A_1067 = tpu.vector_load %arg8[%get3A_1065, %get3A_1066] {strides = array<i32>} : memref<80x128xf32, #tpu.memory_space<vmem>>, vector<16xf32>,
        %max3A_1068 = arith.maximumf %while3A_166, %get3A_1067 : vector<16xf32>
        %mul3A_1069 = arith.constant 16 : i32
        %mul3A_1070 = arith.muli %while3A_158, %mul3A_1069 : i32
        %add3A_1071 = arith.constant 1 : i32
        %add3A_1072 = arith.addi %mul3A_1070, %add3A_1071 : i32
        %get3A_1073 = arith.index_cast %add3A_1072 : i32 to index
        %get3A_1074 = arith.constant 112 : index
        %get3A_1075 = tpu.vector_load %arg8[%get3A_1073, %get3A_1074] {strides = array<i32>} : memref<80x128xf32, #tpu.memory_space<vmem>>, vector<16xf32>,
        %max3A_1076 = arith.maximumf %max3A_1068, %get3A_1075 : vector<16xf32>
        %mul3A_1077 = arith.constant 16 : i32
        %mul3A_1078 = arith.muli %while3A_158, %mul3A_1077 : i32
        %add3A_1079 = arith.constant 2 : i32
        %add3A_1080 = arith.addi %mul3A_1078, %add3A_1079 : i32
        %get3A_1081 = arith.index_cast %add3A_1080 : i32 to index
        %get3A_1082 = arith.constant 112 : index
        %get3A_1083 = tpu.vector_load %arg8[%get3A_1081, %get3A_1082] {strides = array<i32>} : memref<80x128xf32, #tpu.memory_space<vmem>>, vector<16xf32>,
        %max3A_1084 = arith.maximumf %max3A_1076, %get3A_1083 : vector<16xf32>
        %mul3A_1085 = arith.constant 16 : i32
        %mul3A_1086 = arith.muli %while3A_158, %mul3A_1085 : i32
        %add3A_1087 = arith.constant 3 : i32
        %add3A_1088 = arith.addi %mul3A_1086, %add3A_1087 : i32
        %get3A_1089 = arith.index_cast %add3A_1088 : i32 to index
        %get3A_1090 = arith.constant 112 : index
        %get3A_1091 = tpu.vector_load %arg8[%get3A_1089, %get3A_1090] {strides = array<i32>} : memref<80x128xf32, #tpu.memory_space<vmem>>, vector<16xf32>,
        %max3A_1092 = arith.maximumf %max3A_1084, %get3A_1091 : vector<16xf32>
        %mul3A_1093 = arith.constant 16 : i32
        %mul3A_1094 = arith.muli %while3A_158, %mul3A_1093 : i32
        %add3A_1095 = arith.constant 4 : i32
        %add3A_1096 = arith.addi %mul3A_1094, %add3A_1095 : i32
        %get3A_1097 = arith.index_cast %add3A_1096 : i32 to index
        %get3A_1098 = arith.constant 112 : index
        %get3A_1099 = tpu.vector_load %arg8[%get3A_1097, %get3A_1098] {strides = array<i32>} : memref<80x128xf32, #tpu.memory_space<vmem>>, vector<16xf32>,
        %max3A_1100 = arith.maximumf %max3A_1092, %get3A_1099 : vector<16xf32>
        %mul3A_1101 = arith.constant 16 : i32
        %mul3A_1102 = arith.muli %while3A_158, %mul3A_1101 : i32
        %add3A_1103 = arith.constant 5 : i32
        %add3A_1104 = arith.addi %mul3A_1102, %add3A_1103 : i32
        %get3A_1105 = arith.index_cast %add3A_1104 : i32 to index
        %get3A_1106 = arith.constant 112 : index
        %get3A_1107 = tpu.vector_load %arg8[%get3A_1105, %get3A_1106] {strides = array<i32>} : memref<80x128xf32, #tpu.memory_space<vmem>>, vector<16xf32>,
        %max3A_1108 = arith.maximumf %max3A_1100, %get3A_1107 : vector<16xf32>
        %mul3A_1109 = arith.constant 16 : i32
        %mul3A_1110 = arith.muli %while3A_158, %mul3A_1109 : i32
        %add3A_1111 = arith.constant 6 : i32
        %add3A_1112 = arith.addi %mul3A_1110, %add3A_1111 : i32
        %get3A_1113 = arith.index_cast %add3A_1112 : i32 to index
        %get3A_1114 = arith.constant 112 : index
        %get3A_1115 = tpu.vector_load %arg8[%get3A_1113, %get3A_1114] {strides = array<i32>} : memref<80x128xf32, #tpu.memory_space<vmem>>, vector<16xf32>,
        %max3A_1116 = arith.maximumf %max3A_1108, %get3A_1115 : vector<16xf32>
        %mul3A_1117 = arith.constant 16 : i32
        %mul3A_1118 = arith.muli %while3A_158, %mul3A_1117 : i32
        %add3A_1119 = arith.constant 7 : i32
        %add3A_1120 = arith.addi %mul3A_1118, %add3A_1119 : i32
        %get3A_1121 = arith.index_cast %add3A_1120 : i32 to index
        %get3A_1122 = arith.constant 112 : index
        %get3A_1123 = tpu.vector_load %arg8[%get3A_1121, %get3A_1122] {strides = array<i32>} : memref<80x128xf32, #tpu.memory_space<vmem>>, vector<16xf32>,
        %max3A_1124 = arith.maximumf %max3A_1116, %get3A_1123 : vector<16xf32>
        %mul3A_1125 = arith.constant 16 : i32
        %mul3A_1126 = arith.muli %while3A_158, %mul3A_1125 : i32
        %add3A_1127 = arith.constant 8 : i32
        %add3A_1128 = arith.addi %mul3A_1126, %add3A_1127 : i32
        %get3A_1129 = arith.index_cast %add3A_1128 : i32 to index
        %get3A_1130 = arith.constant 112 : index
        %get3A_1131 = tpu.vector_load %arg8[%get3A_1129, %get3A_1130] {strides = array<i32>} : memref<80x128xf32, #tpu.memory_space<vmem>>, vector<16xf32>,
        %max3A_1132 = arith.maximumf %max3A_1124, %get3A_1131 : vector<16xf32>
        %mul3A_1133 = arith.constant 16 : i32
        %mul3A_1134 = arith.muli %while3A_158, %mul3A_1133 : i32
        %add3A_1135 = arith.constant 9 : i32
        %add3A_1136 = arith.addi %mul3A_1134, %add3A_1135 : i32
        %get3A_1137 = arith.index_cast %add3A_1136 : i32 to index
        %get3A_1138 = arith.constant 112 : index
        %get3A_1139 = tpu.vector_load %arg8[%get3A_1137, %get3A_1138] {strides = array<i32>} : memref<80x128xf32, #tpu.memory_space<vmem>>, vector<16xf32>,
        %max3A_1140 = arith.maximumf %max3A_1132, %get3A_1139 : vector<16xf32>
        %mul3A_1141 = arith.constant 16 : i32
        %mul3A_1142 = arith.muli %while3A_158, %mul3A_1141 : i32
        %add3A_1143 = arith.constant 10 : i32
        %add3A_1144 = arith.addi %mul3A_1142, %add3A_1143 : i32
        %get3A_1145 = arith.index_cast %add3A_1144 : i32 to index
        %get3A_1146 = arith.constant 112 : index
        %get3A_1147 = tpu.vector_load %arg8[%get3A_1145, %get3A_1146] {strides = array<i32>} : memref<80x128xf32, #tpu.memory_space<vmem>>, vector<16xf32>,
        %max3A_1148 = arith.maximumf %max3A_1140, %get3A_1147 : vector<16xf32>
        %mul3A_1149 = arith.constant 16 : i32
        %mul3A_1150 = arith.muli %while3A_158, %mul3A_1149 : i32
        %add3A_1151 = arith.constant 11 : i32
        %add3A_1152 = arith.addi %mul3A_1150, %add3A_1151 : i32
        %get3A_1153 = arith.index_cast %add3A_1152 : i32 to index
        %get3A_1154 = arith.constant 112 : index
        %get3A_1155 = tpu.vector_load %arg8[%get3A_1153, %get3A_1154] {strides = array<i32>} : memref<80x128xf32, #tpu.memory_space<vmem>>, vector<16xf32>,
        %max3A_1156 = arith.maximumf %max3A_1148, %get3A_1155 : vector<16xf32>
        %mul3A_1157 = arith.constant 16 : i32
        %mul3A_1158 = arith.muli %while3A_158, %mul3A_1157 : i32
        %add3A_1159 = arith.constant 12 : i32
        %add3A_1160 = arith.addi %mul3A_1158, %add3A_1159 : i32
        %get3A_1161 = arith.index_cast %add3A_1160 : i32 to index
        %get3A_1162 = arith.constant 112 : index
        %get3A_1163 = tpu.vector_load %arg8[%get3A_1161, %get3A_1162] {strides = array<i32>} : memref<80x128xf32, #tpu.memory_space<vmem>>, vector<16xf32>,
        %max3A_1164 = arith.maximumf %max3A_1156, %get3A_1163 : vector<16xf32>
        %mul3A_1165 = arith.constant 16 : i32
        %mul3A_1166 = arith.muli %while3A_158, %mul3A_1165 : i32
        %add3A_1167 = arith.constant 13 : i32
        %add3A_1168 = arith.addi %mul3A_1166, %add3A_1167 : i32
        %get3A_1169 = arith.index_cast %add3A_1168 : i32 to index
        %get3A_1170 = arith.constant 112 : index
        %get3A_1171 = tpu.vector_load %arg8[%get3A_1169, %get3A_1170] {strides = array<i32>} : memref<80x128xf32, #tpu.memory_space<vmem>>, vector<16xf32>,
        %max3A_1172 = arith.maximumf %max3A_1164, %get3A_1171 : vector<16xf32>
        %mul3A_1173 = arith.constant 16 : i32
        %mul3A_1174 = arith.muli %while3A_158, %mul3A_1173 : i32
        %add3A_1175 = arith.constant 14 : i32
        %add3A_1176 = arith.addi %mul3A_1174, %add3A_1175 : i32
        %get3A_1177 = arith.index_cast %add3A_1176 : i32 to index
        %get3A_1178 = arith.constant 112 : index
        %get3A_1179 = tpu.vector_load %arg8[%get3A_1177, %get3A_1178] {strides = array<i32>} : memref<80x128xf32, #tpu.memory_space<vmem>>, vector<16xf32>,
        %max3A_1180 = arith.maximumf %max3A_1172, %get3A_1179 : vector<16xf32>
        %mul3A_1181 = arith.constant 16 : i32
        %mul3A_1182 = arith.muli %while3A_158, %mul3A_1181 : i32
        %add3A_1183 = arith.constant 15 : i32
        %add3A_1184 = arith.addi %mul3A_1182, %add3A_1183 : i32
        %get3A_1185 = arith.index_cast %add3A_1184 : i32 to index
        %get3A_1186 = arith.constant 112 : index
        %get3A_1187 = tpu.vector_load %arg8[%get3A_1185, %get3A_1186] {strides = array<i32>} : memref<80x128xf32, #tpu.memory_space<vmem>>, vector<16xf32>,
        %max3A_1188 = arith.maximumf %max3A_1180, %get3A_1187 : vector<16xf32>
        scf.yield %max3A_292, %max3A_420, %max3A_548, %max3A_676, %max3A_804, %max3A_932, %max3A_1060, %max3A_1188 : vector<16xf32>, vector<16xf32>, vector<16xf32>, vector<16xf32>, vector<16xf32>, vector<16xf32>, vector<16xf32>, vector<16xf32>
      }
      %broadcast_in_dim3A_129 = vector.broadcast %scan3A_12 : i32 to vector<16xi32>
      %mul3A_130 = arith.constant 128 : i32
      %mul3A_131 = vector.broadcast %mul3A_130 : i32 to vector<16xi32>
      %mul3A_132 = arith.muli %broadcast_in_dim3A_129, %mul3A_131 : vector<16xi32>
      %add3A_133 = arith.addi %mul3A_132, %iota3A : vector<16xi32>
      %broadcast_in_dim3A_134 = arith.constant 0 : i32
      %broadcast_in_dim3A_135 = vector.broadcast %broadcast_in_dim3A_134 : i32 to vector<16xi32>
      %add3A_136 = arith.addi %add3A_133, %broadcast_in_dim3A_135 : vector<16xi32>
      tpu.vector_store_idx %arg9[%add3A_136], %while3A_128#0 : memref<10240xf32, #tpu.memory_space<vmem>>[vector<16xi32>], vector<16xf32>,
      %broadcast_in_dim3A_137 = arith.constant 16 : i32
      %broadcast_in_dim3A_138 = vector.broadcast %broadcast_in_dim3A_137 : i32 to vector<16xi32>
      %add3A_139 = arith.addi %add3A_133, %broadcast_in_dim3A_138 : vector<16xi32>
      tpu.vector_store_idx %arg9[%add3A_139], %while3A_128#1 : memref<10240xf32, #tpu.memory_space<vmem>>[vector<16xi32>], vector<16xf32>,
      %broadcast_in_dim3A_140 = arith.constant 32 : i32
      %broadcast_in_dim3A_141 = vector.broadcast %broadcast_in_dim3A_140 : i32 to vector<16xi32>
      %add3A_142 = arith.addi %add3A_133, %broadcast_in_dim3A_141 : vector<16xi32>
      tpu.vector_store_idx %arg9[%add3A_142], %while3A_128#2 : memref<10240xf32, #tpu.memory_space<vmem>>[vector<16xi32>], vector<16xf32>,
      %broadcast_in_dim3A_143 = arith.constant 48 : i32
      %broadcast_in_dim3A_144 = vector.broadcast %broadcast_in_dim3A_143 : i32 to vector<16xi32>
      %add3A_145 = arith.addi %add3A_133, %broadcast_in_dim3A_144 : vector<16xi32>
      tpu.vector_store_idx %arg9[%add3A_145], %while3A_128#3 : memref<10240xf32, #tpu.memory_space<vmem>>[vector<16xi32>], vector<16xf32>,
      %broadcast_in_dim3A_146 = arith.constant 64 : i32
      %broadcast_in_dim3A_147 = vector.broadcast %broadcast_in_dim3A_146 : i32 to vector<16xi32>
      %add3A_148 = arith.addi %add3A_133, %broadcast_in_dim3A_147 : vector<16xi32>
      tpu.vector_store_idx %arg9[%add3A_148], %while3A_128#4 : memref<10240xf32, #tpu.memory_space<vmem>>[vector<16xi32>], vector<16xf32>,
      %broadcast_in_dim3A_149 = arith.constant 80 : i32
      %broadcast_in_dim3A_150 = vector.broadcast %broadcast_in_dim3A_149 : i32 to vector<16xi32>
      %add3A_151 = arith.addi %add3A_133, %broadcast_in_dim3A_150 : vector<16xi32>
      tpu.vector_store_idx %arg9[%add3A_151], %while3A_128#5 : memref<10240xf32, #tpu.memory_space<vmem>>[vector<16xi32>], vector<16xf32>,
      %broadcast_in_dim3A_152 = arith.constant 96 : i32
      %broadcast_in_dim3A_153 = vector.broadcast %broadcast_in_dim3A_152 : i32 to vector<16xi32>
      %add3A_154 = arith.addi %add3A_133, %broadcast_in_dim3A_153 : vector<16xi32>
      tpu.vector_store_idx %arg9[%add3A_154], %while3A_128#6 : memref<10240xf32, #tpu.memory_space<vmem>>[vector<16xi32>], vector<16xf32>,
      %broadcast_in_dim3A_155 = arith.constant 112 : i32
      %broadcast_in_dim3A_156 = vector.broadcast %broadcast_in_dim3A_155 : i32 to vector<16xi32>
      %add3A_157 = arith.addi %add3A_133, %broadcast_in_dim3A_156 : vector<16xi32>
      tpu.vector_store_idx %arg9[%add3A_157], %while3A_128#7 : memref<10240xf32, #tpu.memory_space<vmem>>[vector<16xi32>], vector<16xf32>,
    }
    %scan3A_9 = arith.constant 80 : i32
    %mul3A_10 = arith.constant 128 : i32
    %mul3A_11 = arith.muli %mul3A_2, %mul3A_10 : i32
    "tpu.region"() ({
      %run_scoped3A = tpu.sem_alloc : memref<!tpu.dma_semaphore, #tpu.memory_space<semaphore_mem>>
      %dma_start3A = tpu.memref_slice %arg4[%mul3A_11] : memref<327680xf32, #tpu.memory_space<hbm>> -> memref<10240xf32, #tpu.memory_space<hbm>>
      %dma_start3A_12 = tpu.memref_slice %arg4[%mul3A_11] : memref<327680xf32, #tpu.memory_space<hbm>> -> memref<10240xf32, #tpu.memory_space<hbm>>
      tpu.enqueue_dma source(%arg9 : memref<10240xf32, #tpu.memory_space<vmem>>) target(%dma_start3A_12 : memref<10240xf32, #tpu.memory_space<hbm>>) target_semaphore(%run_scoped3A : memref<!tpu.dma_semaphore, #tpu.memory_space<semaphore_mem>>)
      %dma_wait3A = tpu.memref_slice %arg4[%mul3A_11] : memref<327680xf32, #tpu.memory_space<hbm>> -> memref<10240xf32, #tpu.memory_space<hbm>>
      %dma_wait3A_13 = tpu.memref_slice %arg4[%mul3A_11] : memref<327680xf32, #tpu.memory_space<hbm>> -> memref<10240xf32, #tpu.memory_space<hbm>>
      tpu.wait_dma2 semaphore(%run_scoped3A : memref<!tpu.dma_semaphore, #tpu.memory_space<semaphore_mem>>) src(%arg9 : memref<10240xf32, #tpu.memory_space<vmem>>) dst(%dma_wait3A_13 : memref<10240xf32, #tpu.memory_space<hbm>>)
      tpu.yield
    }) : () -> ()
    return
  }
}

module attributes {stable_mosaic.version = 14 : i64} {
  func.func @_fps_body(%arg0: memref<80x128xf32, #tpu.memory_space<vmem>>, %arg1: memref<80x128xf32, #tpu.memory_space<vmem>>, %arg2: memref<80x128xf32, #tpu.memory_space<vmem>>, %arg3: memref<2500x1xi32, #tpu.memory_space<vmem>>, %arg4: memref<2500x1xf32, #tpu.memory_space<vmem>>, %arg5: memref<2500x1xf32, #tpu.memory_space<vmem>>, %arg6: memref<2500x1xf32, #tpu.memory_space<vmem>>) attributes {dimension_semantics = [], scalar_prefetch = 0 : i64, scratch_operands = 0 : i64, tpu.core_type = #tpu.core_type<tc>} {
    %get3A = arith.constant 0 : index
    %get3A_0 = arith.constant 0 : index
    %get3A_1 = vector.load %arg0[%get3A, %get3A_0] : memref<80x128xf32, #tpu.memory_space<vmem>>, vector<80x128xf32>
    %get3A_2 = arith.constant 0 : index
    %get3A_3 = arith.constant 0 : index
    %get3A_4 = vector.load %arg1[%get3A_2, %get3A_3] : memref<80x128xf32, #tpu.memory_space<vmem>>, vector<80x128xf32>
    %get3A_5 = arith.constant 0 : index
    %get3A_6 = arith.constant 0 : index
    %get3A_7 = vector.load %arg2[%get3A_5, %get3A_6] : memref<80x128xf32, #tpu.memory_space<vmem>>, vector<80x128xf32>
    %iota3A = tpu.iota {dimensions = array<i32: 0>} : vector<80x128xi32>
    %iota3A_8 = tpu.iota {dimensions = array<i32: 1>} : vector<80x128xi32>
    %mul3A = arith.constant 128 : i32
    %mul3A_9 = vector.broadcast %mul3A : i32 to vector<80x128xi32>
    %mul3A_10 = arith.muli %iota3A, %mul3A_9 : vector<80x128xi32>
    %add3A = arith.addi %mul3A_10, %iota3A_8 : vector<80x128xi32>
    %lt3A = arith.constant 10000 : i32
    %lt3A_11 = vector.broadcast %lt3A : i32 to vector<80x128xi32>
    %lt3A_12 = arith.cmpi slt, %add3A, %lt3A_11 : vector<80x128xi32>
    %eq3A = arith.constant 0 : i32
    %eq3A_13 = vector.broadcast %eq3A : i32 to vector<80x128xi32>
    %eq3A_14 = arith.cmpi eq, %add3A, %eq3A_13 : vector<80x128xi32>
    %jit3A = arith.constant 0.000000e+00 : f32
    %broadcast_in_dim3A = vector.broadcast %jit3A : f32 to vector<80x128xf32>
    %select_n3A = arith.select %eq3A_14, %get3A_1, %broadcast_in_dim3A : vector<80x128xi1>, vector<80x128xf32>
    %reduce_sum3A = vector.shape_cast %select_n3A : vector<80x128xf32> to vector<1x80x128xf32>
    %reduce_sum3A_15 = arith.constant dense<0.000000e+00> : vector<1xf32>
    %reduce_sum3A_16 = vector.multi_reduction <add>, %reduce_sum3A, %reduce_sum3A_15 [1, 2] : vector<1x80x128xf32> to vector<1xf32>
    %reduce_sum3A_17 = vector.shape_cast %reduce_sum3A_16 : vector<1xf32> to vector<1x1x1xf32>
    %reduce_sum3A_18 = vector.extract %reduce_sum3A_17[0, 0, 0] : f32 from vector<1x1x1xf32>
    %broadcast_in_dim3A_19 = vector.broadcast %reduce_sum3A_18 : f32 to vector<1x1xf32>
    %jit3A_20 = arith.constant 0.000000e+00 : f32
    %broadcast_in_dim3A_21 = vector.broadcast %jit3A_20 : f32 to vector<80x128xf32>
    %select_n3A_22 = arith.select %eq3A_14, %get3A_4, %broadcast_in_dim3A_21 : vector<80x128xi1>, vector<80x128xf32>
    %reduce_sum3A_23 = vector.shape_cast %select_n3A_22 : vector<80x128xf32> to vector<1x80x128xf32>
    %reduce_sum3A_24 = arith.constant dense<0.000000e+00> : vector<1xf32>
    %reduce_sum3A_25 = vector.multi_reduction <add>, %reduce_sum3A_23, %reduce_sum3A_24 [1, 2] : vector<1x80x128xf32> to vector<1xf32>
    %reduce_sum3A_26 = vector.shape_cast %reduce_sum3A_25 : vector<1xf32> to vector<1x1x1xf32>
    %reduce_sum3A_27 = vector.extract %reduce_sum3A_26[0, 0, 0] : f32 from vector<1x1x1xf32>
    %broadcast_in_dim3A_28 = vector.broadcast %reduce_sum3A_27 : f32 to vector<1x1xf32>
    %jit3A_29 = arith.constant 0.000000e+00 : f32
    %broadcast_in_dim3A_30 = vector.broadcast %jit3A_29 : f32 to vector<80x128xf32>
    %select_n3A_31 = arith.select %eq3A_14, %get3A_7, %broadcast_in_dim3A_30 : vector<80x128xi1>, vector<80x128xf32>
    %reduce_sum3A_32 = vector.shape_cast %select_n3A_31 : vector<80x128xf32> to vector<1x80x128xf32>
    %reduce_sum3A_33 = arith.constant dense<0.000000e+00> : vector<1xf32>
    %reduce_sum3A_34 = vector.multi_reduction <add>, %reduce_sum3A_32, %reduce_sum3A_33 [1, 2] : vector<1x80x128xf32> to vector<1xf32>
    %reduce_sum3A_35 = vector.shape_cast %reduce_sum3A_34 : vector<1xf32> to vector<1x1x1xf32>
    %reduce_sum3A_36 = vector.extract %reduce_sum3A_35[0, 0, 0] : f32 from vector<1x1x1xf32>
    %broadcast_in_dim3A_37 = vector.broadcast %reduce_sum3A_36 : f32 to vector<1x1xf32>
    %sub3A = vector.broadcast %broadcast_in_dim3A_19 : vector<1x1xf32> to vector<80x128xf32>
    %sub3A_38 = arith.subf %get3A_1, %sub3A : vector<80x128xf32>
    %sub3A_39 = vector.broadcast %broadcast_in_dim3A_28 : vector<1x1xf32> to vector<80x128xf32>
    %sub3A_40 = arith.subf %get3A_4, %sub3A_39 : vector<80x128xf32>
    %sub3A_41 = vector.broadcast %broadcast_in_dim3A_37 : vector<1x1xf32> to vector<80x128xf32>
    %sub3A_42 = arith.subf %get3A_7, %sub3A_41 : vector<80x128xf32>
    %mul3A_43 = arith.mulf %sub3A_38, %sub3A_38 : vector<80x128xf32>
    %mul3A_44 = arith.mulf %sub3A_40, %sub3A_40 : vector<80x128xf32>
    %add3A_45 = arith.addf %mul3A_43, %mul3A_44 : vector<80x128xf32>
    %mul3A_46 = arith.mulf %sub3A_42, %sub3A_42 : vector<80x128xf32>
    %add3A_47 = arith.addf %add3A_45, %mul3A_46 : vector<80x128xf32>
    %jit3A_48 = arith.constant 0xFF800000 : f32
    %broadcast_in_dim3A_49 = vector.broadcast %jit3A_48 : f32 to vector<80x128xf32>
    %select_n3A_50 = arith.select %lt3A_12, %add3A_47, %broadcast_in_dim3A_49 : vector<80x128xi1>, vector<80x128xf32>
    %broadcast_in_dim3A_51 = arith.constant 0 : i32
    %broadcast_in_dim3A_52 = vector.broadcast %broadcast_in_dim3A_51 : i32 to vector<1x1xi32>
    %swap3A = arith.constant 0 : index
    %swap3A_53 = arith.constant 0 : index
    %swap3A_54 = vector.load %arg3[%swap3A, %swap3A_53] : memref<2500x1xi32, #tpu.memory_space<vmem>>, vector<1x1xi32>
    tpu.vector_store %arg3[%swap3A, %swap3A_53], %broadcast_in_dim3A_52 {strides = array<i32>} : memref<2500x1xi32, #tpu.memory_space<vmem>>, vector<1x1xi32>,
    %swap3A_55 = arith.constant 0 : index
    %swap3A_56 = arith.constant 0 : index
    %swap3A_57 = vector.load %arg4[%swap3A_55, %swap3A_56] : memref<2500x1xf32, #tpu.memory_space<vmem>>, vector<1x1xf32>
    tpu.vector_store %arg4[%swap3A_55, %swap3A_56], %broadcast_in_dim3A_19 {strides = array<i32>} : memref<2500x1xf32, #tpu.memory_space<vmem>>, vector<1x1xf32>,
    %swap3A_58 = arith.constant 0 : index
    %swap3A_59 = arith.constant 0 : index
    %swap3A_60 = vector.load %arg5[%swap3A_58, %swap3A_59] : memref<2500x1xf32, #tpu.memory_space<vmem>>, vector<1x1xf32>
    tpu.vector_store %arg5[%swap3A_58, %swap3A_59], %broadcast_in_dim3A_28 {strides = array<i32>} : memref<2500x1xf32, #tpu.memory_space<vmem>>, vector<1x1xf32>,
    %swap3A_61 = arith.constant 0 : index
    %swap3A_62 = arith.constant 0 : index
    %swap3A_63 = vector.load %arg6[%swap3A_61, %swap3A_62] : memref<2500x1xf32, #tpu.memory_space<vmem>>, vector<1x1xf32>
    tpu.vector_store %arg6[%swap3A_61, %swap3A_62], %broadcast_in_dim3A_37 {strides = array<i32>} : memref<2500x1xf32, #tpu.memory_space<vmem>>, vector<1x1xf32>,
    %scan3A = arith.constant 1073741824 : i32
    %scan3A_64 = arith.constant 0.000000e+00 : f32
    %scan3A_65 = arith.constant 1 : i32
    %scan3A_66 = arith.constant 2499 : i32
    %scan3A_67 = arith.addi %scan3A_65, %scan3A_66 : i32
    %scan3A_68 = arith.constant 1 : i32
    %scan3A_69 = scf.for %scan3A_71 = %scan3A_65 to %scan3A_67 step %scan3A_68 iter_args(%scan3A_72 = %select_n3A_50) -> (vector<80x128xf32>)  : i32 {
      %reduce_max3A = arith.constant dense<0xFF800000> : vector<128xf32>
      %reduce_max3A_73 = vector.multi_reduction <maximumf>, %scan3A_72, %reduce_max3A [0] : vector<80x128xf32> to vector<128xf32>
      %broadcast_in_dim3A_74 = vector.shape_cast %reduce_max3A_73 : vector<128xf32> to vector<1x128xf32>
      %reduce_max3A_75 = arith.constant dense<0xFF800000> : vector<1xf32>
      %reduce_max3A_76 = vector.multi_reduction <maximumf>, %broadcast_in_dim3A_74, %reduce_max3A_75 [1] : vector<1x128xf32> to vector<1xf32>
      %broadcast_in_dim3A_77 = vector.shape_cast %reduce_max3A_76 : vector<1xf32> to vector<1x1xf32>
      %eq3A_78 = vector.broadcast %broadcast_in_dim3A_77 : vector<1x1xf32> to vector<80x128xf32>
      %eq3A_79 = arith.cmpf oeq, %scan3A_72, %eq3A_78 : vector<80x128xf32>
      %broadcast_in_dim3A_80 = vector.broadcast %scan3A : i32 to vector<80x128xi32>
      %select_n3A_81 = arith.select %eq3A_79, %add3A, %broadcast_in_dim3A_80 : vector<80x128xi1>, vector<80x128xi32>
      %reduce_min3A = arith.constant dense<2147483647> : vector<128xi32>
      %reduce_min3A_82 = vector.multi_reduction <minsi>, %select_n3A_81, %reduce_min3A [0] : vector<80x128xi32> to vector<128xi32>
      %broadcast_in_dim3A_83 = vector.shape_cast %reduce_min3A_82 : vector<128xi32> to vector<1x128xi32>
      %eq3A_84 = vector.broadcast %broadcast_in_dim3A_83 : vector<1x128xi32> to vector<80x128xi32>
      %eq3A_85 = arith.cmpi eq, %add3A, %eq3A_84 : vector<80x128xi32>
      %broadcast_in_dim3A_86 = vector.broadcast %scan3A_64 : f32 to vector<80x128xf32>
      %select_n3A_87 = arith.select %eq3A_85, %get3A_1, %broadcast_in_dim3A_86 : vector<80x128xi1>, vector<80x128xf32>
      %reduce_sum3A_88 = arith.constant dense<0.000000e+00> : vector<128xf32>
      %reduce_sum3A_89 = vector.multi_reduction <add>, %select_n3A_87, %reduce_sum3A_88 [0] : vector<80x128xf32> to vector<128xf32>
      %broadcast_in_dim3A_90 = vector.shape_cast %reduce_sum3A_89 : vector<128xf32> to vector<1x128xf32>
      %broadcast_in_dim3A_91 = vector.broadcast %scan3A_64 : f32 to vector<80x128xf32>
      %select_n3A_92 = arith.select %eq3A_85, %get3A_4, %broadcast_in_dim3A_91 : vector<80x128xi1>, vector<80x128xf32>
      %reduce_sum3A_93 = arith.constant dense<0.000000e+00> : vector<128xf32>
      %reduce_sum3A_94 = vector.multi_reduction <add>, %select_n3A_92, %reduce_sum3A_93 [0] : vector<80x128xf32> to vector<128xf32>
      %broadcast_in_dim3A_95 = vector.shape_cast %reduce_sum3A_94 : vector<128xf32> to vector<1x128xf32>
      %broadcast_in_dim3A_96 = vector.broadcast %scan3A_64 : f32 to vector<80x128xf32>
      %select_n3A_97 = arith.select %eq3A_85, %get3A_7, %broadcast_in_dim3A_96 : vector<80x128xi1>, vector<80x128xf32>
      %reduce_sum3A_98 = arith.constant dense<0.000000e+00> : vector<128xf32>
      %reduce_sum3A_99 = vector.multi_reduction <add>, %select_n3A_97, %reduce_sum3A_98 [0] : vector<80x128xf32> to vector<128xf32>
      %broadcast_in_dim3A_100 = vector.shape_cast %reduce_sum3A_99 : vector<128xf32> to vector<1x128xf32>
      %reduce_min3A_101 = arith.constant dense<2147483647> : vector<1xi32>
      %reduce_min3A_102 = vector.multi_reduction <minsi>, %broadcast_in_dim3A_83, %reduce_min3A_101 [1] : vector<1x128xi32> to vector<1xi32>
      %broadcast_in_dim3A_103 = vector.shape_cast %reduce_min3A_102 : vector<1xi32> to vector<1x1xi32>
      %eq3A_104 = vector.broadcast %broadcast_in_dim3A_103 : vector<1x1xi32> to vector<1x128xi32>
      %eq3A_105 = arith.cmpi eq, %broadcast_in_dim3A_83, %eq3A_104 : vector<1x128xi32>
      %concatenate3A = tpu.concatenate %broadcast_in_dim3A_90, %broadcast_in_dim3A_95, %broadcast_in_dim3A_100 in 0 : vector<1x128xf32>, vector<1x128xf32>, vector<1x128xf32> -> vector<3x128xf32>
      %broadcast_in_dim3A_106 = vector.shape_cast %eq3A_105 : vector<1x128xi1> to vector<1x128xi1>
      %broadcast_in_dim3A_107 = vector.broadcast %broadcast_in_dim3A_106 : vector<1x128xi1> to vector<3x128xi1>
      %broadcast_in_dim3A_108 = vector.broadcast %scan3A_64 : f32 to vector<3x128xf32>
      %select_n3A_109 = arith.select %broadcast_in_dim3A_107, %concatenate3A, %broadcast_in_dim3A_108 : vector<3x128xi1>, vector<3x128xf32>
      %reduce_sum3A_110 = arith.constant dense<0.000000e+00> : vector<3xf32>
      %reduce_sum3A_111 = vector.multi_reduction <add>, %select_n3A_109, %reduce_sum3A_110 [1] : vector<3x128xf32> to vector<3xf32>
      %broadcast_in_dim3A_112 = vector.shape_cast %reduce_sum3A_111 : vector<3xf32> to vector<3x1xf32>
      %slice3A = vector.extract_strided_slice %broadcast_in_dim3A_112 {offsets = [0, 0], sizes = [1, 1], strides = [1, 1]} : vector<3x1xf32> to vector<1x1xf32>
      %slice3A_113 = vector.extract_strided_slice %broadcast_in_dim3A_112 {offsets = [1, 0], sizes = [1, 1], strides = [1, 1]} : vector<3x1xf32> to vector<1x1xf32>
      %slice3A_114 = vector.extract_strided_slice %broadcast_in_dim3A_112 {offsets = [2, 0], sizes = [1, 1], strides = [1, 1]} : vector<3x1xf32> to vector<1x1xf32>
      %sub3A_115 = vector.broadcast %slice3A : vector<1x1xf32> to vector<80x128xf32>
      %sub3A_116 = arith.subf %get3A_1, %sub3A_115 : vector<80x128xf32>
      %sub3A_117 = vector.broadcast %slice3A_113 : vector<1x1xf32> to vector<80x128xf32>
      %sub3A_118 = arith.subf %get3A_4, %sub3A_117 : vector<80x128xf32>
      %sub3A_119 = vector.broadcast %slice3A_114 : vector<1x1xf32> to vector<80x128xf32>
      %sub3A_120 = arith.subf %get3A_7, %sub3A_119 : vector<80x128xf32>
      %mul3A_121 = arith.mulf %sub3A_116, %sub3A_116 : vector<80x128xf32>
      %mul3A_122 = arith.mulf %sub3A_118, %sub3A_118 : vector<80x128xf32>
      %add3A_123 = arith.addf %mul3A_121, %mul3A_122 : vector<80x128xf32>
      %mul3A_124 = arith.mulf %sub3A_120, %sub3A_120 : vector<80x128xf32>
      %add3A_125 = arith.addf %add3A_123, %mul3A_124 : vector<80x128xf32>
      %swap3A_126 = arith.index_cast %scan3A_71 : i32 to index
      %swap3A_127 = arith.constant 0 : index
      %swap3A_128 = vector.load %arg3[%swap3A_126, %swap3A_127] : memref<2500x1xi32, #tpu.memory_space<vmem>>, vector<1x1xi32>
      tpu.vector_store %arg3[%swap3A_126, %swap3A_127], %broadcast_in_dim3A_103 {strides = array<i32>} : memref<2500x1xi32, #tpu.memory_space<vmem>>, vector<1x1xi32>,
      %swap3A_129 = arith.index_cast %scan3A_71 : i32 to index
      %swap3A_130 = arith.constant 0 : index
      %swap3A_131 = vector.load %arg4[%swap3A_129, %swap3A_130] : memref<2500x1xf32, #tpu.memory_space<vmem>>, vector<1x1xf32>
      tpu.vector_store %arg4[%swap3A_129, %swap3A_130], %slice3A {strides = array<i32>} : memref<2500x1xf32, #tpu.memory_space<vmem>>, vector<1x1xf32>,
      %swap3A_132 = arith.index_cast %scan3A_71 : i32 to index
      %swap3A_133 = arith.constant 0 : index
      %swap3A_134 = vector.load %arg5[%swap3A_132, %swap3A_133] : memref<2500x1xf32, #tpu.memory_space<vmem>>, vector<1x1xf32>
      tpu.vector_store %arg5[%swap3A_132, %swap3A_133], %slice3A_113 {strides = array<i32>} : memref<2500x1xf32, #tpu.memory_space<vmem>>, vector<1x1xf32>,
      %swap3A_135 = arith.index_cast %scan3A_71 : i32 to index
      %swap3A_136 = arith.constant 0 : index
      %swap3A_137 = vector.load %arg6[%swap3A_135, %swap3A_136] : memref<2500x1xf32, #tpu.memory_space<vmem>>, vector<1x1xf32>
      tpu.vector_store %arg6[%swap3A_135, %swap3A_136], %slice3A_114 {strides = array<i32>} : memref<2500x1xf32, #tpu.memory_space<vmem>>, vector<1x1xf32>,
      %min3A = arith.minimumf %scan3A_72, %add3A_125 : vector<80x128xf32>
      scf.yield %min3A : vector<80x128xf32>
    }
    %scan3A_70 = arith.constant 2499 : i32
    return
  }
}

module attributes {stable_mosaic.version = 14 : i64} {
  func.func @_hm_body(%arg0: i32, %arg1: memref<128x1xf32, #tpu.memory_space<vmem>>, %arg2: memref<128x1xf32, #tpu.memory_space<vmem>>, %arg3: memref<128x1xf32, #tpu.memory_space<vmem>>, %arg4: memref<1x10240xf32, #tpu.memory_space<vmem>>, %arg5: memref<1x10240xf32, #tpu.memory_space<vmem>>, %arg6: memref<1x10240xf32, #tpu.memory_space<vmem>>, %arg7: memref<1xf32, #tpu.memory_space<smem>>, %arg8: memref<1024x64xf32, #tpu.memory_space<vmem>>, %arg9: memref<128x640xi32, #tpu.memory_space<vmem>>) attributes {dimension_semantics = [#tpu.dimension_semantics<arbitrary>], iteration_bounds = array<i64: 20>, scalar_prefetch = 0 : i64, scratch_operands = 0 : i64, tpu.core_type = #tpu.core_type<tc>, window_params = [{transform_indices = @transform_0, window_bounds = array<i64: 128, 1>}, {transform_indices = @transform_1, window_bounds = array<i64: 128, 1>}, {transform_indices = @transform_2, window_bounds = array<i64: 128, 1>}, {pipeline_mode = #tpu.pipeline_mode<synchronous>, transform_indices = @transform_3, window_bounds = array<i64: 1, 10240>}, {pipeline_mode = #tpu.pipeline_mode<synchronous>, transform_indices = @transform_4, window_bounds = array<i64: 1, 10240>}, {pipeline_mode = #tpu.pipeline_mode<synchronous>, transform_indices = @transform_5, window_bounds = array<i64: 1, 10240>}, {transform_indices = @transform_6, window_bounds = array<i64: 1>}, {pipeline_mode = #tpu.pipeline_mode<synchronous>, transform_indices = @transform_7, window_bounds = array<i64: 1024, 64>}, {transform_indices = @transform_8, window_bounds = array<i64: 128, 640>}]} {
    %get3A = arith.constant 0 : index
    %get3A_0 = memref.load %arg7[%get3A] : memref<1xf32, #tpu.memory_space<smem>>
    %get3A_1 = arith.constant 0 : index
    %get3A_2 = arith.constant 0 : index
    %get3A_3 = vector.load %arg1[%get3A_1, %get3A_2] : memref<128x1xf32, #tpu.memory_space<vmem>>, vector<128x1xf32>
    %get3A_4 = arith.constant 0 : index
    %get3A_5 = arith.constant 0 : index
    %get3A_6 = vector.load %arg2[%get3A_4, %get3A_5] : memref<128x1xf32, #tpu.memory_space<vmem>>, vector<128x1xf32>
    %get3A_7 = arith.constant 0 : index
    %get3A_8 = arith.constant 0 : index
    %get3A_9 = vector.load %arg3[%get3A_7, %get3A_8] : memref<128x1xf32, #tpu.memory_space<vmem>>, vector<128x1xf32>
    %get3A_10 = arith.constant 0 : index
    %get3A_11 = arith.constant 0 : index
    %get3A_12 = vector.load %arg4[%get3A_10, %get3A_11] : memref<1x10240xf32, #tpu.memory_space<vmem>>, vector<1x1024xf32>
    %sub3A = vector.broadcast %get3A_3 : vector<128x1xf32> to vector<128x1024xf32>
    %sub3A_13 = vector.broadcast %get3A_12 : vector<1x1024xf32> to vector<128x1024xf32>
    %sub3A_14 = arith.subf %sub3A, %sub3A_13 : vector<128x1024xf32>
    %get3A_15 = arith.constant 0 : index
    %get3A_16 = arith.constant 0 : index
    %get3A_17 = vector.load %arg5[%get3A_15, %get3A_16] : memref<1x10240xf32, #tpu.memory_space<vmem>>, vector<1x1024xf32>
    %sub3A_18 = vector.broadcast %get3A_6 : vector<128x1xf32> to vector<128x1024xf32>
    %sub3A_19 = vector.broadcast %get3A_17 : vector<1x1024xf32> to vector<128x1024xf32>
    %sub3A_20 = arith.subf %sub3A_18, %sub3A_19 : vector<128x1024xf32>
    %get3A_21 = arith.constant 0 : index
    %get3A_22 = arith.constant 0 : index
    %get3A_23 = vector.load %arg6[%get3A_21, %get3A_22] : memref<1x10240xf32, #tpu.memory_space<vmem>>, vector<1x1024xf32>
    %sub3A_24 = vector.broadcast %get3A_9 : vector<128x1xf32> to vector<128x1024xf32>
    %sub3A_25 = vector.broadcast %get3A_23 : vector<1x1024xf32> to vector<128x1024xf32>
    %sub3A_26 = arith.subf %sub3A_24, %sub3A_25 : vector<128x1024xf32>
    %mul3A = arith.mulf %sub3A_14, %sub3A_14 : vector<128x1024xf32>
    %mul3A_27 = arith.mulf %sub3A_20, %sub3A_20 : vector<128x1024xf32>
    %add3A = arith.addf %mul3A, %mul3A_27 : vector<128x1024xf32>
    %mul3A_28 = arith.mulf %sub3A_26, %sub3A_26 : vector<128x1024xf32>
    %add3A_29 = arith.addf %add3A, %mul3A_28 : vector<128x1024xf32>
    %le3A = vector.broadcast %get3A_0 : f32 to vector<128x1024xf32>
    %le3A_30 = arith.cmpf ole, %add3A_29, %le3A : vector<128x1024xf32>
    %convert_element_type3A = arith.extui %le3A_30 : vector<128x1024xi1> to vector<128x1024xi32>
    %convert_element_type3A_31 = arith.sitofp %convert_element_type3A : vector<128x1024xi32> to vector<128x1024xf32>
    %get3A_32 = arith.constant 0 : index
    %get3A_33 = arith.constant 0 : index
    %get3A_34 = vector.load %arg8[%get3A_32, %get3A_33] : memref<1024x64xf32, #tpu.memory_space<vmem>>, vector<1024x64xf32>
    %dot_general3A = arith.constant dense<0.000000e+00> : vector<128x64xf32>
    %dot_general3A_35 = tpu.matmul %convert_element_type3A_31, %get3A_34, %dot_general3A {dimension_numbers = #tpu.dot_dimension_numbers<[1], [0], [0], [1], [0, 0, 1, 1], [], []>, transpose_lhs_hint = false} : vector<128x1024xf32>, vector<1024x64xf32>, vector<128x64xf32> -> vector<128x64xf32>
    %convert_element_type3A_36 = arith.fptosi %dot_general3A_35 : vector<128x64xf32> to vector<128x64xi32>
    %swap3A = arith.constant 0 : index
    %swap3A_37 = arith.constant 0 : index
    %swap3A_38 = vector.load %arg9[%swap3A, %swap3A_37] : memref<128x640xi32, #tpu.memory_space<vmem>>, vector<128x64xi32>
    tpu.vector_store %arg9[%swap3A, %swap3A_37], %convert_element_type3A_36 {strides = array<i32>} : memref<128x640xi32, #tpu.memory_space<vmem>>, vector<128x64xi32>,
    %get3A_39 = arith.constant 0 : index
    %get3A_40 = arith.constant 1024 : index
    %get3A_41 = vector.load %arg4[%get3A_39, %get3A_40] : memref<1x10240xf32, #tpu.memory_space<vmem>>, vector<1x1024xf32>
    %sub3A_42 = vector.broadcast %get3A_3 : vector<128x1xf32> to vector<128x1024xf32>
    %sub3A_43 = vector.broadcast %get3A_41 : vector<1x1024xf32> to vector<128x1024xf32>
    %sub3A_44 = arith.subf %sub3A_42, %sub3A_43 : vector<128x1024xf32>
    %get3A_45 = arith.constant 0 : index
    %get3A_46 = arith.constant 1024 : index
    %get3A_47 = vector.load %arg5[%get3A_45, %get3A_46] : memref<1x10240xf32, #tpu.memory_space<vmem>>, vector<1x1024xf32>
    %sub3A_48 = vector.broadcast %get3A_6 : vector<128x1xf32> to vector<128x1024xf32>
    %sub3A_49 = vector.broadcast %get3A_47 : vector<1x1024xf32> to vector<128x1024xf32>
    %sub3A_50 = arith.subf %sub3A_48, %sub3A_49 : vector<128x1024xf32>
    %get3A_51 = arith.constant 0 : index
    %get3A_52 = arith.constant 1024 : index
    %get3A_53 = vector.load %arg6[%get3A_51, %get3A_52] : memref<1x10240xf32, #tpu.memory_space<vmem>>, vector<1x1024xf32>
    %sub3A_54 = vector.broadcast %get3A_9 : vector<128x1xf32> to vector<128x1024xf32>
    %sub3A_55 = vector.broadcast %get3A_53 : vector<1x1024xf32> to vector<128x1024xf32>
    %sub3A_56 = arith.subf %sub3A_54, %sub3A_55 : vector<128x1024xf32>
    %mul3A_57 = arith.mulf %sub3A_44, %sub3A_44 : vector<128x1024xf32>
    %mul3A_58 = arith.mulf %sub3A_50, %sub3A_50 : vector<128x1024xf32>
    %add3A_59 = arith.addf %mul3A_57, %mul3A_58 : vector<128x1024xf32>
    %mul3A_60 = arith.mulf %sub3A_56, %sub3A_56 : vector<128x1024xf32>
    %add3A_61 = arith.addf %add3A_59, %mul3A_60 : vector<128x1024xf32>
    %le3A_62 = vector.broadcast %get3A_0 : f32 to vector<128x1024xf32>
    %le3A_63 = arith.cmpf ole, %add3A_61, %le3A_62 : vector<128x1024xf32>
    %convert_element_type3A_64 = arith.extui %le3A_63 : vector<128x1024xi1> to vector<128x1024xi32>
    %convert_element_type3A_65 = arith.sitofp %convert_element_type3A_64 : vector<128x1024xi32> to vector<128x1024xf32>
    %get3A_66 = arith.constant 0 : index
    %get3A_67 = arith.constant 0 : index
    %get3A_68 = vector.load %arg8[%get3A_66, %get3A_67] : memref<1024x64xf32, #tpu.memory_space<vmem>>, vector<1024x64xf32>
    %dot_general3A_69 = arith.constant dense<0.000000e+00> : vector<128x64xf32>
    %dot_general3A_70 = tpu.matmul %convert_element_type3A_65, %get3A_68, %dot_general3A_69 {dimension_numbers = #tpu.dot_dimension_numbers<[1], [0], [0], [1], [0, 0, 1, 1], [], []>, transpose_lhs_hint = false} : vector<128x1024xf32>, vector<1024x64xf32>, vector<128x64xf32> -> vector<128x64xf32>
    %convert_element_type3A_71 = arith.fptosi %dot_general3A_70 : vector<128x64xf32> to vector<128x64xi32>
    %swap3A_72 = arith.constant 0 : index
    %swap3A_73 = arith.constant 64 : index
    %swap3A_74 = vector.load %arg9[%swap3A_72, %swap3A_73] : memref<128x640xi32, #tpu.memory_space<vmem>>, vector<128x64xi32>
    tpu.vector_store %arg9[%swap3A_72, %swap3A_73], %convert_element_type3A_71 {strides = array<i32>} : memref<128x640xi32, #tpu.memory_space<vmem>>, vector<128x64xi32>,
    %get3A_75 = arith.constant 0 : index
    %get3A_76 = arith.constant 2048 : index
    %get3A_77 = vector.load %arg4[%get3A_75, %get3A_76] : memref<1x10240xf32, #tpu.memory_space<vmem>>, vector<1x1024xf32>
    %sub3A_78 = vector.broadcast %get3A_3 : vector<128x1xf32> to vector<128x1024xf32>
    %sub3A_79 = vector.broadcast %get3A_77 : vector<1x1024xf32> to vector<128x1024xf32>
    %sub3A_80 = arith.subf %sub3A_78, %sub3A_79 : vector<128x1024xf32>
    %get3A_81 = arith.constant 0 : index
    %get3A_82 = arith.constant 2048 : index
    %get3A_83 = vector.load %arg5[%get3A_81, %get3A_82] : memref<1x10240xf32, #tpu.memory_space<vmem>>, vector<1x1024xf32>
    %sub3A_84 = vector.broadcast %get3A_6 : vector<128x1xf32> to vector<128x1024xf32>
    %sub3A_85 = vector.broadcast %get3A_83 : vector<1x1024xf32> to vector<128x1024xf32>
    %sub3A_86 = arith.subf %sub3A_84, %sub3A_85 : vector<128x1024xf32>
    %get3A_87 = arith.constant 0 : index
    %get3A_88 = arith.constant 2048 : index
    %get3A_89 = vector.load %arg6[%get3A_87, %get3A_88] : memref<1x10240xf32, #tpu.memory_space<vmem>>, vector<1x1024xf32>
    %sub3A_90 = vector.broadcast %get3A_9 : vector<128x1xf32> to vector<128x1024xf32>
    %sub3A_91 = vector.broadcast %get3A_89 : vector<1x1024xf32> to vector<128x1024xf32>
    %sub3A_92 = arith.subf %sub3A_90, %sub3A_91 : vector<128x1024xf32>
    %mul3A_93 = arith.mulf %sub3A_80, %sub3A_80 : vector<128x1024xf32>
    %mul3A_94 = arith.mulf %sub3A_86, %sub3A_86 : vector<128x1024xf32>
    %add3A_95 = arith.addf %mul3A_93, %mul3A_94 : vector<128x1024xf32>
    %mul3A_96 = arith.mulf %sub3A_92, %sub3A_92 : vector<128x1024xf32>
    %add3A_97 = arith.addf %add3A_95, %mul3A_96 : vector<128x1024xf32>
    %le3A_98 = vector.broadcast %get3A_0 : f32 to vector<128x1024xf32>
    %le3A_99 = arith.cmpf ole, %add3A_97, %le3A_98 : vector<128x1024xf32>
    %convert_element_type3A_100 = arith.extui %le3A_99 : vector<128x1024xi1> to vector<128x1024xi32>
    %convert_element_type3A_101 = arith.sitofp %convert_element_type3A_100 : vector<128x1024xi32> to vector<128x1024xf32>
    %get3A_102 = arith.constant 0 : index
    %get3A_103 = arith.constant 0 : index
    %get3A_104 = vector.load %arg8[%get3A_102, %get3A_103] : memref<1024x64xf32, #tpu.memory_space<vmem>>, vector<1024x64xf32>
    %dot_general3A_105 = arith.constant dense<0.000000e+00> : vector<128x64xf32>
    %dot_general3A_106 = tpu.matmul %convert_element_type3A_101, %get3A_104, %dot_general3A_105 {dimension_numbers = #tpu.dot_dimension_numbers<[1], [0], [0], [1], [0, 0, 1, 1], [], []>, transpose_lhs_hint = false} : vector<128x1024xf32>, vector<1024x64xf32>, vector<128x64xf32> -> vector<128x64xf32>
    %convert_element_type3A_107 = arith.fptosi %dot_general3A_106 : vector<128x64xf32> to vector<128x64xi32>
    %swap3A_108 = arith.constant 0 : index
    %swap3A_109 = arith.constant 128 : index
    %swap3A_110 = vector.load %arg9[%swap3A_108, %swap3A_109] : memref<128x640xi32, #tpu.memory_space<vmem>>, vector<128x64xi32>
    tpu.vector_store %arg9[%swap3A_108, %swap3A_109], %convert_element_type3A_107 {strides = array<i32>} : memref<128x640xi32, #tpu.memory_space<vmem>>, vector<128x64xi32>,
    %get3A_111 = arith.constant 0 : index
    %get3A_112 = arith.constant 3072 : index
    %get3A_113 = vector.load %arg4[%get3A_111, %get3A_112] : memref<1x10240xf32, #tpu.memory_space<vmem>>, vector<1x1024xf32>
    %sub3A_114 = vector.broadcast %get3A_3 : vector<128x1xf32> to vector<128x1024xf32>
    %sub3A_115 = vector.broadcast %get3A_113 : vector<1x1024xf32> to vector<128x1024xf32>
    %sub3A_116 = arith.subf %sub3A_114, %sub3A_115 : vector<128x1024xf32>
    %get3A_117 = arith.constant 0 : index
    %get3A_118 = arith.constant 3072 : index
    %get3A_119 = vector.load %arg5[%get3A_117, %get3A_118] : memref<1x10240xf32, #tpu.memory_space<vmem>>, vector<1x1024xf32>
    %sub3A_120 = vector.broadcast %get3A_6 : vector<128x1xf32> to vector<128x1024xf32>
    %sub3A_121 = vector.broadcast %get3A_119 : vector<1x1024xf32> to vector<128x1024xf32>
    %sub3A_122 = arith.subf %sub3A_120, %sub3A_121 : vector<128x1024xf32>
    %get3A_123 = arith.constant 0 : index
    %get3A_124 = arith.constant 3072 : index
    %get3A_125 = vector.load %arg6[%get3A_123, %get3A_124] : memref<1x10240xf32, #tpu.memory_space<vmem>>, vector<1x1024xf32>
    %sub3A_126 = vector.broadcast %get3A_9 : vector<128x1xf32> to vector<128x1024xf32>
    %sub3A_127 = vector.broadcast %get3A_125 : vector<1x1024xf32> to vector<128x1024xf32>
    %sub3A_128 = arith.subf %sub3A_126, %sub3A_127 : vector<128x1024xf32>
    %mul3A_129 = arith.mulf %sub3A_116, %sub3A_116 : vector<128x1024xf32>
    %mul3A_130 = arith.mulf %sub3A_122, %sub3A_122 : vector<128x1024xf32>
    %add3A_131 = arith.addf %mul3A_129, %mul3A_130 : vector<128x1024xf32>
    %mul3A_132 = arith.mulf %sub3A_128, %sub3A_128 : vector<128x1024xf32>
    %add3A_133 = arith.addf %add3A_131, %mul3A_132 : vector<128x1024xf32>
    %le3A_134 = vector.broadcast %get3A_0 : f32 to vector<128x1024xf32>
    %le3A_135 = arith.cmpf ole, %add3A_133, %le3A_134 : vector<128x1024xf32>
    %convert_element_type3A_136 = arith.extui %le3A_135 : vector<128x1024xi1> to vector<128x1024xi32>
    %convert_element_type3A_137 = arith.sitofp %convert_element_type3A_136 : vector<128x1024xi32> to vector<128x1024xf32>
    %get3A_138 = arith.constant 0 : index
    %get3A_139 = arith.constant 0 : index
    %get3A_140 = vector.load %arg8[%get3A_138, %get3A_139] : memref<1024x64xf32, #tpu.memory_space<vmem>>, vector<1024x64xf32>
    %dot_general3A_141 = arith.constant dense<0.000000e+00> : vector<128x64xf32>
    %dot_general3A_142 = tpu.matmul %convert_element_type3A_137, %get3A_140, %dot_general3A_141 {dimension_numbers = #tpu.dot_dimension_numbers<[1], [0], [0], [1], [0, 0, 1, 1], [], []>, transpose_lhs_hint = false} : vector<128x1024xf32>, vector<1024x64xf32>, vector<128x64xf32> -> vector<128x64xf32>
    %convert_element_type3A_143 = arith.fptosi %dot_general3A_142 : vector<128x64xf32> to vector<128x64xi32>
    %swap3A_144 = arith.constant 0 : index
    %swap3A_145 = arith.constant 192 : index
    %swap3A_146 = vector.load %arg9[%swap3A_144, %swap3A_145] : memref<128x640xi32, #tpu.memory_space<vmem>>, vector<128x64xi32>
    tpu.vector_store %arg9[%swap3A_144, %swap3A_145], %convert_element_type3A_143 {strides = array<i32>} : memref<128x640xi32, #tpu.memory_space<vmem>>, vector<128x64xi32>,
    %get3A_147 = arith.constant 0 : index
    %get3A_148 = arith.constant 4096 : index
    %get3A_149 = vector.load %arg4[%get3A_147, %get3A_148] : memref<1x10240xf32, #tpu.memory_space<vmem>>, vector<1x1024xf32>
    %sub3A_150 = vector.broadcast %get3A_3 : vector<128x1xf32> to vector<128x1024xf32>
    %sub3A_151 = vector.broadcast %get3A_149 : vector<1x1024xf32> to vector<128x1024xf32>
    %sub3A_152 = arith.subf %sub3A_150, %sub3A_151 : vector<128x1024xf32>
    %get3A_153 = arith.constant 0 : index
    %get3A_154 = arith.constant 4096 : index
    %get3A_155 = vector.load %arg5[%get3A_153, %get3A_154] : memref<1x10240xf32, #tpu.memory_space<vmem>>, vector<1x1024xf32>
    %sub3A_156 = vector.broadcast %get3A_6 : vector<128x1xf32> to vector<128x1024xf32>
    %sub3A_157 = vector.broadcast %get3A_155 : vector<1x1024xf32> to vector<128x1024xf32>
    %sub3A_158 = arith.subf %sub3A_156, %sub3A_157 : vector<128x1024xf32>
    %get3A_159 = arith.constant 0 : index
    %get3A_160 = arith.constant 4096 : index
    %get3A_161 = vector.load %arg6[%get3A_159, %get3A_160] : memref<1x10240xf32, #tpu.memory_space<vmem>>, vector<1x1024xf32>
    %sub3A_162 = vector.broadcast %get3A_9 : vector<128x1xf32> to vector<128x1024xf32>
    %sub3A_163 = vector.broadcast %get3A_161 : vector<1x1024xf32> to vector<128x1024xf32>
    %sub3A_164 = arith.subf %sub3A_162, %sub3A_163 : vector<128x1024xf32>
    %mul3A_165 = arith.mulf %sub3A_152, %sub3A_152 : vector<128x1024xf32>
    %mul3A_166 = arith.mulf %sub3A_158, %sub3A_158 : vector<128x1024xf32>
    %add3A_167 = arith.addf %mul3A_165, %mul3A_166 : vector<128x1024xf32>
    %mul3A_168 = arith.mulf %sub3A_164, %sub3A_164 : vector<128x1024xf32>
    %add3A_169 = arith.addf %add3A_167, %mul3A_168 : vector<128x1024xf32>
    %le3A_170 = vector.broadcast %get3A_0 : f32 to vector<128x1024xf32>
    %le3A_171 = arith.cmpf ole, %add3A_169, %le3A_170 : vector<128x1024xf32>
    %convert_element_type3A_172 = arith.extui %le3A_171 : vector<128x1024xi1> to vector<128x1024xi32>
    %convert_element_type3A_173 = arith.sitofp %convert_element_type3A_172 : vector<128x1024xi32> to vector<128x1024xf32>
    %get3A_174 = arith.constant 0 : index
    %get3A_175 = arith.constant 0 : index
    %get3A_176 = vector.load %arg8[%get3A_174, %get3A_175] : memref<1024x64xf32, #tpu.memory_space<vmem>>, vector<1024x64xf32>
    %dot_general3A_177 = arith.constant dense<0.000000e+00> : vector<128x64xf32>
    %dot_general3A_178 = tpu.matmul %convert_element_type3A_173, %get3A_176, %dot_general3A_177 {dimension_numbers = #tpu.dot_dimension_numbers<[1], [0], [0], [1], [0, 0, 1, 1], [], []>, transpose_lhs_hint = false} : vector<128x1024xf32>, vector<1024x64xf32>, vector<128x64xf32> -> vector<128x64xf32>
    %convert_element_type3A_179 = arith.fptosi %dot_general3A_178 : vector<128x64xf32> to vector<128x64xi32>
    %swap3A_180 = arith.constant 0 : index
    %swap3A_181 = arith.constant 256 : index
    %swap3A_182 = vector.load %arg9[%swap3A_180, %swap3A_181] : memref<128x640xi32, #tpu.memory_space<vmem>>, vector<128x64xi32>
    tpu.vector_store %arg9[%swap3A_180, %swap3A_181], %convert_element_type3A_179 {strides = array<i32>} : memref<128x640xi32, #tpu.memory_space<vmem>>, vector<128x64xi32>,
    %get3A_183 = arith.constant 0 : index
    %get3A_184 = arith.constant 5120 : index
    %get3A_185 = vector.load %arg4[%get3A_183, %get3A_184] : memref<1x10240xf32, #tpu.memory_space<vmem>>, vector<1x1024xf32>
    %sub3A_186 = vector.broadcast %get3A_3 : vector<128x1xf32> to vector<128x1024xf32>
    %sub3A_187 = vector.broadcast %get3A_185 : vector<1x1024xf32> to vector<128x1024xf32>
    %sub3A_188 = arith.subf %sub3A_186, %sub3A_187 : vector<128x1024xf32>
    %get3A_189 = arith.constant 0 : index
    %get3A_190 = arith.constant 5120 : index
    %get3A_191 = vector.load %arg5[%get3A_189, %get3A_190] : memref<1x10240xf32, #tpu.memory_space<vmem>>, vector<1x1024xf32>
    %sub3A_192 = vector.broadcast %get3A_6 : vector<128x1xf32> to vector<128x1024xf32>
    %sub3A_193 = vector.broadcast %get3A_191 : vector<1x1024xf32> to vector<128x1024xf32>
    %sub3A_194 = arith.subf %sub3A_192, %sub3A_193 : vector<128x1024xf32>
    %get3A_195 = arith.constant 0 : index
    %get3A_196 = arith.constant 5120 : index
    %get3A_197 = vector.load %arg6[%get3A_195, %get3A_196] : memref<1x10240xf32, #tpu.memory_space<vmem>>, vector<1x1024xf32>
    %sub3A_198 = vector.broadcast %get3A_9 : vector<128x1xf32> to vector<128x1024xf32>
    %sub3A_199 = vector.broadcast %get3A_197 : vector<1x1024xf32> to vector<128x1024xf32>
    %sub3A_200 = arith.subf %sub3A_198, %sub3A_199 : vector<128x1024xf32>
    %mul3A_201 = arith.mulf %sub3A_188, %sub3A_188 : vector<128x1024xf32>
    %mul3A_202 = arith.mulf %sub3A_194, %sub3A_194 : vector<128x1024xf32>
    %add3A_203 = arith.addf %mul3A_201, %mul3A_202 : vector<128x1024xf32>
    %mul3A_204 = arith.mulf %sub3A_200, %sub3A_200 : vector<128x1024xf32>
    %add3A_205 = arith.addf %add3A_203, %mul3A_204 : vector<128x1024xf32>
    %le3A_206 = vector.broadcast %get3A_0 : f32 to vector<128x1024xf32>
    %le3A_207 = arith.cmpf ole, %add3A_205, %le3A_206 : vector<128x1024xf32>
    %convert_element_type3A_208 = arith.extui %le3A_207 : vector<128x1024xi1> to vector<128x1024xi32>
    %convert_element_type3A_209 = arith.sitofp %convert_element_type3A_208 : vector<128x1024xi32> to vector<128x1024xf32>
    %get3A_210 = arith.constant 0 : index
    %get3A_211 = arith.constant 0 : index
    %get3A_212 = vector.load %arg8[%get3A_210, %get3A_211] : memref<1024x64xf32, #tpu.memory_space<vmem>>, vector<1024x64xf32>
    %dot_general3A_213 = arith.constant dense<0.000000e+00> : vector<128x64xf32>
    %dot_general3A_214 = tpu.matmul %convert_element_type3A_209, %get3A_212, %dot_general3A_213 {dimension_numbers = #tpu.dot_dimension_numbers<[1], [0], [0], [1], [0, 0, 1, 1], [], []>, transpose_lhs_hint = false} : vector<128x1024xf32>, vector<1024x64xf32>, vector<128x64xf32> -> vector<128x64xf32>
    %convert_element_type3A_215 = arith.fptosi %dot_general3A_214 : vector<128x64xf32> to vector<128x64xi32>
    %swap3A_216 = arith.constant 0 : index
    %swap3A_217 = arith.constant 320 : index
    %swap3A_218 = vector.load %arg9[%swap3A_216, %swap3A_217] : memref<128x640xi32, #tpu.memory_space<vmem>>, vector<128x64xi32>
    tpu.vector_store %arg9[%swap3A_216, %swap3A_217], %convert_element_type3A_215 {strides = array<i32>} : memref<128x640xi32, #tpu.memory_space<vmem>>, vector<128x64xi32>,
    %get3A_219 = arith.constant 0 : index
    %get3A_220 = arith.constant 6144 : index
    %get3A_221 = vector.load %arg4[%get3A_219, %get3A_220] : memref<1x10240xf32, #tpu.memory_space<vmem>>, vector<1x1024xf32>
    %sub3A_222 = vector.broadcast %get3A_3 : vector<128x1xf32> to vector<128x1024xf32>
    %sub3A_223 = vector.broadcast %get3A_221 : vector<1x1024xf32> to vector<128x1024xf32>
    %sub3A_224 = arith.subf %sub3A_222, %sub3A_223 : vector<128x1024xf32>
    %get3A_225 = arith.constant 0 : index
    %get3A_226 = arith.constant 6144 : index
    %get3A_227 = vector.load %arg5[%get3A_225, %get3A_226] : memref<1x10240xf32, #tpu.memory_space<vmem>>, vector<1x1024xf32>
    %sub3A_228 = vector.broadcast %get3A_6 : vector<128x1xf32> to vector<128x1024xf32>
    %sub3A_229 = vector.broadcast %get3A_227 : vector<1x1024xf32> to vector<128x1024xf32>
    %sub3A_230 = arith.subf %sub3A_228, %sub3A_229 : vector<128x1024xf32>
    %get3A_231 = arith.constant 0 : index
    %get3A_232 = arith.constant 6144 : index
    %get3A_233 = vector.load %arg6[%get3A_231, %get3A_232] : memref<1x10240xf32, #tpu.memory_space<vmem>>, vector<1x1024xf32>
    %sub3A_234 = vector.broadcast %get3A_9 : vector<128x1xf32> to vector<128x1024xf32>
    %sub3A_235 = vector.broadcast %get3A_233 : vector<1x1024xf32> to vector<128x1024xf32>
    %sub3A_236 = arith.subf %sub3A_234, %sub3A_235 : vector<128x1024xf32>
    %mul3A_237 = arith.mulf %sub3A_224, %sub3A_224 : vector<128x1024xf32>
    %mul3A_238 = arith.mulf %sub3A_230, %sub3A_230 : vector<128x1024xf32>
    %add3A_239 = arith.addf %mul3A_237, %mul3A_238 : vector<128x1024xf32>
    %mul3A_240 = arith.mulf %sub3A_236, %sub3A_236 : vector<128x1024xf32>
    %add3A_241 = arith.addf %add3A_239, %mul3A_240 : vector<128x1024xf32>
    %le3A_242 = vector.broadcast %get3A_0 : f32 to vector<128x1024xf32>
    %le3A_243 = arith.cmpf ole, %add3A_241, %le3A_242 : vector<128x1024xf32>
    %convert_element_type3A_244 = arith.extui %le3A_243 : vector<128x1024xi1> to vector<128x1024xi32>
    %convert_element_type3A_245 = arith.sitofp %convert_element_type3A_244 : vector<128x1024xi32> to vector<128x1024xf32>
    %get3A_246 = arith.constant 0 : index
    %get3A_247 = arith.constant 0 : index
    %get3A_248 = vector.load %arg8[%get3A_246, %get3A_247] : memref<1024x64xf32, #tpu.memory_space<vmem>>, vector<1024x64xf32>
    %dot_general3A_249 = arith.constant dense<0.000000e+00> : vector<128x64xf32>
    %dot_general3A_250 = tpu.matmul %convert_element_type3A_245, %get3A_248, %dot_general3A_249 {dimension_numbers = #tpu.dot_dimension_numbers<[1], [0], [0], [1], [0, 0, 1, 1], [], []>, transpose_lhs_hint = false} : vector<128x1024xf32>, vector<1024x64xf32>, vector<128x64xf32> -> vector<128x64xf32>
    %convert_element_type3A_251 = arith.fptosi %dot_general3A_250 : vector<128x64xf32> to vector<128x64xi32>
    %swap3A_252 = arith.constant 0 : index
    %swap3A_253 = arith.constant 384 : index
    %swap3A_254 = vector.load %arg9[%swap3A_252, %swap3A_253] : memref<128x640xi32, #tpu.memory_space<vmem>>, vector<128x64xi32>
    tpu.vector_store %arg9[%swap3A_252, %swap3A_253], %convert_element_type3A_251 {strides = array<i32>} : memref<128x640xi32, #tpu.memory_space<vmem>>, vector<128x64xi32>,
    %get3A_255 = arith.constant 0 : index
    %get3A_256 = arith.constant 7168 : index
    %get3A_257 = vector.load %arg4[%get3A_255, %get3A_256] : memref<1x10240xf32, #tpu.memory_space<vmem>>, vector<1x1024xf32>
    %sub3A_258 = vector.broadcast %get3A_3 : vector<128x1xf32> to vector<128x1024xf32>
    %sub3A_259 = vector.broadcast %get3A_257 : vector<1x1024xf32> to vector<128x1024xf32>
    %sub3A_260 = arith.subf %sub3A_258, %sub3A_259 : vector<128x1024xf32>
    %get3A_261 = arith.constant 0 : index
    %get3A_262 = arith.constant 7168 : index
    %get3A_263 = vector.load %arg5[%get3A_261, %get3A_262] : memref<1x10240xf32, #tpu.memory_space<vmem>>, vector<1x1024xf32>
    %sub3A_264 = vector.broadcast %get3A_6 : vector<128x1xf32> to vector<128x1024xf32>
    %sub3A_265 = vector.broadcast %get3A_263 : vector<1x1024xf32> to vector<128x1024xf32>
    %sub3A_266 = arith.subf %sub3A_264, %sub3A_265 : vector<128x1024xf32>
    %get3A_267 = arith.constant 0 : index
    %get3A_268 = arith.constant 7168 : index
    %get3A_269 = vector.load %arg6[%get3A_267, %get3A_268] : memref<1x10240xf32, #tpu.memory_space<vmem>>, vector<1x1024xf32>
    %sub3A_270 = vector.broadcast %get3A_9 : vector<128x1xf32> to vector<128x1024xf32>
    %sub3A_271 = vector.broadcast %get3A_269 : vector<1x1024xf32> to vector<128x1024xf32>
    %sub3A_272 = arith.subf %sub3A_270, %sub3A_271 : vector<128x1024xf32>
    %mul3A_273 = arith.mulf %sub3A_260, %sub3A_260 : vector<128x1024xf32>
    %mul3A_274 = arith.mulf %sub3A_266, %sub3A_266 : vector<128x1024xf32>
    %add3A_275 = arith.addf %mul3A_273, %mul3A_274 : vector<128x1024xf32>
    %mul3A_276 = arith.mulf %sub3A_272, %sub3A_272 : vector<128x1024xf32>
    %add3A_277 = arith.addf %add3A_275, %mul3A_276 : vector<128x1024xf32>
    %le3A_278 = vector.broadcast %get3A_0 : f32 to vector<128x1024xf32>
    %le3A_279 = arith.cmpf ole, %add3A_277, %le3A_278 : vector<128x1024xf32>
    %convert_element_type3A_280 = arith.extui %le3A_279 : vector<128x1024xi1> to vector<128x1024xi32>
    %convert_element_type3A_281 = arith.sitofp %convert_element_type3A_280 : vector<128x1024xi32> to vector<128x1024xf32>
    %get3A_282 = arith.constant 0 : index
    %get3A_283 = arith.constant 0 : index
    %get3A_284 = vector.load %arg8[%get3A_282, %get3A_283] : memref<1024x64xf32, #tpu.memory_space<vmem>>, vector<1024x64xf32>
    %dot_general3A_285 = arith.constant dense<0.000000e+00> : vector<128x64xf32>
    %dot_general3A_286 = tpu.matmul %convert_element_type3A_281, %get3A_284, %dot_general3A_285 {dimension_numbers = #tpu.dot_dimension_numbers<[1], [0], [0], [1], [0, 0, 1, 1], [], []>, transpose_lhs_hint = false} : vector<128x1024xf32>, vector<1024x64xf32>, vector<128x64xf32> -> vector<128x64xf32>
    %convert_element_type3A_287 = arith.fptosi %dot_general3A_286 : vector<128x64xf32> to vector<128x64xi32>
    %swap3A_288 = arith.constant 0 : index
    %swap3A_289 = arith.constant 448 : index
    %swap3A_290 = vector.load %arg9[%swap3A_288, %swap3A_289] : memref<128x640xi32, #tpu.memory_space<vmem>>, vector<128x64xi32>
    tpu.vector_store %arg9[%swap3A_288, %swap3A_289], %convert_element_type3A_287 {strides = array<i32>} : memref<128x640xi32, #tpu.memory_space<vmem>>, vector<128x64xi32>,
    %get3A_291 = arith.constant 0 : index
    %get3A_292 = arith.constant 8192 : index
    %get3A_293 = vector.load %arg4[%get3A_291, %get3A_292] : memref<1x10240xf32, #tpu.memory_space<vmem>>, vector<1x1024xf32>
    %sub3A_294 = vector.broadcast %get3A_3 : vector<128x1xf32> to vector<128x1024xf32>
    %sub3A_295 = vector.broadcast %get3A_293 : vector<1x1024xf32> to vector<128x1024xf32>
    %sub3A_296 = arith.subf %sub3A_294, %sub3A_295 : vector<128x1024xf32>
    %get3A_297 = arith.constant 0 : index
    %get3A_298 = arith.constant 8192 : index
    %get3A_299 = vector.load %arg5[%get3A_297, %get3A_298] : memref<1x10240xf32, #tpu.memory_space<vmem>>, vector<1x1024xf32>
    %sub3A_300 = vector.broadcast %get3A_6 : vector<128x1xf32> to vector<128x1024xf32>
    %sub3A_301 = vector.broadcast %get3A_299 : vector<1x1024xf32> to vector<128x1024xf32>
    %sub3A_302 = arith.subf %sub3A_300, %sub3A_301 : vector<128x1024xf32>
    %get3A_303 = arith.constant 0 : index
    %get3A_304 = arith.constant 8192 : index
    %get3A_305 = vector.load %arg6[%get3A_303, %get3A_304] : memref<1x10240xf32, #tpu.memory_space<vmem>>, vector<1x1024xf32>
    %sub3A_306 = vector.broadcast %get3A_9 : vector<128x1xf32> to vector<128x1024xf32>
    %sub3A_307 = vector.broadcast %get3A_305 : vector<1x1024xf32> to vector<128x1024xf32>
    %sub3A_308 = arith.subf %sub3A_306, %sub3A_307 : vector<128x1024xf32>
    %mul3A_309 = arith.mulf %sub3A_296, %sub3A_296 : vector<128x1024xf32>
    %mul3A_310 = arith.mulf %sub3A_302, %sub3A_302 : vector<128x1024xf32>
    %add3A_311 = arith.addf %mul3A_309, %mul3A_310 : vector<128x1024xf32>
    %mul3A_312 = arith.mulf %sub3A_308, %sub3A_308 : vector<128x1024xf32>
    %add3A_313 = arith.addf %add3A_311, %mul3A_312 : vector<128x1024xf32>
    %le3A_314 = vector.broadcast %get3A_0 : f32 to vector<128x1024xf32>
    %le3A_315 = arith.cmpf ole, %add3A_313, %le3A_314 : vector<128x1024xf32>
    %convert_element_type3A_316 = arith.extui %le3A_315 : vector<128x1024xi1> to vector<128x1024xi32>
    %convert_element_type3A_317 = arith.sitofp %convert_element_type3A_316 : vector<128x1024xi32> to vector<128x1024xf32>
    %get3A_318 = arith.constant 0 : index
    %get3A_319 = arith.constant 0 : index
    %get3A_320 = vector.load %arg8[%get3A_318, %get3A_319] : memref<1024x64xf32, #tpu.memory_space<vmem>>, vector<1024x64xf32>
    %dot_general3A_321 = arith.constant dense<0.000000e+00> : vector<128x64xf32>
    %dot_general3A_322 = tpu.matmul %convert_element_type3A_317, %get3A_320, %dot_general3A_321 {dimension_numbers = #tpu.dot_dimension_numbers<[1], [0], [0], [1], [0, 0, 1, 1], [], []>, transpose_lhs_hint = false} : vector<128x1024xf32>, vector<1024x64xf32>, vector<128x64xf32> -> vector<128x64xf32>
    %convert_element_type3A_323 = arith.fptosi %dot_general3A_322 : vector<128x64xf32> to vector<128x64xi32>
    %swap3A_324 = arith.constant 0 : index
    %swap3A_325 = arith.constant 512 : index
    %swap3A_326 = vector.load %arg9[%swap3A_324, %swap3A_325] : memref<128x640xi32, #tpu.memory_space<vmem>>, vector<128x64xi32>
    tpu.vector_store %arg9[%swap3A_324, %swap3A_325], %convert_element_type3A_323 {strides = array<i32>} : memref<128x640xi32, #tpu.memory_space<vmem>>, vector<128x64xi32>,
    %get3A_327 = arith.constant 0 : index
    %get3A_328 = arith.constant 9216 : index
    %get3A_329 = vector.load %arg4[%get3A_327, %get3A_328] : memref<1x10240xf32, #tpu.memory_space<vmem>>, vector<1x1024xf32>
    %sub3A_330 = vector.broadcast %get3A_3 : vector<128x1xf32> to vector<128x1024xf32>
    %sub3A_331 = vector.broadcast %get3A_329 : vector<1x1024xf32> to vector<128x1024xf32>
    %sub3A_332 = arith.subf %sub3A_330, %sub3A_331 : vector<128x1024xf32>
    %get3A_333 = arith.constant 0 : index
    %get3A_334 = arith.constant 9216 : index
    %get3A_335 = vector.load %arg5[%get3A_333, %get3A_334] : memref<1x10240xf32, #tpu.memory_space<vmem>>, vector<1x1024xf32>
    %sub3A_336 = vector.broadcast %get3A_6 : vector<128x1xf32> to vector<128x1024xf32>
    %sub3A_337 = vector.broadcast %get3A_335 : vector<1x1024xf32> to vector<128x1024xf32>
    %sub3A_338 = arith.subf %sub3A_336, %sub3A_337 : vector<128x1024xf32>
    %get3A_339 = arith.constant 0 : index
    %get3A_340 = arith.constant 9216 : index
    %get3A_341 = vector.load %arg6[%get3A_339, %get3A_340] : memref<1x10240xf32, #tpu.memory_space<vmem>>, vector<1x1024xf32>
    %sub3A_342 = vector.broadcast %get3A_9 : vector<128x1xf32> to vector<128x1024xf32>
    %sub3A_343 = vector.broadcast %get3A_341 : vector<1x1024xf32> to vector<128x1024xf32>
    %sub3A_344 = arith.subf %sub3A_342, %sub3A_343 : vector<128x1024xf32>
    %mul3A_345 = arith.mulf %sub3A_332, %sub3A_332 : vector<128x1024xf32>
    %mul3A_346 = arith.mulf %sub3A_338, %sub3A_338 : vector<128x1024xf32>
    %add3A_347 = arith.addf %mul3A_345, %mul3A_346 : vector<128x1024xf32>
    %mul3A_348 = arith.mulf %sub3A_344, %sub3A_344 : vector<128x1024xf32>
    %add3A_349 = arith.addf %add3A_347, %mul3A_348 : vector<128x1024xf32>
    %le3A_350 = vector.broadcast %get3A_0 : f32 to vector<128x1024xf32>
    %le3A_351 = arith.cmpf ole, %add3A_349, %le3A_350 : vector<128x1024xf32>
    %convert_element_type3A_352 = arith.extui %le3A_351 : vector<128x1024xi1> to vector<128x1024xi32>
    %convert_element_type3A_353 = arith.sitofp %convert_element_type3A_352 : vector<128x1024xi32> to vector<128x1024xf32>
    %get3A_354 = arith.constant 0 : index
    %get3A_355 = arith.constant 0 : index
    %get3A_356 = vector.load %arg8[%get3A_354, %get3A_355] : memref<1024x64xf32, #tpu.memory_space<vmem>>, vector<1024x64xf32>
    %dot_general3A_357 = arith.constant dense<0.000000e+00> : vector<128x64xf32>
    %dot_general3A_358 = tpu.matmul %convert_element_type3A_353, %get3A_356, %dot_general3A_357 {dimension_numbers = #tpu.dot_dimension_numbers<[1], [0], [0], [1], [0, 0, 1, 1], [], []>, transpose_lhs_hint = false} : vector<128x1024xf32>, vector<1024x64xf32>, vector<128x64xf32> -> vector<128x64xf32>
    %convert_element_type3A_359 = arith.fptosi %dot_general3A_358 : vector<128x64xf32> to vector<128x64xi32>
    %swap3A_360 = arith.constant 0 : index
    %swap3A_361 = arith.constant 576 : index
    %swap3A_362 = vector.load %arg9[%swap3A_360, %swap3A_361] : memref<128x640xi32, #tpu.memory_space<vmem>>, vector<128x64xi32>
    tpu.vector_store %arg9[%swap3A_360, %swap3A_361], %convert_element_type3A_359 {strides = array<i32>} : memref<128x640xi32, #tpu.memory_space<vmem>>, vector<128x64xi32>,
    return
  }
  func.func @transform_0(%arg0: i32) -> (i32, i32) {
    %c0_i32 = arith.constant 0 : i32
    %c0_i32_0 = arith.constant 0 : i32
    return %arg0, %c0_i32 : i32, i32
  }
  func.func @transform_1(%arg0: i32) -> (i32, i32) {
    %c0_i32 = arith.constant 0 : i32
    %c0_i32_0 = arith.constant 0 : i32
    return %arg0, %c0_i32 : i32, i32
  }
  func.func @transform_2(%arg0: i32) -> (i32, i32) {
    %c0_i32 = arith.constant 0 : i32
    %c0_i32_0 = arith.constant 0 : i32
    return %arg0, %c0_i32 : i32, i32
  }
  func.func @transform_3(%arg0: i32) -> (i32, i32) {
    %c0_i32 = arith.constant 0 : i32
    %c0_i32_0 = arith.constant 0 : i32
    %c0_i32_1 = arith.constant 0 : i32
    return %c0_i32, %c0_i32_0 : i32, i32
  }
  func.func @transform_4(%arg0: i32) -> (i32, i32) {
    %c0_i32 = arith.constant 0 : i32
    %c0_i32_0 = arith.constant 0 : i32
    %c0_i32_1 = arith.constant 0 : i32
    return %c0_i32, %c0_i32_0 : i32, i32
  }
  func.func @transform_5(%arg0: i32) -> (i32, i32) {
    %c0_i32 = arith.constant 0 : i32
    %c0_i32_0 = arith.constant 0 : i32
    %c0_i32_1 = arith.constant 0 : i32
    return %c0_i32, %c0_i32_0 : i32, i32
  }
  func.func @transform_6(%arg0: i32) -> i32 {
    %c0_i32 = arith.constant 0 : i32
    %c0_i32_0 = arith.constant 0 : i32
    return %c0_i32 : i32
  }
  func.func @transform_7(%arg0: i32) -> (i32, i32) {
    %c0_i32 = arith.constant 0 : i32
    %c0_i32_0 = arith.constant 0 : i32
    %c0_i32_1 = arith.constant 0 : i32
    return %c0_i32, %c0_i32_0 : i32, i32
  }
  func.func @transform_8(%arg0: i32) -> (i32, i32) {
    %c0_i32 = arith.constant 0 : i32
    %c0_i32_0 = arith.constant 0 : i32
    return %arg0, %c0_i32 : i32, i32
  }
}

module attributes {stable_mosaic.version = 14 : i64} {
  func.func @_u_body(%arg0: i32, %arg1: memref<512x128xf32, #tpu.memory_space<vmem>>, %arg2: memref<512x8xf32, #tpu.memory_space<vmem>>, %arg3: memref<128x128xf32, #tpu.memory_space<vmem>>, %arg4: memref<8x128xf32, #tpu.memory_space<vmem>>, %arg5: memref<512x128xf32, #tpu.memory_space<vmem>>) attributes {dimension_semantics = [#tpu.dimension_semantics<arbitrary>], iteration_bounds = array<i64: 20>, scalar_prefetch = 0 : i64, scratch_operands = 0 : i64, tpu.core_type = #tpu.core_type<tc>, window_params = [{transform_indices = @transform_0, window_bounds = array<i64: 512, 128>}, {transform_indices = @transform_1, window_bounds = array<i64: 512, 8>}, {pipeline_mode = #tpu.pipeline_mode<synchronous>, transform_indices = @transform_2, window_bounds = array<i64: 128, 128>}, {pipeline_mode = #tpu.pipeline_mode<synchronous>, transform_indices = @transform_3, window_bounds = array<i64: 8, 128>}, {transform_indices = @transform_4, window_bounds = array<i64: 512, 128>}]} {
    %get3A = arith.constant 0 : index
    %get3A_0 = arith.constant 0 : index
    %get3A_1 = vector.load %arg1[%get3A, %get3A_0] : memref<512x128xf32, #tpu.memory_space<vmem>>, vector<512x128xf32>
    %get3A_2 = arith.constant 0 : index
    %get3A_3 = arith.constant 0 : index
    %get3A_4 = vector.load %arg3[%get3A_2, %get3A_3] : memref<128x128xf32, #tpu.memory_space<vmem>>, vector<128x128xf32>
    %dot_general3A = arith.constant dense<0.000000e+00> : vector<512x128xf32>
    %dot_general3A_5 = tpu.matmul %get3A_1, %get3A_4, %dot_general3A {dimension_numbers = #tpu.dot_dimension_numbers<[1], [0], [0], [1], [0, 0, 1, 1], [], []>, transpose_lhs_hint = false} : vector<512x128xf32>, vector<128x128xf32>, vector<512x128xf32> -> vector<512x128xf32>
    %get3A_6 = arith.constant 0 : index
    %get3A_7 = arith.constant 0 : index
    %get3A_8 = vector.load %arg2[%get3A_6, %get3A_7] : memref<512x8xf32, #tpu.memory_space<vmem>>, vector<512x8xf32>
    %get3A_9 = arith.constant 0 : index
    %get3A_10 = arith.constant 0 : index
    %get3A_11 = vector.load %arg4[%get3A_9, %get3A_10] : memref<8x128xf32, #tpu.memory_space<vmem>>, vector<8x128xf32>
    %dot_general3A_12 = arith.constant dense<0.000000e+00> : vector<512x128xf32>
    %dot_general3A_13 = tpu.matmul %get3A_8, %get3A_11, %dot_general3A_12 {dimension_numbers = #tpu.dot_dimension_numbers<[1], [0], [0], [1], [0, 0, 1, 1], [], []>, transpose_lhs_hint = false} : vector<512x8xf32>, vector<8x128xf32>, vector<512x128xf32> -> vector<512x128xf32>
    %add3A = arith.addf %dot_general3A_5, %dot_general3A_13 : vector<512x128xf32>
    %swap3A = arith.constant 0 : index
    %swap3A_14 = arith.constant 0 : index
    %swap3A_15 = vector.load %arg5[%swap3A, %swap3A_14] : memref<512x128xf32, #tpu.memory_space<vmem>>, vector<512x128xf32>
    tpu.vector_store %arg5[%swap3A, %swap3A_14], %add3A {strides = array<i32>} : memref<512x128xf32, #tpu.memory_space<vmem>>, vector<512x128xf32>,
    return
  }
  func.func @transform_0(%arg0: i32) -> (i32, i32) {
    %c0_i32 = arith.constant 0 : i32
    %c0_i32_0 = arith.constant 0 : i32
    return %arg0, %c0_i32 : i32, i32
  }
  func.func @transform_1(%arg0: i32) -> (i32, i32) {
    %c0_i32 = arith.constant 0 : i32
    %c0_i32_0 = arith.constant 0 : i32
    return %arg0, %c0_i32 : i32, i32
  }
  func.func @transform_2(%arg0: i32) -> (i32, i32) {
    %c0_i32 = arith.constant 0 : i32
    %c0_i32_0 = arith.constant 0 : i32
    %c0_i32_1 = arith.constant 0 : i32
    return %c0_i32, %c0_i32_0 : i32, i32
  }
  func.func @transform_3(%arg0: i32) -> (i32, i32) {
    %c0_i32 = arith.constant 0 : i32
    %c0_i32_0 = arith.constant 0 : i32
    %c0_i32_1 = arith.constant 0 : i32
    return %c0_i32, %c0_i32_0 : i32, i32
  }
  func.func @transform_4(%arg0: i32) -> (i32, i32) {
    %c0_i32 = arith.constant 0 : i32
    %c0_i32_0 = arith.constant 0 : i32
    return %arg0, %c0_i32 : i32, i32
  }
}

module attributes {stable_mosaic.version = 14 : i64} {
  func.func @_tail_body(%arg0: i32, %arg1: memref<512x128xf32, #tpu.memory_space<vmem>>, %arg2: memref<512x8xf32, #tpu.memory_space<vmem>>, %arg3: memref<8x128xf32, #tpu.memory_space<vmem>>, %arg4: memref<1x128xf32, #tpu.memory_space<vmem>>, %arg5: memref<128x128xf32, #tpu.memory_space<vmem>>, %arg6: memref<1x128xf32, #tpu.memory_space<vmem>>, %arg7: memref<512x128xf32, #tpu.memory_space<vmem>>) attributes {dimension_semantics = [#tpu.dimension_semantics<arbitrary>], iteration_bounds = array<i64: 5>, scalar_prefetch = 0 : i64, scratch_operands = 0 : i64, tpu.core_type = #tpu.core_type<tc>, window_params = [{transform_indices = @transform_0, window_bounds = array<i64: 512, 128>}, {transform_indices = @transform_1, window_bounds = array<i64: 512, 8>}, {pipeline_mode = #tpu.pipeline_mode<synchronous>, transform_indices = @transform_2, window_bounds = array<i64: 8, 128>}, {pipeline_mode = #tpu.pipeline_mode<synchronous>, transform_indices = @transform_3, window_bounds = array<i64: 1, 128>}, {pipeline_mode = #tpu.pipeline_mode<synchronous>, transform_indices = @transform_4, window_bounds = array<i64: 128, 128>}, {pipeline_mode = #tpu.pipeline_mode<synchronous>, transform_indices = @transform_5, window_bounds = array<i64: 1, 128>}, {transform_indices = @transform_6, window_bounds = array<i64: 512, 128>}]} {
    %get3A = arith.constant 0 : index
    %get3A_0 = arith.constant 0 : index
    %get3A_1 = vector.load %arg2[%get3A, %get3A_0] : memref<512x8xf32, #tpu.memory_space<vmem>>, vector<512x8xf32>
    %get3A_2 = arith.constant 0 : index
    %get3A_3 = arith.constant 0 : index
    %get3A_4 = vector.load %arg3[%get3A_2, %get3A_3] : memref<8x128xf32, #tpu.memory_space<vmem>>, vector<8x128xf32>
    %dot_general3A = arith.constant dense<0.000000e+00> : vector<512x128xf32>
    %dot_general3A_5 = tpu.matmul %get3A_1, %get3A_4, %dot_general3A {dimension_numbers = #tpu.dot_dimension_numbers<[1], [0], [0], [1], [0, 0, 1, 1], [], []>, transpose_lhs_hint = false} : vector<512x8xf32>, vector<8x128xf32>, vector<512x128xf32> -> vector<512x128xf32>
    %get3A_6 = arith.constant 0 : index
    %get3A_7 = arith.constant 0 : index
    %get3A_8 = vector.load %arg1[%get3A_6, %get3A_7] : memref<512x128xf32, #tpu.memory_space<vmem>>, vector<512x128xf32>
    %sub3A = arith.subf %get3A_8, %dot_general3A_5 : vector<512x128xf32>
    %get3A_9 = arith.constant 0 : index
    %get3A_10 = arith.constant 0 : index
    %get3A_11 = vector.load %arg4[%get3A_9, %get3A_10] : memref<1x128xf32, #tpu.memory_space<vmem>>, vector<1x128xf32>
    %add3A = vector.broadcast %get3A_11 : vector<1x128xf32> to vector<512x128xf32>
    %add3A_12 = arith.addf %sub3A, %add3A : vector<512x128xf32>
    %max3A = arith.constant 0.000000e+00 : f32
    %max3A_13 = vector.broadcast %max3A : f32 to vector<512x128xf32>
    %max3A_14 = arith.maximumf %add3A_12, %max3A_13 : vector<512x128xf32>
    %get3A_15 = arith.constant 0 : index
    %get3A_16 = arith.constant 0 : index
    %get3A_17 = vector.load %arg5[%get3A_15, %get3A_16] : memref<128x128xf32, #tpu.memory_space<vmem>>, vector<128x128xf32>
    %dot_general3A_18 = arith.constant dense<0.000000e+00> : vector<512x128xf32>
    %dot_general3A_19 = tpu.matmul %max3A_14, %get3A_17, %dot_general3A_18 {dimension_numbers = #tpu.dot_dimension_numbers<[1], [0], [0], [1], [0, 0, 1, 1], [], []>, transpose_lhs_hint = false} : vector<512x128xf32>, vector<128x128xf32>, vector<512x128xf32> -> vector<512x128xf32>
    %get3A_20 = arith.constant 0 : index
    %get3A_21 = arith.constant 0 : index
    %get3A_22 = vector.load %arg6[%get3A_20, %get3A_21] : memref<1x128xf32, #tpu.memory_space<vmem>>, vector<1x128xf32>
    %add3A_23 = vector.broadcast %get3A_22 : vector<1x128xf32> to vector<512x128xf32>
    %add3A_24 = arith.addf %dot_general3A_19, %add3A_23 : vector<512x128xf32>
    %max3A_25 = arith.constant 0.000000e+00 : f32
    %max3A_26 = vector.broadcast %max3A_25 : f32 to vector<512x128xf32>
    %max3A_27 = arith.maximumf %add3A_24, %max3A_26 : vector<512x128xf32>
    %swap3A = arith.constant 0 : index
    %swap3A_28 = arith.constant 0 : index
    %swap3A_29 = vector.load %arg7[%swap3A, %swap3A_28] : memref<512x128xf32, #tpu.memory_space<vmem>>, vector<512x128xf32>
    tpu.vector_store %arg7[%swap3A, %swap3A_28], %max3A_27 {strides = array<i32>} : memref<512x128xf32, #tpu.memory_space<vmem>>, vector<512x128xf32>,
    return
  }
  func.func @transform_0(%arg0: i32) -> (i32, i32) {
    %c0_i32 = arith.constant 0 : i32
    %c0_i32_0 = arith.constant 0 : i32
    return %arg0, %c0_i32 : i32, i32
  }
  func.func @transform_1(%arg0: i32) -> (i32, i32) {
    %c0_i32 = arith.constant 0 : i32
    %c0_i32_0 = arith.constant 0 : i32
    return %arg0, %c0_i32 : i32, i32
  }
  func.func @transform_2(%arg0: i32) -> (i32, i32) {
    %c0_i32 = arith.constant 0 : i32
    %c0_i32_0 = arith.constant 0 : i32
    %c0_i32_1 = arith.constant 0 : i32
    return %c0_i32, %c0_i32_0 : i32, i32
  }
  func.func @transform_3(%arg0: i32) -> (i32, i32) {
    %c0_i32 = arith.constant 0 : i32
    %c0_i32_0 = arith.constant 0 : i32
    %c0_i32_1 = arith.constant 0 : i32
    return %c0_i32, %c0_i32_0 : i32, i32
  }
  func.func @transform_4(%arg0: i32) -> (i32, i32) {
    %c0_i32 = arith.constant 0 : i32
    %c0_i32_0 = arith.constant 0 : i32
    %c0_i32_1 = arith.constant 0 : i32
    return %c0_i32, %c0_i32_0 : i32, i32
  }
  func.func @transform_5(%arg0: i32) -> (i32, i32) {
    %c0_i32 = arith.constant 0 : i32
    %c0_i32_0 = arith.constant 0 : i32
    %c0_i32_1 = arith.constant 0 : i32
    return %c0_i32, %c0_i32_0 : i32, i32
  }
  func.func @transform_6(%arg0: i32) -> (i32, i32) {
    %c0_i32 = arith.constant 0 : i32
    %c0_i32_0 = arith.constant 0 : i32
    return %arg0, %c0_i32 : i32, i32
  }
}

</mosaic_0001>

<sc_bundles>
// kernel: kernel.7.cloned.1.call-start
scs
__scs_entry_jumppad:
0x0: {  	(pc) =	sbr.rel $0x88, $3  }
0x1: {  	(tag) =	ssettag $0x0;
	lr =	simm.s32 $0x1  }
0x2: {  	[smem:$0x3F9A] =	sst lr;
	_ =	strace $0xD0000000  }
0x3: {  	_ = 	snop  }
0x4: {  	_ = 	snop  }
0x5: {  	_ = 	snop  }
0x6: {  	_ = 	snop  }
0x7: {  	_ = 	snop  }
__scs_overlays_trampoline_lowered:
0x8: {  	[smem:$0x3FA9] =	sst s0  }
0x9: {  	[smem:$0x3FAA] =	sst s1  }
0xa: {  	[smem:$0x3FAB] =	sst s2  }
0xb: {  	[smem:$0x3FAC] =	sst s3  }
0xc: {  	[smem:$0x3FAD] =	sst s4  }
0xd: {  	[smem:$0x3FAE] =	sst s5  }
0xe: {  	[smem:$0x3FAF] =	sst s6  }
0xf: {  	[smem:$0x3FB0] =	sst s7  }
0x10: {  	[smem:$0x3FB1] =	sst s8  }
0x11: {  	[smem:$0x3FB2] =	sst s9;
	s0 =	simm.s32 @!p0 $0x0  }
0x12: {  	s1 =	sld [smem:$0x3F98];
	s0 =	simm.s32 @p0 $0x1  }
0x13: {  	[smem:$0x3FB3] =	sst s0;
	s0 =	simm.s32 @!p1 $0x0  }
0x14: {  	s2 =	sld [smem:$0x3F97];
	s0 =	simm.s32 @p1 $0x1  }
0x15: {  	[smem:$0x3FB4] =	sst s0;
	s0 =	simm.s32 @!p2 $0x0  }
0x16: {  	s3 =	sld [smem:$0x3FDB];
	s0 =	simm.s32 @p2 $0x1  }
0x17: {  	s4 =	simm.s32 $0x1BF5;
	[smem:$0x3FB6] =	sst s0  }
0x18: {  	s0 =	sld [smem:$0x3F99];
	_ =	swait.ge [sflag:s4], $0x0  }
0x19: {  	s7 =	sld [smem:$0x3F9A]  }
0x1a: {  	s8 =	sadd.s32 $0xFFFFE003, lr  }
0x1b: {  	s9 =	sadd.s32 $0xFFFFFEF7, lr;
	s5 =	simm.s32 $0xFFFFFFFF;
	p2 =	slt.u32 s8, $0xFFFFF086  }
0x1c: {  	p1 =	slt.u32 s9, $0xF7A;
	s5 =	simm.s32 @!p2 $0x0  }
0x1d: {  	s5 =	simm.s32 @p1 $0x1;
	p0 =	seq.s32 s7, s2  }
0x1e: {  	s7 =	smul.u32 @!p0 $0xF7A, s2;
	p2 =	seq.s32 @!p0 s5, $0x0  }
0x1f: {  	s9 =	smul.u32 $0xF7A, s1;
	s8 =	simm.s32 @!p0 $0x1BF5;
	p2 =	por !p2, p0  }
0x20: {  	[sflag:s8] =	ssyncset.s32 @!p0 $0xFFFFF086;
	s6 =	sadd.s32 @!p0 s3, s7;
	s7 =	simm.s32 @!p0 $0x108  }
0x21: {  	s3 =	sadd.s32 s3, s9;
	s6 =	sadd.s32 @!p0 $0x88, s6;
	s7 =	simm.s32 @p2 $0x1082  }
0x22: {  	[simem:s7], [sflag:s8] =	dma.local @!p0 [hbm:s6], $0xF7A  }
0x23: {  	s9 =	sor.u32 $0xD0000000, s2;
	s6 =	simm.s32 $0x108;
	_ =	swait.ge @!p0 [sflag:s8], $0x0  }
0x24: {  	s3 =	sadd.s32 $0x88, s3;
	s6 =	simm.s32 @!p1 $0x1082;
	[sflag:s4] =	ssyncset.s32 $0xFFFFF086  }
0x25: {  	[simem:s6], [sflag:s4] =	dma.local [hbm:s3], $0xF7A  }
0x26: {  	[smem:$0x3F9A] =	sst s1;
	(tag) =	ssettag s2;
	_ =	strace s9  }
0x27: {  	s1 =	sld [smem:$0x3FAA]  }
0x28: {  	s2 =	sld [smem:$0x3FAB]  }
0x29: {  	s4 =	sld [smem:$0x3FAD]  }
0x2a: {  	p0 =	seq.s32 s5, $0x0;
	s5 =	sld [smem:$0x3FAE]  }
0x2b: {  	s6 =	sld [smem:$0x3FAF]  }
0x2c: {  	s7 =	sld [smem:$0x3FB0]  }
0x2d: {  	s3 =	simm.s32 $0x108;
	s8 =	sld [smem:$0x3FB1]  }
0x2e: {  	s3 =	simm.s32 @!p0 $0x1082;
	s9 =	sld [smem:$0x3FB2]  }
0x2f: {  	lr =	sadd.s32 s0, s3;
	s0 =	sld [smem:$0x3FA9]  }
0x30: {  	s3 =	sld [smem:$0x3FAC]  }
0x31: {  	[smem:$0x3FB5] =	sst s10  }
0x32: {  	s10 =	sld [smem:$0x3FB3];
	_ =	sdelay $0x3  }
0x33: {  	p0 =	seq.s32 s10, $0x1;
	s10 =	sld [smem:$0x3FB5];
	_ =	sdelay $0x3  }
0x34: {  	[smem:$0x3FB5] =	sst s10  }
0x35: {  	s10 =	sld [smem:$0x3FB4];
	_ =	sdelay $0x3  }
0x36: {  	p1 =	seq.s32 s10, $0x1;
	s10 =	sld [smem:$0x3FB5];
	_ =	sdelay $0x3  }
0x37: {  	[smem:$0x3FB5] =	sst s10  }
0x38: {  	s10 =	sld [smem:$0x3FB6]  }
0x39: {  	_ = 	snop;
	(pc) =	sbr.ind lr, $3  }
0x3a: {  	_ = 	snop  }
0x3b: {  	_ = 	snop  }
0x3c: {  	p2 =	seq.s32 s10, $0x1;
	s10 =	sld [smem:$0x3FB5]  }
0x3d: {  	_ =	shalt  }
0x3e: {  	_ =	shalt  }
0x3f: {  	_ =	shalt  }
0x40: {  	_ =	shalt  }
0x41: {  	_ =	shalt  }
0x42: {  	_ =	shalt  }
0x43: {  	_ =	shalt  }
0x44: {  	_ =	shalt  }
0x45: {  	_ =	shalt  }
0x46: {  	_ =	shalt  }
0x47: {  	_ =	shalt  }
0x48: {  	_ =	shalt  }
0x49: {  	_ =	shalt  }
0x4a: {  	_ =	shalt  }
0x4b: {  	_ =	shalt  }
0x4c: {  	_ =	shalt  }
0x4d: {  	_ =	shalt  }
0x4e: {  	_ =	shalt  }
0x4f: {  	_ =	shalt  }
0x50: {  	_ =	shalt  }
0x51: {  	_ =	shalt  }
0x52: {  	_ =	shalt  }
0x53: {  	_ =	shalt  }
0x54: {  	_ =	shalt  }
0x55: {  	_ =	shalt  }
0x56: {  	_ =	shalt  }
0x57: {  	_ =	shalt  }
0x58: {  	_ =	shalt  }
0x59: {  	_ =	shalt  }
0x5a: {  	_ =	shalt  }
0x5b: {  	_ =	shalt  }
0x5c: {  	_ =	shalt  }
0x5d: {  	_ =	shalt  }
0x5e: {  	_ =	shalt  }
0x5f: {  	_ =	shalt  }
0x60: {  	_ =	shalt  }
0x61: {  	_ =	shalt  }
0x62: {  	_ =	shalt  }
0x63: {  	_ =	shalt  }
0x64: {  	_ =	shalt  }
0x65: {  	_ =	shalt  }
0x66: {  	_ =	shalt  }
0x67: {  	_ =	shalt  }
0x68: {  	_ =	shalt  }
0x69: {  	_ =	shalt  }
0x6a: {  	_ =	shalt  }
0x6b: {  	_ =	shalt  }
0x6c: {  	_ =	shalt  }
0x6d: {  	_ =	shalt  }
0x6e: {  	_ =	shalt  }
0x6f: {  	_ =	shalt  }
0x70: {  	_ =	shalt  }
0x71: {  	_ =	shalt  }
0x72: {  	_ =	shalt  }
0x73: {  	_ =	shalt  }
0x74: {  	_ =	shalt  }
0x75: {  	_ =	shalt  }
0x76: {  	_ =	shalt  }
0x77: {  	_ =	shalt  }
0x78: {  	_ =	shalt  }
0x79: {  	_ =	shalt  }
0x7a: {  	_ =	shalt  }
0x7b: {  	_ =	shalt  }
0x7c: {  	_ =	shalt  }
0x7d: {  	_ =	shalt  }
0x7e: {  	_ =	shalt  }
0x7f: {  	_ =	shalt  }
0x80: {  	_ =	shalt  }
0x81: {  	_ =	shalt  }
0x82: {  	_ =	shalt  }
0x83: {  	_ =	shalt  }
0x84: {  	_ =	shalt  }
0x85: {  	_ =	shalt  }
0x86: {  	_ =	shalt  }
0x87: {  	_ =	shalt  }
.Lfunc_end0:
.L_simem_size_0:
called_computation_lowered:
.L_overlay_start_0:
0x88: {  	s2 =	sld [smem:$0x3FD9]  }
0x89: {  	s3 =	sld [smem:$0x3FFE];
	_ =	sdelay $0x1  }
0x8a: {  	s1 =	srdreg.scid  }
0x8b: {  	s0 =	sand.u32 $0x1, s1  }
0x8c: {  	s16 =	sshll.u32 s0, $0xA;
	s2 =	sadd.s32 s3, s2  }
0x8d: {  	s2 =	sadd.s32 s2, s16  }
0x8e: {  	[smem:$0x3FC1] =	sst s2  }
0x8f: {  	_ = 	snop  }
0x90: {  	(tm) =	ssettm $0x1  }
0x91: {  	s17 =	sld [smem:$0x3FFB];
	_ =	sdelay $0x3  }
0x92: {  	_ =	strace s17  }
0x93: {  	s2 =	sld [smem:$0x3FFC];
	_ =	sdelay $0x3  }
0x94: {  	_ =	strace s2  }
0x95: {  	s2 =	sld [smem:$0x3FFD];
	_ =	sdelay $0x3  }
0x96: {  	_ =	strace s2  }
0x97: {  	_ =	strace $0x8FFFFFFF  }
0x98: {  	s18 =	sld [smem:$0x3FDB];
	_ =	sdelay $0x1  }
0x99: {  	s19 =	simm.s32 $_scs_section_size  }
0x9a: {  	s4 =	simm.s32 $_size__tile_overlayer_lowered;
	s5 =	simm.s32 $_tile_overlayer_lowered  }
0x9b: {  	s22 =	simm.s32 $0x1BFF;
	s21 =	sshll.u32 s5, $0x1;
	s2 =	sadd.s32 s19, s18  }
0x9c: {  	s6 =	simm.s32 $0x0;
	s20 =	sshll.u32 s4, $0x1;
	s4 =	sadd.s32 s21, s2  }
0x9d: {  	[timem:s6], [sflag:s22] =	dma.local [hbm:s4], s20  }
0x9e: {  	_ =	swait.ge [sflag:s22], s20  }
0x9f: {  	s3 =	ssub.s32 $0x0, s20;
	[sflag:s22] =	ssyncset.done $0x0  }
0xa0: {  	[sflag:s22] =	ssyncadd.s32 s3;
	_ =	sdelay $0x1  }
0xa1: {  	s23 =	simm.s32 $0x1B8B  }
0xa2: {  	_ =	swait.ge [sflag:s23], $0x1  }
0xa3: {  	[sflag:s23] =	ssyncset.done $0x0  }
0xa4: {  	s25 =	simm.s32 $0x1B8E;
	s24 =	sld [smem:$0x3FFE];
	[sflag:s23] =	ssyncadd.s32 $0xFFFFFFFF  }
0xa5: {  	s26 =	simm.s32 $execute0_lowered;
	[smem:$0x3FD2] =	sst s25  }
0xa6: {  	s4 =	sshll.u32 s26, $0x1;
	_ =	strace $0x80000046;
	[dreg:$0x1] =	wrdreg $0xFFFFFFFF  }
0xa7: {  	s28 =	simm.s32 $_size_execute0_lowered;
	s2 =	sadd.s32 s2, s4;
	[dreg:$0x0] =	wrdreg $0x0  }
0xa8: {  	s4 =	sshll.u32 s28, $0x1;
	[dreg:$0x2] =	wrdreg s2  }
0xa9: {  	[dreg:$0x3] =	wrdreg s4  }
0xaa: {  	[dreg:$0x4] =	wrdreg $0xC0  }
0xab: {  	_ =	task [dreg:s6], $0x5FFFF  }
0xac: {  	[dreg:$0x1] =	wrdreg $0xFFFFFFFF  }
0xad: {  	[dreg:$0x0] =	wrdreg $0x60  }
0xae: {  	[dreg:$0x2] =	wrdreg s24  }
0xaf: {  	[dreg:$0x3] =	wrdreg $0x9  }
0xb0: {  	_ =	task.clear_ibuf [dreg:s6], $0x4FFFF;
	_ =	strace $0x90000046  }
0xb1: {  	s29 =	simm.s32 $0x9;
	_ =	strace $0x80000048  }
0xb2: {  	_ =	swait.ge [sflag:s29], $0x1  }
0xb3: {  	[sflag:s29] =	ssyncadd.s32 $0xFFFFFFFF  }
0xb4: {  	_ =	strace $0x90000048  }
0xb5: {  	_ =	sfence  }
0xb6: {  	s30 =	sld [smem:$0x0];
	_ =	sdelay $0x2  }
0xb7: {  	s31 =	sshll.u32 s1, $0xD;
	s1 =	sshrl.u32 s1, $0x2  }
0xb8: {  	s3 =	sand.u32 $0x4000, s31;
	s1 =	sadd.s32 s1, s30  }
0xb9: {  	s0 =	sor.u32 s3, s0;
	s1 =	sshll.u32 s1, $0x11  }
0xba: {  	s0 =	sor.u32 s1, s0  }
0xbb: {  	s0 =	sadd.s32 $0x8F2B, s0  }
0xbc: {  	[sflag:s0] =	ssyncadd.remote.s32 $0x1  }
0xbd: {  	_ =	sfence.sel $0xFFFF  }
0xbe: {  	[dreg:$0x0] =	wrdreg $0xFFFFFFFF;
	(pc) =	sbr.abs _section_cstart, $3  }
0xbf: {  	[dreg:$0x1] =	wrdreg $0xFFFFFFFF  }
0xc0: {  	_ =	task.clear_ibuf [dreg:s6], $0x2FFFF;
	_ =	strace $0x9FFFFFFF  }
0xc1: {  	(tm) =	ssettm $0x7FFFFFFF  }
tec
execute0_lowered:
.L_overlay_start_1:
0x0: {  	(tag) =	ssettag $0x1  }
0x1: {  	v0 =	vimm.s32 $0x8040201;
	v1 =	vimm.s32 $0x80402010  }
0x2: {  	v0 =	vunpack.c.0.s8.s32 v0;
	v1 =	vunpack.c.0.s8.s32 v1  }
0x3: {  	vm0 =	vcmask $0xF00;
	vm8 =	vcmask $0x1F10  }
0x4: {  	s1 =	srdreg.scid;
	s4 =	rddreg [dreg:$0x0];
	s2 =	simm.s32 $0x0;
	v12 =	vlaneseq.u32;
	v0 =	vnsel vm0, $0x8000, v0;
	v1 =	vand.u32 $0xFF, v1  }
0x5: {  	s0 =	stileid.u32;
	vm9 =	vcmask $0x2320;
	s3 =	sand.u32 $0x1, s1;
	[smem:$0x7FF] =	sst s2;
	v57 =	vor.u32 $0x10, v12;
	v0 =	vsel vm8, v1, v0  }
0x6: {  	vm10 =	vcmask $0x2724;
	s30 =	sshll.u32 s0, $0x1;
	s1 =	rddreg [dreg:$0x1];
	v58 =	vor.u32 $0x20, v12;
	_ =	strace $0x80000047;
	[tilespmem:$0x1FF80] =	vst v57;
	v0 =	vsel vm9, $0x100, v0  }
0x7: {  	vm11 =	vcmask $0x2B28;
	s9 =	simm.s32 $0xC800;
	s10 =	simm.s32 $0xC880;
	v59 =	vor.u32 $0x30, v12;
	s5 =	sor.u32 s3, s30;
	[tilespmem:$0x1FF90] =	vst v58;
	v0 =	vsel vm10, $0x200, v0  }
0x8: {  	vm12 =	vcmask $0x2F2C;
	s11 =	simm.s32 $0x1;
	s12 =	simm.s32 $0x10;
	v60 =	vor.u32 $0x40, v12;
	[tilespmem:$0x1FFA0] =	vst v59;
	s6 =	smul.u32 $0x1900, s5;
	v0 =	vsel vm11, $0x400, v0  }
.Ltmp0:
0x9: {  	vm13 =	vcmask $0x3330;
	s13 =	simm.s32 $0xF100;
	v61 =	vor.u32 $0x50, v12;
	s8 =	ssub.s32 $0x2, s3;
	[tilespmem:$0x1FFB0] =	vst v60;
	v0 =	vsel vm12, $0x800, v0;
	(pc) =	sbr.rel .LBB2_1-.Ltmp0, $4  }
0xa: {  	vm14 =	vcmask $0x3734;
	s14 =	simm.s32 $0x0;
	v62 =	vor.u32 $0x60, v12;
	[tilespmem:$0x1FFC0] =	vst v61;
	s7 =	smul.u32 $0x500, s5;
	s31 =	sshrl.u32 s8, $0x1;
	v0 =	vsel vm13, $0x1000, v0  }
0xb: {  	vm15 =	vcmask $0x3B38;
	v63 =	vor.u32 $0x70, v12;
	s3 =	sadd.s32 $0x32200, s4;
	[tilespmem:$0x1FFD0] =	vst v62;
	s8 =	ssub.s32 s8, s31;
	s6 =	sadd.s32 s6, s4;
	v0 =	vsel vm14, $0x2000, v0  }
0xc: {  	[tilespmem:$0x1FFE0] =	vst v63;
	s7 =	sadd.s32 s7, s4;
	s4 =	smul.u32 $0x50, s5;
	s5 =	sadd.s32 $0x200, s6;
	v13 =	vsel vm15, $0x4000, v0  }
0xd: {  	v11 =	vimm.f32 $0.0e+00;
	v14 =	vimm.s32 $0x0;
	s6 =	sadd.s32 $0x5A200, s7;
	s7 =	smax.u32 s8, $0x1;
	s8 =	simm.s32 $0x2;
	[tilespmem:$0x1FFF0] =	vst v13  }
.LBB2_19:
0xe: {  	s14 =	sadd.s32 $0x1, s14  }
0xf: {  	p0 =	sne.s32 s14, s7  }
.Ltmp1:
0x10: {  	_ = 	snop;
	(pc) =	sbr.rel @!p0 .LBB2_20-.Ltmp1, $4  }
0x11: {  	[hbm4b:s6+s2] =	stream.linear.scatter [tilespmem:s13], [sflag:$0x2], $0x2800, $0x38;
	[tilespmem:$0x11900] =	vst v63  }
0x12: {  	_ =	swait.ge [sflag:s8], $0x2800  }
0x13: {  	[sflag:s8] =	ssyncset.done $0x0  }
0x14: {  	[sflag:s8] =	ssyncadd.s32 $0xFFFFD800  }
.LBB2_1:
.Ltmp2:
0x15: {  	(pc) =	sbr.rel .LBB2_2-.Ltmp2, $4  }
0x16: {  	[tilespmem:s2], [sflag:$0x2] =	stream.linear.gather [hbm4b:s5+s2], $0xC800, $0x38;
	[tilespmem:$0x11900] =	vst v63  }
0x17: {  	_ =	swait.ge [sflag:s8], $0xC800  }
0x18: {  	[sflag:s8] =	ssyncset.done $0x0  }
0x19: {  	s15 =	simm.s32 $0x0;
	s16 =	simm.s32 $0x0;
	[sflag:s8] =	ssyncadd.s32 $0xFFFF3800  }
.LBB2_10:
0x1a: {  	v57 =	vimm.f32 $-Inf;
	v39 =	vimm.f32 $-Inf  }
0x1b: {  	v0 =	vimm.f32 $-Inf;
	v1 =	vimm.f32 $-Inf;
	v2 =	vimm.f32 $-Inf  }
0x1c: {  	v3 =	vimm.f32 $-Inf;
	v4 =	vimm.f32 $-Inf;
	v5 =	vimm.f32 $-Inf  }
.LBB2_18:
0x1d: {  	v7 =	vld [tilespmem:$0x1FF80]  }
0x1e: {  	v8 =	vld [tilespmem:$0x1FF90]  }
0x1f: {  	v9 =	vld [tilespmem:$0x1FFA0]  }
0x20: {  	s17 =	sshll.u32 s16, $0x7;
	v10 =	vld [tilespmem:$0x1FFB0]  }
0x21: {  	v61 =	vld [tilespmem:$0x1FFC0];
	v6 =	vor.u32 s17, v12  }
0x22: {  	v62 =	vld [tilespmem:$0x1FFD0];
	v7 =	vor.u32 s17, v7  }
0x23: {  	v63 =	vld [tilespmem:$0x1FFE0];
	v8 =	vor.u32 s17, v8  }
0x24: {  	v9 =	vor.u32 s17, v9  }
0x25: {  	v10 =	vor.u32 s17, v10  }
0x26: {  	[tilespmem:v6+s13+$0x0] =	vst.idx.msk $0xffff, v57;
	v6 =	vor.u32 s17, v61  }
0x27: {  	s16 =	sadd.s32 $0x1, s16;
	[tilespmem:v7+s13+$0x0] =	vst.idx.msk $0xffff, v39;
	v7 =	vor.u32 s17, v62  }
0x28: {  	p0 =	sne.s32 s16, $0x50;
	[tilespmem:v8+s13+$0x0] =	vst.idx.msk $0xffff, v0;
	v0 =	vor.u32 s17, v63  }
.Ltmp3:
0x29: {  	[tilespmem:v9+s13+$0x0] =	vst.idx.msk $0xffff, v1;
	(pc) =	sbr.rel @!p0 .LBB2_19-.Ltmp3, $4  }
0x2a: {  	[tilespmem:v10+s13+$0x0] =	vst.idx.msk $0xffff, v2  }
0x2b: {  	[tilespmem:v6+s13+$0x0] =	vst.idx.msk $0xffff, v3  }
0x2c: {  	[tilespmem:v7+s13+$0x0] =	vst.idx.msk $0xffff, v4  }
0x2d: {  	s15 =	sadd.s32 $0x280, s15;
	[tilespmem:v0+s13+$0x0] =	vst.idx.msk $0xffff, v5  }
.LBB2_2:
0x2e: {  	s17 =	sadd.s32 s4, s16  }
0x2f: {  	v0 =	vmov s17  }
0x30: {  	[tilespmem:$0xC880] =	vst v0  }
0x31: {  	[tilespmem:$0xC890] =	vst v0  }
0x32: {  	s18 =	sadd.s32 $0x0, s15;
	s17 =	simm.s32 $0x0;
	[tilespmem:$0xC8A0] =	vst v0  }
0x33: {  	s18 =	sand.u32 $0x3FF80, s18;
	[tilespmem:$0xC8B0] =	vst v0;
	s19 =	sand.u32 $0x70, s17  }
0x34: {  	[tilespmem:$0xC8C0] =	vst v0;
	s18 =	sor.u32 s19, s18  }
0x35: {  	v0 =	vld [tilespmem:s18+$0x0];
	_ =	sdelay $0x4  }
0x36: {  	vm0 =	vne.s32 v0, $0x0  }
0x37: {  	v1 =	vsel vm0, $0x3F800000, v11  }
0x38: {  	(xrf0) =	vmax.scan.msk.f32 $0xffff, v1;
	_ =	sdelay $0x5  }
0x39: {  	v1, _, _ =	vpop (xrf0)  }
0x3a: {  	(v2sf) =	vpush v1, $0xF;
	_ =	sdelay $0xe  }
0x3b: {  	s31 =	spop (v2sf)  }
0x3c: {  	p1 =	sgt.f32 s31, $0.0e+00;
	_ =	sdelay $0x1  }
0x3d: {  	vm0 =	vne.s32 @p1 v0, $0x0;
	v0 =	vimm.s32 @p1 $0x0  }
0x3e: {  	v0 =	vsel @p1 vm0, $0x1, v0  }
0x3f: {  	(xrf0) =	vadd.scan.msk.s32 @p1 $0xffff, v0;
	_ =	sdelay $0x5  }
0x40: {  	v0 =	vimm.s32 $0x0;
	v1, _, _ =	vpop @p1 (xrf0)  }
0x41: {  	v2 =	vmpcnt.ones.xlane @p1 vm0;
	v1 =	vadd.s32 @p1 v1, v0  }
0x42: {  	v1 =	vadd.s32 @p1 $0xFFFFFFFF, v1  }
0x43: {  	v2 =	vadd.s32 @p1 v0, v2;
	vm1 =	vlt.s32 @p1 v1, $0x50  }
0x44: {  	s19 =	simm.s32 $0x10;
	s18 =	smul.u32 $0x280, s16;
	v0 =	vpsel p1, v2, v0;
	vm0 =	vmand @p1 vm0, vm1  }
.LBB2_3:
0x45: {  	_ =	sdelay $0x1  }
0x46: {  	s20 =	sadd.s32 s19, s15  }
0x47: {  	s21 =	sand.u32 $0x70, s19;
	v2 =	vlaneseq.u32 @p1;
	v3 =	vmov v0;
	s22 =	smov.u32 s19;
	s19 =	sadd.s32 $0x10, s19  }
0x48: {  	s20 =	sand.u32 $0x3FF80, s20;
	p0 =	sne.s32 s19, $0x280;
	v2 =	vor.u32 @p1 s17, v2;
	s17 =	simm.s32 @p1 $0xC800  }
0x49: {  	s20 =	sor.u32 s21, s20;
	[tilespmem:v1+s17+$0x0] =	vst.idx.msk @p1 vm0, v2;
	s17 =	smov.u32 s22  }
0x4a: {  	v1 =	vld [tilespmem:s20+$0x0];
	_ =	sdelay $0x4  }
0x4b: {  	vm0 =	vne.s32 v1, $0x0  }
0x4c: {  	v2 =	vsel vm0, $0x3F800000, v11  }
0x4d: {  	(xrf0) =	vmax.scan.msk.f32 $0xffff, v2;
	_ =	sdelay $0x5  }
0x4e: {  	v2, _, _ =	vpop (xrf0)  }
0x4f: {  	(v2sf) =	vpush v2, $0xF;
	_ =	sdelay $0xe  }
0x50: {  	s20 =	spop (v2sf)  }
0x51: {  	p1 =	sgt.f32 s20, $0.0e+00;
	_ =	sdelay $0x1  }
0x52: {  	vm0 =	vne.s32 @p1 v1, $0x0;
	v1 =	vimm.s32 @p1 $0x0  }
0x53: {  	v1 =	vsel @p1 vm0, $0x1, v1;
	v2 =	vmpcnt.ones.xlane @p1 vm0  }
0x54: {  	(xrf0) =	vadd.scan.msk.s32 @p1 $0xffff, v1  }
0x55: {  	v1 =	vadd.s32 @p1 v0, v2  }
0x56: {  	v0 =	vpsel p1, v1, v0;
	_ =	sdelay $0x3  }
.Ltmp4:
0x57: {  	v1, _, _ =	vpop @p1 (xrf0);
	(pc) =	sbr.rel @p0 .LBB2_3-.Ltmp4, $4  }
0x58: {  	v1 =	vadd.s32 @p1 v1, v3  }
0x59: {  	v1 =	vadd.s32 @p1 $0xFFFFFFFF, v1  }
0x5a: {  	vm1 =	vlt.s32 @p1 v1, $0x50  }
0x5b: {  	vm0 =	vmand @p1 vm0, vm1  }
0x5c: {  	v0 =	vxor.u32 $0x80000000, v0  }
0x5d: {  	(xrf0) =	vmax.scan.msk.u32 $0xffff, v0;
	_ =	sdelay $0x5  }
0x5e: {  	v0, _, _ =	vpop (xrf0)  }
0x5f: {  	(v2sf) =	vpush v0, $0xF;
	_ =	sdelay $0xe  }
0x60: {  	s19 =	spop (v2sf)  }
0x61: {  	s19 =	sxor.u32 $0x80000000, s19  }
0x62: {  	p0 =	slt.s32 s19, $0x1  }
.Ltmp5:
0x63: {  	_ = 	snop;
	(pc) =	sbr.rel @p0 .LBB2_5-.Ltmp5, $4  }
0x64: {  	_ = 	snop  }
0x65: {  	v0 =	vlaneseq.u32 @p1  }
0x66: {  	v0 =	vor.u32 @p1 s17, v0;
	s17 =	simm.s32 @p1 $0xC800  }
0x67: {  	[tilespmem:v1+s17+$0x0] =	vst.idx.msk @p1 vm0, v0  }
0x68: {  	p0 =	slt.s32 s19, $0x50  }
0x69: {  	v0 =	vmov s18;
	s17 =	simm.s32 $0x0;
	v1 =	vimm.s32 $0x0;
	s19 =	simm.s32 @!p0 $0x50  }
.LBB2_7:
0x6a: {  	v2 =	vmov s17;
	_ =	sdelay $0x4  }
0x6b: {  	v2 =	vld.idx.msk [tilespmem:v2+s9+$0x0], $0xffff;
	_ =	sdelay $0x4  }
0x6c: {  	v3 =	vadd.s32 v0, v2;
	_ =	sdelay $0x4  }
0x6d: {  	v3 =	vld.idx.msk [tilespmem:v3+s2+$0x0], $0xffff;
	_ =	sdelay $0x4  }
0x6e: {  	v3 =	vand.u32 v13, v3  }
0x6f: {  	vm0 =	vne.s32 v3, $0x0  }
0x70: {  	v3 =	vsel vm0, $0x1, v14  }
0x71: {  	(xrf0) =	vadd.scan.msk.s32 $0xffff, v3;
	_ =	sdelay $0x5  }
0x72: {  	v3, _, _ =	vpop (xrf0)  }
0x73: {  	v3 =	vadd.s32 v1, v3  }
0x74: {  	vm1 =	vlt.s32 v3, $0x41  }
0x75: {  	s17 =	sadd.s32 $0x1, s17;
	vm1 =	vmand vm0, vm1  }
0x76: {  	p0 =	sne.s32 s19, s17  }
.Ltmp6:
0x77: {  	_ = 	snop;
	(pc) =	sbr.rel @p0 .LBB2_7-.Ltmp6, $4  }
0x78: {  	_ = 	snop  }
0x79: {  	v2 =	vshll.u32 v2, $0x4;
	v4 =	vmpcnt.ones.xlane vm0  }
0x7a: {  	v2 =	vor.u32 v12, v2  }
0x7b: {  	v1 =	vadd.s32 v1, v4;
	[tilespmem:v3+s10+$0x0] =	vst.idx.msk vm1, v2  }
.Ltmp7:
0x7c: {  	(pc) =	sbr.rel .LBB2_9-.Ltmp7, $2  }
0x7d: {  	_ =	sdelay $0x2  }
0x7e: {  	v0 =	vxor.u32 $0x80000000, v1  }
.LBB2_5:
0x7f: {  	v0 =	vimm.s32 $0x80000000  }
.LBB2_9:
0x80: {  	(xrf0) =	vmax.scan.msk.u32 $0xffff, v0;
	_ =	sdelay $0x5  }
0x81: {  	v0, _, _ =	vpop (xrf0)  }
0x82: {  	(v2sf) =	vpush v0, $0xF;
	_ =	sdelay $0xe  }
0x83: {  	s17 =	spop (v2sf)  }
0x84: {  	s17 =	sxor.u32 $0x80000000, s17  }
0x85: {  	p0 =	slt.s32 s17, $0x40  }
0x86: {  	p1 =	slt.s32 s17, $0xFFFFFFF1;
	s17 =	simm.s32 @!p0 $0x40  }
0x87: {  	s18 =	sadd.s32 $0x10, s17;
	s17 =	sand.u32 $0xF, s17  }
0x88: {  	s19 =	sshra.s32 s18, $0x1F;
	p6 =	sne.s32 s17, $0x0  }
0x89: {  	s31 =	sshrl.u32 s19, $0x1C;
	p0 =	por !p1, !p6  }
0x8a: {  	s17 =	sadd.s32 s31, s18;
	p0 =	por !p0, !p0;
	s18 =	simm.s32 $0x1  }
0x8b: {  	s17 =	sshra.s32 s17, $0x4;
	s18 =	simm.s32 @!p0 $0x0  }
0x8c: {  	s18 =	ssub.s32 s17, s18  }
0x8d: {  	p0 =	slt.s32 s18, $0x1  }
.Ltmp8:
0x8e: {  	_ = 	snop;
	(pc) =	sbr.rel @p0 .LBB2_10-.Ltmp8, $1  }
0x8f: {  	_ =	sdelay $0x3  }
0x90: {  	p0 =	sne.s32 s18, $0x1  }
.Ltmp9:
0x91: {  	_ = 	snop;
	(pc) =	sbr.rel @!p0 .LBB2_13-.Ltmp9, $3  }
0x92: {  	_ =	sdelay $0x1  }
0x93: {  	s17 =	simm.s32 $0xC880;
	s19 =	simm.s32 $0xC900;
	s20 =	sadd.s32 $0xFFFFFFFF, s18  }
0x94: {  	[tilespmem:s19], [sflag:$0x1] =	stream.indirect.gather [hbm4b:s3+s12], $0x80, s17, s12, $0xb8;
	[tilespmem:$0x11900] =	vst v63  }
.LBB2_12:
0x95: {  	p1 =	sne.s32 s20, $0x1  }
.Ltmp10:
0x96: {  	_ = 	snop;
	(pc) =	sbr.rel @p1 .LBB2_12-.Ltmp10, $4  }
0x97: {  	_ = 	snop  }
0x98: {  	s17 =	sadd.s32 $0x10, s17;
	s19 =	sadd.s32 $0x800, s19  }
0x99: {  	s20 =	sadd.s32 $0xFFFFFFFF, s20  }
0x9a: {  	[tilespmem:s19], [sflag:$0x1] =	stream.indirect.gather [hbm4b:s3+s12], $0x80, s17, s12, $0xb8;
	[tilespmem:$0x11900] =	vst v63  }
.LBB2_13:
0x9b: {  	s17 =	smov.u32 s18  }
.LBB2_14:
0x9c: {  	p1 =	sne.s32 s17, $0x1  }
.Ltmp11:
0x9d: {  	_ = 	snop;
	(pc) =	sbr.rel @p1 .LBB2_14-.Ltmp11, $4  }
0x9e: {  	_ = 	snop  }
0x9f: {  	_ =	swait.ge [sflag:s11], $0x800  }
0xa0: {  	[sflag:s11] =	ssyncset.done $0x0  }
0xa1: {  	s17 =	sadd.s32 $0xFFFFFFFF, s17;
	[sflag:s11] =	ssyncadd.s32 $0xFFFFF800  }
0xa2: {  	s17 =	simm.s32 $0xCD00  }
0xa3: {  	v0 =	vld [tilespmem:s17+$0x390];
	_ =	sdelay $0x4  }
0xa4: {  	[tilespmem:$0x1FEB0] =	vst v0;
	v0 =	vld [tilespmem:s17+$0x300];
	_ =	sdelay $0x4  }
0xa5: {  	[tilespmem:$0x1FE90] =	vst v0;
	v0 =	vld [tilespmem:s17+$0x310];
	_ =	sdelay $0x4  }
0xa6: {  	[tilespmem:$0x1FEA0] =	vst v0;
	v0 =	vld [tilespmem:s17+$0x280];
	_ =	sdelay $0x4  }
0xa7: {  	[tilespmem:$0x1FE70] =	vst v0;
	v0 =	vld [tilespmem:s17+$0x290];
	_ =	sdelay $0x4  }
0xa8: {  	[tilespmem:$0x1FE80] =	vst v0;
	v0 =	vld [tilespmem:s17+$0x240];
	_ =	sdelay $0x4  }
0xa9: {  	[tilespmem:$0x1FE20] =	vst v0;
	v0 =	vld [tilespmem:s17+$0x1A0];
	_ =	sdelay $0x4  }
0xaa: {  	[tilespmem:$0x1FF50] =	vst v0;
	v0 =	vld [tilespmem:s17+$0x1B0];
	_ =	sdelay $0x4  }
0xab: {  	[tilespmem:$0x1FF60] =	vst v0;
	v0 =	vld [tilespmem:s17+$0x1C0];
	_ =	sdelay $0x4  }
0xac: {  	[tilespmem:$0x1FF70] =	vst v0;
	v0 =	vld [tilespmem:s17+$0x120];
	_ =	sdelay $0x4  }
0xad: {  	[tilespmem:$0x1FF20] =	vst v0;
	v0 =	vld [tilespmem:s17+$0x130];
	_ =	sdelay $0x4  }
0xae: {  	[tilespmem:$0x1FF30] =	vst v0;
	v0 =	vld [tilespmem:s17+$0x140];
	_ =	sdelay $0x4  }
0xaf: {  	[tilespmem:$0x1FF40] =	vst v0;
	v0 =	vld [tilespmem:s17+$0xA0];
	_ =	sdelay $0x4  }
0xb0: {  	[tilespmem:$0x1FEF0] =	vst v0;
	v0 =	vld [tilespmem:s17+$0xB0];
	_ =	sdelay $0x4  }
0xb1: {  	[tilespmem:$0x1FF00] =	vst v0;
	v0 =	vld [tilespmem:s17+$0xC0];
	_ =	sdelay $0x4  }
0xb2: {  	[tilespmem:$0x1FF10] =	vst v0;
	v0 =	vld [tilespmem:s17+$0x20];
	_ =	sdelay $0x4  }
0xb3: {  	[tilespmem:$0x1FEC0] =	vst v0;
	v0 =	vld [tilespmem:s17+$0x30];
	_ =	sdelay $0x4  }
0xb4: {  	[tilespmem:$0x1FED0] =	vst v0;
	v0 =	vld [tilespmem:s17+$0x40];
	_ =	sdelay $0x4  }
0xb5: {  	[tilespmem:$0x1FEE0] =	vst v0;
	v0 =	vld [tilespmem:s17+$0xFFFFFFD0];
	_ =	sdelay $0x4  }
0xb6: {  	[tilespmem:$0x1FE30] =	vst v0;
	v0 =	vld [tilespmem:s17+$0xFFFFFFE0];
	_ =	sdelay $0x4  }
0xb7: {  	[tilespmem:$0x1FE40] =	vst v0;
	v0 =	vld [tilespmem:s17+$0xFFFFFF50];
	_ =	sdelay $0x3  }
0xb8: {  	v21 =	vld [tilespmem:s17+$0x200]  }
0xb9: {  	[tilespmem:$0x1FE50] =	vst v0;
	v0 =	vld [tilespmem:s17+$0xFFFFFF60]  }
0xba: {  	v26 =	vld [tilespmem:s17+$0x180]  }
0xbb: {  	v27 =	vld [tilespmem:s17+$0x100]  }
0xbc: {  	v47 =	vld [tilespmem:s17+$0x80]  }
0xbd: {  	v49 =	vld [tilespmem:s17+$0x0]  }
0xbe: {  	[tilespmem:$0x1FE60] =	vst v0;
	v0 =	vld [tilespmem:s17+$0xFFFFFC00]  }
0xbf: {  	v51 =	vld [tilespmem:s17+$0xFFFFFC80]  }
0xc0: {  	v6 =	vld [tilespmem:s17+$0xFFFFFD00]  }
0xc1: {  	v7 =	vld [tilespmem:s17+$0xFFFFFD80]  }
0xc2: {  	v43 =	vimm.f32 $-Inf;
	v8 =	vld [tilespmem:s17+$0xFFFFFE00]  }
0xc3: {  	v9 =	vld [tilespmem:s17+$0xFFFFFE80];
	v0 =	vmax.f32 v43, v0  }
0xc4: {  	v39 =	vld [tilespmem:s17+$0xFFFFFF00];
	v0 =	vmax.f32 v0, v51  }
0xc5: {  	v52 =	vld [tilespmem:s17+$0xFFFFFF80];
	v0 =	vmax.f32 v0, v6  }
0xc6: {  	v50 =	vld [tilespmem:s17+$0x10];
	v0 =	vmax.f32 v0, v7  }
0xc7: {  	v1 =	vld [tilespmem:s17+$0xFFFFFC10];
	v0 =	vmax.f32 v0, v8  }
0xc8: {  	v2 =	vld [tilespmem:s17+$0xFFFFFC90];
	v0 =	vmax.f32 v0, v9  }
0xc9: {  	v3 =	vld [tilespmem:s17+$0xFFFFFD10];
	v0 =	vmax.f32 v0, v39  }
0xca: {  	v4 =	vld [tilespmem:s17+$0xFFFFFD90];
	v0 =	vmax.f32 v0, v52  }
0xcb: {  	v5 =	vld [tilespmem:s17+$0xFFFFFE10];
	v0 =	vmax.f32 v0, v49  }
0xcc: {  	v10 =	vld [tilespmem:s17+$0xFFFFFE90];
	v1 =	vmax.f32 v43, v1;
	v0 =	vmax.f32 v0, v47  }
0xcd: {  	v11 =	vld [tilespmem:s17+$0xFFFFFF10];
	v1 =	vmax.f32 v1, v2;
	v0 =	vmax.f32 v0, v27  }
0xce: {  	v53 =	vld [tilespmem:s17+$0xFFFFFF90];
	v1 =	vmax.f32 v1, v3;
	v0 =	vmax.f32 v0, v26  }
0xcf: {  	v1 =	vmax.f32 v1, v4;
	v0 =	vmax.f32 v0, v21;
	v21 =	vld [tilespmem:$0x1FE70]  }
0xd0: {  	v48 =	vld [tilespmem:s17+$0x90];
	v1 =	vmax.f32 v1, v5  }
0xd1: {  	v46 =	vld [tilespmem:s17+$0x110];
	v1 =	vmax.f32 v1, v10  }
0xd2: {  	v54 =	vld [tilespmem:s17+$0x190];
	v1 =	vmax.f32 v1, v11  }
0xd3: {  	v25 =	vld [tilespmem:s17+$0x210];
	v1 =	vmax.f32 v1, v53  }
0xd4: {  	v1 =	vmax.f32 v1, v50;
	v0 =	vmax.f32 v0, v21;
	v21 =	vld [tilespmem:$0x1FE80]  }
0xd5: {  	v1 =	vmax.f32 v1, v48  }
0xd6: {  	v1 =	vmax.f32 v1, v46  }
0xd7: {  	v1 =	vmax.f32 v1, v54  }
0xd8: {  	v57 =	vld [tilespmem:s17+$0x380];
	v1 =	vmax.f32 v1, v25  }
0xd9: {  	v1 =	vmax.f32 v1, v21;
	v21 =	vld [tilespmem:$0x1FE90]  }
0xda: {  	v29 =	vld [tilespmem:s17+$0xFFFFFFA0]  }
0xdb: {  	v32 =	vld [tilespmem:s17+$0xFFFFFFB0]  }
0xdc: {  	v2 =	vld [tilespmem:s17+$0xFFFFFE20]  }
0xdd: {  	v4 =	vld [tilespmem:s17+$0xFFFFFDA0]  }
0xde: {  	v0 =	vmax.f32 v0, v21;
	v21 =	vld [tilespmem:$0x1FEA0]  }
0xdf: {  	v10 =	vld [tilespmem:s17+$0xFFFFFC20]  }
0xe0: {  	v11 =	vld [tilespmem:s17+$0xFFFFFC30]  }
0xe1: {  	v6 =	vld [tilespmem:s17+$0xFFFFFD20]  }
0xe2: {  	v8 =	vld [tilespmem:s17+$0xFFFFFCA0]  }
0xe3: {  	v1 =	vmax.f32 v1, v21;
	v21 =	vld [tilespmem:$0x1FEB0]  }
0xe4: {  	v9 =	vld [tilespmem:s17+$0xFFFFFCB0]  }
0xe5: {  	v7 =	vld [tilespmem:s17+$0xFFFFFD30]  }
0xe6: {  	v5 =	vld [tilespmem:s17+$0xFFFFFDB0]  }
0xe7: {  	v3 =	vld [tilespmem:s17+$0xFFFFFE30]  }
0xe8: {  	v15 =	vld [tilespmem:s17+$0xFFFFFF20];
	v39 =	vmax.f32 v1, v21;
	v1 =	vmax.f32 v43, v10;
	v10 =	vmax.f32 v43, v11  }
0xe9: {  	v13 =	vld [tilespmem:s17+$0xFFFFFEA0];
	v1 =	vmax.f32 v1, v8;
	v8 =	vmax.f32 v10, v9  }
0xea: {  	v16 =	vld [tilespmem:s17+$0xFFFFFF30];
	v1 =	vmax.f32 v1, v6;
	v6 =	vmax.f32 v8, v7  }
0xeb: {  	v12 =	vld [tilespmem:s17+$0xFFFFFEB0];
	v1 =	vmax.f32 v1, v4;
	v4 =	vmax.f32 v6, v5  }
0xec: {  	v1 =	vmax.f32 v1, v2;
	v2 =	vmax.f32 v4, v3;
	v3 =	vld [tilespmem:$0x1FEC0]  }
0xed: {  	v48 =	vld [tilespmem:s17+$0xFFFFFD40]  }
0xee: {  	v54 =	vld [tilespmem:s17+$0xFFFFFC40];
	v1 =	vmax.f32 v1, v13  }
0xef: {  	v47 =	vld [tilespmem:s17+$0xFFFFFCC0];
	v1 =	vmax.f32 v1, v15  }
0xf0: {  	v57 =	vmax.f32 v0, v57;
	v0 =	vld [tilespmem:s17+$0xFFFFFDC0];
	v1 =	vmax.f32 v1, v29  }
0xf1: {  	v1 =	vmax.f32 v1, v3;
	v3 =	vld [tilespmem:$0x1FED0]  }
0xf2: {  	v11 =	vld [tilespmem:s17+$0xFFFFFE40]  }
0xf3: {  	v14 =	vld [tilespmem:s17+$0xFFFFFEC0];
	v9 =	vmax.f32 v43, v54;
	v2 =	vmax.f32 v2, v12  }
0xf4: {  	v17 =	vld [tilespmem:s17+$0xFFFFFF40];
	v9 =	vmax.f32 v9, v47;
	v2 =	vmax.f32 v2, v16  }
0xf5: {  	v56 =	vld [tilespmem:s17+$0xFFFFFFC0];
	v9 =	vmax.f32 v9, v48;
	v2 =	vmax.f32 v2, v32  }
0xf6: {  	v0 =	vmax.f32 v9, v0;
	v2 =	vmax.f32 v2, v3;
	v3 =	vld [tilespmem:$0x1FEE0]  }
0xf7: {  	v0 =	vmax.f32 v0, v11  }
0xf8: {  	v34 =	vld [tilespmem:s17+$0x3A0];
	v0 =	vmax.f32 v0, v14  }
0xf9: {  	v35 =	vld [tilespmem:s17+$0x3B0];
	v0 =	vmax.f32 v0, v17  }
0xfa: {  	v36 =	vld [tilespmem:s17+$0x3C0];
	v0 =	vmax.f32 v0, v56  }
0xfb: {  	v0 =	vmax.f32 v0, v3;
	v3 =	vld [tilespmem:$0x1FEF0]  }
0xfc: {  	v18 =	vld [tilespmem:s17+$0x3D0]  }
0xfd: {  	v19 =	vld [tilespmem:s17+$0x3E0]  }
0xfe: {  	v40 =	vld [tilespmem:s17+$0x320]  }
0xff: {  	v41 =	vld [tilespmem:s17+$0x330]  }
0x100: {  	v1 =	vmax.f32 v1, v3;
	v3 =	vld [tilespmem:$0x1FF00]  }
0x101: {  	v55 =	vld [tilespmem:s17+$0x340]  }
0x102: {  	v20 =	vld [tilespmem:s17+$0x350]  }
0x103: {  	v22 =	vld [tilespmem:s17+$0x360]  }
0x104: {  	v59 =	vld [tilespmem:s17+$0x2A0]  }
0x105: {  	v2 =	vmax.f32 v2, v3;
	v3 =	vld [tilespmem:$0x1FF10]  }
0x106: {  	v60 =	vld [tilespmem:s17+$0x2B0]  }
0x107: {  	v61 =	vld [tilespmem:s17+$0x2C0]  }
0x108: {  	v23 =	vld [tilespmem:s17+$0x2D0]  }
0x109: {  	v24 =	vld [tilespmem:s17+$0x2E0]  }
0x10a: {  	v0 =	vmax.f32 v0, v3;
	v3 =	vld [tilespmem:$0x1FF20]  }
0x10b: {  	v45 =	vld [tilespmem:s17+$0x220]  }
0x10c: {  	v63 =	vld [tilespmem:s17+$0x230]  }
0x10d: {  	v28 =	vld [tilespmem:s17+$0x250]  }
0x10e: {  	v30 =	vld [tilespmem:s17+$0x260]  }
0x10f: {  	v1 =	vmax.f32 v1, v3;
	v3 =	vld [tilespmem:$0x1FF30]  }
0x110: {  	v31 =	vld [tilespmem:s17+$0x1D0]  }
0x111: {  	v33 =	vld [tilespmem:s17+$0x1E0]  }
0x112: {  	v37 =	vld [tilespmem:s17+$0x150]  }
0x113: {  	v38 =	vld [tilespmem:s17+$0x160]  }
0x114: {  	v2 =	vmax.f32 v2, v3;
	v3 =	vld [tilespmem:$0x1FF40]  }
0x115: {  	v42 =	vld [tilespmem:s17+$0xD0]  }
0x116: {  	v58 =	vld [tilespmem:s17+$0xE0]  }
0x117: {  	v62 =	vld [tilespmem:s17+$0x50]  }
0x118: {  	v44 =	vld [tilespmem:s17+$0x60]  }
0x119: {  	v5 =	vmax.f32 v0, v3;
	v0 =	vld [tilespmem:$0x1FF50]  }
0x11a: {  	v53 =	vld [tilespmem:s17+$0xFFFFFDD0]  }
0x11b: {  	v50 =	vld [tilespmem:s17+$0xFFFFFD50]  }
0x11c: {  	v51 =	vld [tilespmem:s17+$0xFFFFFED0]  }
0x11d: {  	v52 =	vld [tilespmem:s17+$0xFFFFFEE0]  }
0x11e: {  	v0 =	vmax.f32 v1, v0;
	v1 =	vld [tilespmem:$0x1FF60]  }
0x11f: {  	v49 =	vld [tilespmem:s17+$0xFFFFFDE0]  }
0x120: {  	v7 =	vld [tilespmem:s17+$0xFFFFFE50]  }
0x121: {  	v8 =	vld [tilespmem:s17+$0xFFFFFE60]  }
0x122: {  	v9 =	vld [tilespmem:s17+$0xFFFFFCE0]  }
0x123: {  	v1 =	vmax.f32 v2, v1;
	v2 =	vld [tilespmem:$0x1FF70]  }
.Ltmp12:
0x124: {  	v4 =	vld [tilespmem:s17+$0xFFFFFC50];
	(pc) =	sbr.rel @!p0 .LBB2_17-.Ltmp12, $4  }
0x125: {  	v12 =	vld [tilespmem:s17+$0xFFFFFD60]  }
0x126: {  	v11 =	vld [tilespmem:s17+$0xFFFFFCD0]  }
0x127: {  	v3 =	vld [tilespmem:s17+$0xFFFFFC60]  }
0x128: {  	s18 =	sadd.s32 $0xFFFFFFFF, s18;
	v46 =	vimm.f32 $-Inf;
	v47 =	vimm.f32 $-Inf;
	v2 =	vmax.f32 v5, v2;
	v5 =	vld [tilespmem:s17+$0xFFFFFC70]  }
.LBB2_16:
0x129: {  	v0 =	vmax.f32 v0, v45  }
0x12a: {  	v1 =	vmax.f32 v1, v63;
	v0 =	vmax.f32 v0, v59  }
0x12b: {  	v1 =	vmax.f32 v1, v60;
	v0 =	vmax.f32 v0, v40  }
0x12c: {  	v1 =	vmax.f32 v1, v41;
	v0 =	vmax.f32 v0, v34  }
0x12d: {  	v6 =	vld [tilespmem:$0x1FE20];
	[tilespmem:$0x1FD00] =	vst v0;
	v0 =	vmax.f32 v1, v35;
	v1 =	vmax.f32 v43, v4  }
0x12e: {  	v1 =	vmax.f32 v1, v11  }
0x12f: {  	v1 =	vmax.f32 v1, v50  }
0x130: {  	v1 =	vmax.f32 v1, v53  }
0x131: {  	v1 =	vmax.f32 v1, v7;
	v7 =	vld [tilespmem:$0x1FE50]  }
0x132: {  	v2 =	vmax.f32 v2, v6  }
0x133: {  	v2 =	vmax.f32 v2, v61  }
0x134: {  	v2 =	vmax.f32 v2, v55  }
0x135: {  	[tilespmem:$0x1FD10] =	vst v0;
	v0 =	vmax.f32 v2, v36;
	v2 =	vmax.f32 v46, v3;
	v1 =	vmax.f32 v1, v51  }
0x136: {  	v2 =	vmax.f32 v2, v9;
	v1 =	vmax.f32 v1, v7;
	v7 =	vld [tilespmem:$0x1FE60]  }
0x137: {  	v10 =	vld [tilespmem:s17+$0xFFFFFD70];
	v2 =	vmax.f32 v2, v12  }
0x138: {  	v13 =	vld [tilespmem:s17+$0xFFFFFDF0];
	v2 =	vmax.f32 v2, v49  }
0x139: {  	v6 =	vld [tilespmem:s17+$0xFFFFFCF0];
	v2 =	vmax.f32 v2, v8  }
0x13a: {  	v4 =	vld [tilespmem:s17+$0xFFFFFEF0];
	v2 =	vmax.f32 v2, v52  }
0x13b: {  	v2 =	vmax.f32 v2, v7;
	v7 =	vld [tilespmem:$0x1FE30]  }
0x13c: {  	[tilespmem:$0x1FD30] =	vst v0;
	v0 =	vld [tilespmem:s17+$0xFFFFFE70]  }
0x13d: {  	v3 =	vmax.f32 v47, v5;
	v5 =	vld [tilespmem:s17+$0xFFFFFF70]  }
0x13e: {  	v3 =	vmax.f32 v3, v6;
	v6 =	vld [tilespmem:s17+$0xFFFFFFF0]  }
0x13f: {  	v9 =	vld [tilespmem:s17+$0x70];
	v3 =	vmax.f32 v3, v10  }
0x140: {  	v3 =	vmax.f32 v3, v13;
	v1 =	vmax.f32 v1, v7;
	v7 =	vld [tilespmem:$0x1FE40]  }
0x141: {  	v0 =	vmax.f32 v3, v0;
	v3 =	vld [tilespmem:s17+$0xF0]  }
0x142: {  	v0 =	vmax.f32 v0, v4;
	v4 =	vld [tilespmem:s17+$0x170]  }
0x143: {  	v0 =	vmax.f32 v0, v5;
	v5 =	vld [tilespmem:s17+$0x1F0]  }
0x144: {  	v0 =	vmax.f32 v0, v6;
	v6 =	vld [tilespmem:s17+$0x270]  }
0x145: {  	v0 =	vmax.f32 v0, v9;
	v2 =	vmax.f32 v2, v7;
	v7 =	vld [tilespmem:s17+$0x2F0]  }
0x146: {  	v0 =	vmax.f32 v0, v3;
	v3 =	vld [tilespmem:s17+$0x370]  }
0x147: {  	v0 =	vmax.f32 v0, v4;
	v4 =	vld [tilespmem:s17+$0x3F0]  }
0x148: {  	v0 =	vmax.f32 v0, v5  }
0x149: {  	v0 =	vmax.f32 v0, v6  }
0x14a: {  	v0 =	vmax.f32 v0, v7  }
0x14b: {  	s17 =	sadd.s32 $0x800, s17;
	v0 =	vmax.f32 v0, v3  }
0x14c: {  	v47 =	vmax.f32 v0, v4;
	v0 =	vld [tilespmem:s17+$0x3D0];
	_ =	sdelay $0x1  }
0x14d: {  	v8 =	vld [tilespmem:s17+$0x380]  }
0x14e: {  	v5 =	vld [tilespmem:s17+$0x390]  }
0x14f: {  	v52 =	vld [tilespmem:s17+$0x3C0]  }
0x150: {  	[tilespmem:$0x1FD20] =	vst v0;
	v0 =	vld [tilespmem:s17+$0x3E0]  }
0x151: {  	v40 =	vld [tilespmem:s17+$0x320]  }
0x152: {  	v41 =	vld [tilespmem:s17+$0x330]  }
0x153: {  	v34 =	vld [tilespmem:s17+$0x350]  }
0x154: {  	v6 =	vld [tilespmem:s17+$0x360]  }
0x155: {  	[tilespmem:$0x1FD40] =	vst v0;
	v0 =	vld [tilespmem:s17+$0x300]  }
0x156: {  	v53 =	vld [tilespmem:s17+$0x290]  }
0x157: {  	v43 =	vld [tilespmem:s17+$0x2C0]  }
0x158: {  	v36 =	vld [tilespmem:s17+$0x2E0]  }
0x159: {  	v45 =	vld [tilespmem:s17+$0x220]  }
0x15a: {  	[tilespmem:$0x1FCC0] =	vst v0;
	v0 =	vld [tilespmem:s17+$0x310]  }
0x15b: {  	v59 =	vld [tilespmem:s17+$0x250]  }
0x15c: {  	v49 =	vld [tilespmem:s17+$0x100]  }
0x15d: {  	v50 =	vld [tilespmem:s17+$0x110]  }
0x15e: {  	v15 =	vld [tilespmem:s17+$0x80]  }
0x15f: {  	[tilespmem:$0x1FCD0] =	vst v0;
	v0 =	vld [tilespmem:s17+$0x280]  }
0x160: {  	v16 =	vld [tilespmem:s17+$0x90]  }
0x161: {  	v1 =	vmax.f32 v1, v62;
	v17 =	vld [tilespmem:s17+$0x0]  }
0x162: {  	v1 =	vmax.f32 v1, v42;
	v9 =	vld [tilespmem:s17+$0x20]  }
0x163: {  	v1 =	vmax.f32 v1, v37;
	v10 =	vld [tilespmem:s17+$0x30]  }
0x164: {  	v1 =	vmax.f32 v1, v31;
	[tilespmem:$0x1FCB0] =	vst v0;
	v0 =	vld [tilespmem:s17+$0x2B0]  }
0x165: {  	v1 =	vmax.f32 v1, v28;
	v21 =	vld [tilespmem:s17+$0xFFFFFF00]  }
0x166: {  	v1 =	vmax.f32 v1, v23;
	v23 =	vld [tilespmem:s17+$0xFFFFFF50]  }
0x167: {  	v55 =	vld [tilespmem:s17+$0xFFFFFE00]  }
0x168: {  	v27 =	vld [tilespmem:s17+$0xFFFFFD80]  }
0x169: {  	[tilespmem:$0x1FD80] =	vst v0;
	v0 =	vld [tilespmem:s17+$0x2D0]  }
0x16a: {  	v56 =	vld [tilespmem:s17+$0xFFFFFD00]  }
0x16b: {  	v28 =	vld [tilespmem:s17+$0xFFFFFC80]  }
0x16c: {  	v51 =	vld [tilespmem:s17+$0xFFFFFC00]  }
0x16d: {  	v29 =	vld [tilespmem:s17+$0xFFFFFC10]  }
0x16e: {  	[tilespmem:$0x1FD50] =	vst v0;
	v0 =	vld [tilespmem:s17+$0x240]  }
0x16f: {  	v31 =	vld [tilespmem:s17+$0xFFFFFD10]  }
0x170: {  	v32 =	vld [tilespmem:s17+$0xFFFFFD90]  }
0x171: {  	v1 =	vmax.f32 v1, v20;
	v20 =	vld [tilespmem:s17+$0xFFFFFF90]  }
0x172: {  	v2 =	vmax.f32 v2, v44;
	v35 =	vmax.f32 v1, v18;
	v1 =	vld [tilespmem:s17+$0x2A0]  }
0x173: {  	v2 =	vmax.f32 v2, v58;
	[tilespmem:$0x1FE20] =	vst v0;
	v0 =	vld [tilespmem:s17+$0x260]  }
0x174: {  	v2 =	vmax.f32 v2, v38;
	[tilespmem:$0x1FE50] =	vst v23;
	v23 =	vld [tilespmem:s17+$0xFFFFFF60]  }
0x175: {  	v2 =	vmax.f32 v2, v33;
	v33 =	vld [tilespmem:s17+$0xFFFFFE10]  }
0x176: {  	v2 =	vmax.f32 v2, v30;
	v30 =	vld [tilespmem:s17+$0xFFFFFC90]  }
0x177: {  	v2 =	vmax.f32 v2, v24;
	v24 =	vld [tilespmem:s17+$0xFFFFFE90]  }
0x178: {  	[tilespmem:$0x1FD60] =	vst v0;
	v0 =	vld [tilespmem:s17+$0x1A0]  }
0x179: {  	v57 =	vmax.f32 v57, v51;
	[tilespmem:$0x1FE60] =	vst v23;
	v23 =	vld [tilespmem:s17+$0xFFFFFE80]  }
0x17a: {  	v2 =	vmax.f32 v2, v22;
	v4 =	vld [tilespmem:s17+$0x340];
	v28 =	vmax.f32 v57, v28  }
0x17b: {  	v46 =	vmax.f32 v2, v19;
	v19 =	vld [tilespmem:s17+$0xFFFFFF80];
	v28 =	vmax.f32 v28, v56  }
0x17c: {  	v29 =	vmax.f32 v39, v29;
	v22 =	vld [tilespmem:s17+$0xFFFFFF10];
	v27 =	vmax.f32 v28, v27  }
0x17d: {  	v29 =	vmax.f32 v29, v30;
	v27 =	vmax.f32 v27, v55;
	[tilespmem:$0x1FDF0] =	vst v0;
	v0 =	vld [tilespmem:s17+$0x1B0]  }
0x17e: {  	v18 =	vld [tilespmem:s17+$0x10];
	v29 =	vmax.f32 v29, v31;
	v23 =	vmax.f32 v27, v23  }
0x17f: {  	v3 =	vld [tilespmem:s17+$0x180];
	v57 =	vmax.f32 v29, v32;
	v21 =	vmax.f32 v23, v21  }
0x180: {  	v12 =	vld [tilespmem:s17+$0xFFFFFFD0];
	v55 =	vmov v4;
	v4 =	vmax.f32 v57, v33;
	v19 =	vmax.f32 v21, v19  }
0x181: {  	v25 =	vld [tilespmem:s17+$0xFFFFFEA0];
	v4 =	vmax.f32 v4, v24;
	v17 =	vmax.f32 v19, v17  }
0x182: {  	v28 =	vmovc v59;
	v59 =	vmov v1;
	v1 =	vmax.f32 v4, v22;
	v15 =	vmax.f32 v17, v15;
	[tilespmem:$0x1FE00] =	vst v0;
	v0 =	vld [tilespmem:s17+$0x1C0]  }
0x183: {  	v7 =	vld [tilespmem:s17+$0x200];
	v1 =	vmax.f32 v1, v20;
	v15 =	vmax.f32 v15, v49  }
0x184: {  	v18 =	vmax.f32 v1, v18;
	v1 =	vmax.f32 v15, v3;
	v3 =	vld [tilespmem:$0x1FCB0]  }
0x185: {  	v26 =	vld [tilespmem:s17+$0xFFFFFEB0]  }
0x186: {  	[tilespmem:$0x1FCF0] =	vst v5;
	v5 =	vld [tilespmem:s17+$0x3A0]  }
0x187: {  	[tilespmem:$0x1FE10] =	vst v0;
	v0 =	vld [tilespmem:s17+$0x120]  }
0x188: {  	[tilespmem:$0x1FCE0] =	vst v8;
	v8 =	vld [tilespmem:s17+$0x210];
	v1 =	vmax.f32 v1, v7  }
0x189: {  	v1 =	vmax.f32 v1, v3;
	v3 =	vld [tilespmem:$0x1FCC0]  }
0x18a: {  	[tilespmem:$0x1FE30] =	vst v12;
	v12 =	vld [tilespmem:s17+$0xFFFFFFE0]  }
0x18b: {  	v2 =	vld [tilespmem:s17+$0x190]  }
0x18c: {  	[tilespmem:$0x1FDC0] =	vst v0;
	v0 =	vld [tilespmem:s17+$0x130]  }
0x18d: {  	v30 =	vld [tilespmem:s17+$0xFFFFFE20]  }
0x18e: {  	v16 =	vmax.f32 v18, v16;
	v1 =	vmax.f32 v1, v3;
	v3 =	vld [tilespmem:$0x1FCD0]  }
0x18f: {  	[tilespmem:$0x1FE40] =	vst v12;
	v12 =	vld [tilespmem:s17+$0xFFFFFF20];
	v16 =	vmax.f32 v16, v50  }
0x190: {  	v31 =	vld [tilespmem:s17+$0xFFFFFE30];
	v2 =	vmax.f32 v16, v2  }
0x191: {  	v2 =	vmax.f32 v2, v8;
	[tilespmem:$0x1FDD0] =	vst v0;
	v0 =	vld [tilespmem:s17+$0x140]  }
0x192: {  	v29 =	vld [tilespmem:s17+$0xFFFFFDA0];
	v2 =	vmax.f32 v2, v53  }
0x193: {  	v2 =	vmax.f32 v2, v3;
	v3 =	vld [tilespmem:$0x1FCE0]  }
0x194: {  	v32 =	vld [tilespmem:s17+$0xFFFFFDB0]  }
0x195: {  	v27 =	vld [tilespmem:s17+$0xFFFFFD20]  }
0x196: {  	[tilespmem:$0x1FDE0] =	vst v0;
	v0 =	vld [tilespmem:s17+$0xA0]  }
0x197: {  	v23 =	vld [tilespmem:s17+$0xFFFFFD30]  }
0x198: {  	v57 =	vmax.f32 v1, v3;
	v1 =	vld [tilespmem:$0x1FCF0]  }
0x199: {  	v18 =	vld [tilespmem:s17+$0xFFFFFC30]  }
0x19a: {  	v17 =	vld [tilespmem:s17+$0xFFFFFC20]  }
0x19b: {  	[tilespmem:$0x1FD90] =	vst v0;
	v0 =	vld [tilespmem:s17+$0xB0]  }
0x19c: {  	v3 =	vld [tilespmem:$0x1FD10]  }
0x19d: {  	v39 =	vmax.f32 v2, v1;
	v2 =	vld [tilespmem:$0x1FD00]  }
0x19e: {  	v21 =	vld [tilespmem:s17+$0xFFFFFCA0]  }
0x19f: {  	v19 =	vld [tilespmem:s17+$0xFFFFFCB0]  }
0x1a0: {  	[tilespmem:$0x1FDA0] =	vst v0;
	v0 =	vld [tilespmem:s17+$0xC0]  }
0x1a1: {  	v15 =	vld [tilespmem:s17+$0xFFFFFC40]  }
0x1a2: {  	v2 =	vmax.f32 v2, v17;
	v17 =	vmax.f32 v3, v18;
	v3 =	vld [tilespmem:$0x1FD30]  }
0x1a3: {  	v16 =	vld [tilespmem:s17+$0xFFFFFDC0]  }
0x1a4: {  	v7 =	vld [tilespmem:s17+$0xFFFFFCC0];
	v2 =	vmax.f32 v2, v21  }
0x1a5: {  	v2 =	vmax.f32 v2, v27;
	[tilespmem:$0x1FDB0] =	vst v0;
	v0 =	vld [tilespmem:s17+$0xFFFFFFA0]  }
0x1a6: {  	v8 =	vld [tilespmem:s17+$0xFFFFFD40];
	v2 =	vmax.f32 v2, v29  }
0x1a7: {  	v2 =	vmax.f32 v2, v30;
	v15 =	vmax.f32 v3, v15;
	v3 =	vld [tilespmem:$0x1FD90]  }
0x1a8: {  	v1 =	vld [tilespmem:s17+$0xFFFFFE40];
	v2 =	vmax.f32 v2, v25  }
0x1a9: {  	v13 =	vld [tilespmem:s17+$0xFFFFFF30];
	v17 =	vmax.f32 v17, v19;
	v2 =	vmax.f32 v2, v12  }
0x1aa: {  	v11 =	vld [tilespmem:s17+$0xFFFFFFB0];
	v17 =	vmax.f32 v17, v23;
	v15 =	vmax.f32 v15, v7;
	v0 =	vmax.f32 v2, v0  }
0x1ab: {  	[tilespmem:$0x1FCA0] =	vst v5;
	v5 =	vld [tilespmem:s17+$0x3B0];
	v17 =	vmax.f32 v17, v32;
	v15 =	vmax.f32 v15, v8;
	v0 =	vmax.f32 v0, v9  }
0x1ac: {  	v15 =	vmax.f32 v15, v16;
	v16 =	vmax.f32 v17, v31;
	v0 =	vmax.f32 v0, v3;
	v3 =	vld [tilespmem:$0x1FDA0]  }
0x1ad: {  	v54 =	vld [tilespmem:s17+$0xFFFFFEC0];
	v1 =	vmax.f32 v15, v1;
	v15 =	vmax.f32 v16, v26  }
0x1ae: {  	v14 =	vld [tilespmem:s17+$0xFFFFFF40];
	v13 =	vmax.f32 v15, v13  }
0x1af: {  	v48 =	vld [tilespmem:s17+$0xFFFFFFC0];
	v2 =	vmax.f32 v13, v11  }
0x1b0: {  	[tilespmem:$0x1FD70] =	vst v5;
	v5 =	vld [tilespmem:s17+$0x40];
	v2 =	vmax.f32 v2, v10  }
0x1b1: {  	v2 =	vmax.f32 v2, v3;
	v3 =	vld [tilespmem:$0x1FDB0]  }
0x1b2: {  	v63 =	vld [tilespmem:s17+$0x230];
	v1 =	vmax.f32 v1, v54  }
0x1b3: {  	v60 =	vld [tilespmem:s17+$0x1D0];
	v1 =	vmax.f32 v1, v14  }
0x1b4: {  	v61 =	vld [tilespmem:s17+$0x1E0];
	v1 =	vmax.f32 v1, v48  }
0x1b5: {  	v37 =	vld [tilespmem:s17+$0x150];
	v1 =	vmax.f32 v1, v5  }
0x1b6: {  	v1 =	vmax.f32 v1, v3;
	v3 =	vld [tilespmem:$0x1FDC0]  }
0x1b7: {  	v42 =	vld [tilespmem:s17+$0xD0]  }
0x1b8: {  	v62 =	vld [tilespmem:s17+$0x50]  }
0x1b9: {  	v44 =	vld [tilespmem:s17+$0x60]  }
0x1ba: {  	v58 =	vld [tilespmem:s17+$0xE0]  }
0x1bb: {  	v0 =	vmax.f32 v0, v3;
	v3 =	vld [tilespmem:$0x1FDD0]  }
0x1bc: {  	v38 =	vld [tilespmem:s17+$0x160]  }
0x1bd: {  	v51 =	vld [tilespmem:s17+$0xFFFFFED0]  }
0x1be: {  	v24 =	vmov v36;
	v36 =	vmov v52;
	v52 =	vld [tilespmem:s17+$0xFFFFFEE0]  }
0x1bf: {  	v4 =	vld [tilespmem:s17+$0xFFFFFC50]  }
0x1c0: {  	v2 =	vmax.f32 v2, v3;
	v3 =	vld [tilespmem:$0x1FDE0]  }
0x1c1: {  	v20 =	vmov v34;
	v34 =	vld [tilespmem:$0x1FCA0]  }
0x1c2: {  	v33 =	vmov v61;
	v61 =	vmov v43;
	v43 =	vmov v35;
	v35 =	vld [tilespmem:$0x1FD70]  }
0x1c3: {  	v50 =	vld [tilespmem:s17+$0xFFFFFD50]  }
0x1c4: {  	v49 =	vld [tilespmem:s17+$0xFFFFFDE0]  }
0x1c5: {  	v5 =	vmax.f32 v1, v3;
	v1 =	vld [tilespmem:$0x1FDF0]  }
0x1c6: {  	v53 =	vld [tilespmem:s17+$0xFFFFFDD0]  }
0x1c7: {  	v18 =	vld [tilespmem:$0x1FD20]  }
0x1c8: {  	v19 =	vld [tilespmem:$0x1FD40]  }
0x1c9: {  	v23 =	vld [tilespmem:$0x1FD50]  }
0x1ca: {  	v0 =	vmax.f32 v0, v1;
	v1 =	vld [tilespmem:$0x1FE00]  }
0x1cb: {  	v30 =	vld [tilespmem:$0x1FD60]  }
0x1cc: {  	v7 =	vld [tilespmem:s17+$0xFFFFFE50]  }
0x1cd: {  	v12 =	vld [tilespmem:s17+$0xFFFFFD60]  }
0x1ce: {  	v8 =	vld [tilespmem:s17+$0xFFFFFE60]  }
0x1cf: {  	p0 =	sne.s32 s18, $0x1;
	v1 =	vmax.f32 v2, v1;
	v2 =	vld [tilespmem:$0x1FE10]  }
.Ltmp13:
0x1d0: {  	v31 =	vmov v60;
	v60 =	vld [tilespmem:$0x1FD80];
	(pc) =	sbr.rel @p0 .LBB2_16-.Ltmp13, $4  }
0x1d1: {  	v11 =	vld [tilespmem:s17+$0xFFFFFCD0]  }
0x1d2: {  	v9 =	vld [tilespmem:s17+$0xFFFFFCE0]  }
0x1d3: {  	v3 =	vld [tilespmem:s17+$0xFFFFFC60]  }
0x1d4: {  	s18 =	sadd.s32 $0xFFFFFFFF, s18;
	v22 =	vmov v6;
	v2 =	vmax.f32 v5, v2;
	v5 =	vld [tilespmem:s17+$0xFFFFFC70]  }
.LBB2_17:
0x1d5: {  	_ = 	snop  }
0x1d6: {  	v4 =	vmax.f32 v43, v4  }
0x1d7: {  	v4 =	vmax.f32 v4, v11;
	v11 =	vld [tilespmem:$0x1FE50]  }
0x1d8: {  	v4 =	vmax.f32 v4, v50  }
0x1d9: {  	v4 =	vmax.f32 v4, v53  }
0x1da: {  	v6 =	vld [tilespmem:$0x1FE20];
	v4 =	vmax.f32 v4, v7  }
0x1db: {  	v3 =	vmax.f32 v46, v3;
	v4 =	vmax.f32 v4, v51  }
0x1dc: {  	v3 =	vmax.f32 v3, v9;
	v4 =	vmax.f32 v4, v11;
	v11 =	vld [tilespmem:$0x1FE60]  }
0x1dd: {  	v10 =	vld [tilespmem:s17+$0xFFFFFD70];
	v3 =	vmax.f32 v3, v12  }
0x1de: {  	v13 =	vld [tilespmem:s17+$0xFFFFFDF0];
	v3 =	vmax.f32 v3, v49  }
0x1df: {  	v2 =	vmax.f32 v2, v6;
	v6 =	vld [tilespmem:s17+$0xFFFFFCF0];
	v3 =	vmax.f32 v3, v8  }
0x1e0: {  	v14 =	vld [tilespmem:s17+$0xFFFFFE70];
	v3 =	vmax.f32 v3, v52  }
0x1e1: {  	v3 =	vmax.f32 v3, v11;
	v11 =	vld [tilespmem:$0x1FE30]  }
0x1e2: {  	v15 =	vld [tilespmem:s17+$0xFFFFFEF0]  }
0x1e3: {  	v5 =	vmax.f32 v47, v5;
	v9 =	vld [tilespmem:s17+$0xFFFFFFF0]  }
0x1e4: {  	v0 =	vmax.f32 v0, v45;
	v5 =	vmax.f32 v5, v6;
	v6 =	vld [tilespmem:s17+$0xFFFFFF70]  }
0x1e5: {  	v1 =	vmax.f32 v1, v63;
	v0 =	vmax.f32 v0, v59;
	v5 =	vmax.f32 v5, v10;
	v10 =	vld [tilespmem:s17+$0x70]  }
0x1e6: {  	v1 =	vmax.f32 v1, v60;
	v5 =	vmax.f32 v5, v13;
	v4 =	vmax.f32 v4, v11;
	v11 =	vld [tilespmem:$0x1FE40]  }
0x1e7: {  	v0 =	vmax.f32 v0, v40;
	v1 =	vmax.f32 v1, v41;
	v7 =	vld [tilespmem:s17+$0xF0];
	v5 =	vmax.f32 v5, v14  }
0x1e8: {  	v0 =	vmax.f32 v0, v34;
	v2 =	vmax.f32 v2, v61;
	v8 =	vld [tilespmem:s17+$0x170];
	v5 =	vmax.f32 v5, v15  }
0x1e9: {  	v1 =	vmax.f32 v1, v35;
	v2 =	vmax.f32 v2, v55;
	v5 =	vmax.f32 v5, v6;
	v6 =	vld [tilespmem:s17+$0x1F0]  }
0x1ea: {  	v12 =	vlaneseq.u32;
	v2 =	vmax.f32 v2, v36;
	v5 =	vmax.f32 v5, v9;
	v9 =	vld [tilespmem:s17+$0x270]  }
0x1eb: {  	v14 =	vimm.s32 $0x0;
	v5 =	vmax.f32 v5, v10;
	v10 =	vld [tilespmem:s17+$0x2F0];
	v3 =	vmax.f32 v3, v11  }
0x1ec: {  	v4 =	vmax.f32 v4, v62;
	v5 =	vmax.f32 v5, v7;
	v3 =	vmax.f32 v3, v44  }
0x1ed: {  	v7 =	vld [tilespmem:s17+$0x370];
	v4 =	vmax.f32 v4, v42;
	v5 =	vmax.f32 v5, v8;
	v3 =	vmax.f32 v3, v58  }
0x1ee: {  	v8 =	vld [tilespmem:s17+$0x3F0];
	v4 =	vmax.f32 v4, v37;
	v5 =	vmax.f32 v5, v6;
	v3 =	vmax.f32 v3, v38  }
.Ltmp14:
0x1ef: {  	v4 =	vmax.f32 v4, v31;
	v5 =	vmax.f32 v5, v9;
	v3 =	vmax.f32 v3, v33;
	(pc) =	sbr.rel .LBB2_18-.Ltmp14, $4  }
0x1f0: {  	v4 =	vmax.f32 v4, v28;
	v5 =	vmax.f32 v5, v10;
	v3 =	vmax.f32 v3, v30  }
0x1f1: {  	v11 =	vimm.f32 $0.0e+00;
	v4 =	vmax.f32 v4, v23;
	v3 =	vmax.f32 v3, v24  }
0x1f2: {  	v5 =	vmax.f32 v5, v7;
	v4 =	vmax.f32 v4, v20;
	v6 =	vmax.f32 v3, v22  }
0x1f3: {  	v13 =	vld [tilespmem:$0x1FFF0];
	v5 =	vmax.f32 v5, v8;
	v3 =	vmax.f32 v4, v18;
	v4 =	vmax.f32 v6, v19  }
.LBB2_20:
0x1f4: {  	_ =	sfence.sel $0x180000  }
0x1f5: {  	[bflag:$0x0] =	sbarrier.arrive $0xFFFF  }
0x1f6: {  	p0 =	sne.s32 s0, $0x0;
	_ =	strace $0x90000047  }
0x1f7: {  	s0 =	sadd.s32 @!p0 $0x100000, s1;
	[bflag:$0x2] =	sbarrier.arrive $0xFFFF  }
0x1f8: {  	[sflag:s0] =	ssyncadd.tile.s32 @!p0 $0x1;
	_ =	shalt  }
.Lfunc_end2:
_tile_overlayer_lowered:
.L_overlay_start_2:
0x1f9: {  	(tag) =	ssettag $0x2  }
0x1fa: {  	s0 =	rddreg [dreg:$0x0];
	s2 =	stileid.u32  }
0x1fb: {  	s1 =	rddreg [dreg:$0x1];
	p0 =	sne.s32 s2, $0x0  }
0x1fc: {  	s3 =	rddreg [dreg:$0x2];
	[bflag:$0x3] =	sbarrier.arrive $0xFFFF;
	s2 =	simm.s32 @!p0 $0x1C02  }
0x1fd: {  	[timem:s3], [sflag:s2] =	dma.local @!p0 [hbm:s0], s1  }
0x1fe: {  	s0 =	simm.s32 @!p0 $0x2  }
0x1ff: {  	_ =	swait.ge @!p0 [sflag:s0], s1  }
0x200: {  	s1 =	ssub.s32 @!p0 $0x0, s1;
	[sflag:s0] =	ssyncset.done @!p0 $0x0  }
0x201: {  	[sflag:s0] =	ssyncadd.s32 @!p0 s1  }
0x202: {  	[bflag:$0x3] =	sbarrier.arrive $0xFFFF  }
0x203: {  	_ =	shalt  }

</sc_bundles>
